<compile_context>
chip_gen: v7x
topology: tpu7x:2x2x1
jax: 0.10.2.dev20260603
libtpu: 0.0.44.dev20260713+nightly
codegen_flags: <defaults>
</compile_context>

<pallas_src>
import jax
import jax.numpy as jnp
from jax import lax
from jax.experimental import pallas as pl
from jax.experimental.pallas import tpu as pltpu
from jax.experimental.pallas import tpu_sc as plsc

N_POINTS = 524288
RES = 16
VPD = 17
N_TAB = VPD * VPD * VPD
F_TAB = 11
F_OUT_G = 4
F_OUT_V = 7

NC = 2
NS = 16
NW = NC * NS
PTS_PER_W = N_POINTS // NW
CHUNK = 2048
N_CHUNKS = PTS_PER_W // CHUNK
N_OUTER = N_CHUNKS // 2
GROUPS = CHUNK // 16


def _rsqrt(x):
    i = lax.bitcast_convert_type(x, jnp.int32)
    i = jnp.int32(0x5F3759DF) - lax.shift_right_logical(i, 1)
    y = lax.bitcast_convert_type(i, jnp.float32)
    for _ in range(3):
        y = y * (1.5 - 0.5 * x * y * y)
    return y


def _sc_body(x_hbm, y_hbm, z_hbm, tab_hbm, go_hbm, vo_hbm, tab_v,
             xb0, xb1, yb0, yb1, zb0, zb1, gob0, gob1, vob0, vob1,
             in_sem0, in_sem1, og_sem0, og_sem1, ov_sem0, ov_sem1):
    wid = lax.axis_index("s") * NC + lax.axis_index("c")
    pltpu.sync_copy(tab_hbm, tab_v)
    lanes = lax.iota(jnp.int32, 16)
    base_w = wid * PTS_PER_W

    xbs = (xb0, xb1)
    ybs = (yb0, yb1)
    zbs = (zb0, zb1)
    gobs = (gob0, gob1)
    vobs = (vob0, vob1)
    in_sems = (in_sem0, in_sem1)
    og_sems = (og_sem0, og_sem1)
    ov_sems = (ov_sem0, ov_sem1)

    def issue_in(b, base):
        pltpu.async_copy(x_hbm.at[pl.ds(base, CHUNK)], xbs[b], in_sems[b])
        pltpu.async_copy(y_hbm.at[pl.ds(base, CHUNK)], ybs[b], in_sems[b])
        pltpu.async_copy(z_hbm.at[pl.ds(base, CHUNK)], zbs[b], in_sems[b])

    def wait_in(b, base):
        pltpu.make_async_copy(x_hbm.at[pl.ds(base, CHUNK)], xbs[b],
                              in_sems[b]).wait()
        pltpu.make_async_copy(y_hbm.at[pl.ds(base, CHUNK)], ybs[b],
                              in_sems[b]).wait()
        pltpu.make_async_copy(z_hbm.at[pl.ds(base, CHUNK)], zbs[b],
                              in_sems[b]).wait()

    for b in (0, 1):
        issue_in(b, base_w + b * CHUNK)

    def group_body_for(xb, yb, zb, gob, vob):
        def group_body(gi, c2):
            s = gi * 16
            rows = s + lanes
            x = xb[pl.ds(s, 16)]
            y = yb[pl.ds(s, 16)]
            z = zb[pl.ds(s, 16)]
            px = x * jnp.float32(RES)
            py = y * jnp.float32(RES)
            pz = z * jnp.float32(RES)
            p0x = px.astype(jnp.int32)
            p0y = py.astype(jnp.int32)
            p0z = pz.astype(jnp.int32)
            fx = px - p0x.astype(jnp.float32)
            fy = py - p0y.astype(jnp.float32)
            fz = pz - p0z.astype(jnp.float32)
            zero = jnp.int32(0)
            hi = jnp.int32(RES)
            cx = (jnp.minimum(jnp.maximum(p0x, zero), hi),
                  jnp.minimum(p0x + 1, hi))
            cyo = (jnp.minimum(jnp.maximum(p0y, zero), hi) * VPD,
                   jnp.minimum(p0y + 1, hi) * VPD)
            czo = (jnp.minimum(jnp.maximum(p0z, zero), hi) * (VPD * VPD),
                   jnp.minimum(p0z + 1, hi) * (VPD * VPD))
            wx = (1.0 - fx, fx)
            wy = (1.0 - fy, fy)
            wz = (1.0 - fz, fz)

            acc = [jnp.zeros((16,), jnp.float32) for _ in range(F_TAB)]
            for dx in (0, 1):
                for dy in (0, 1):
                    wxy = wx[dx] * wy[dy]
                    cxy = cx[dx] + cyo[dy]
                    for dz in (0, 1):
                        w = wxy * wz[dz]
                        fidx = (cxy + czo[dz]) * F_TAB
                        for f in range(F_TAB):
                            t = plsc.load_gather(tab_v, [fidx + f])
                            acc[f] = acc[f] + w * t

            g0 = acc[0] * 50.0 + 0.5
            g1 = acc[1] * 50.0 + 0.5
            g2 = acc[2] * 50.0 + 0.5
            g3 = jnp.maximum(acc[3], 0.001)
            sharp = jnp.minimum(jnp.maximum(acc[4], 0.1), 1.0)
            a0, a1, a2 = acc[5], acc[6], acc[7]
            ss = jnp.maximum(a0 * a0 + a1 * a1 + a2 * a2, 1e-30)
            nrm = ss * _rsqrt(ss)
            den = jnp.maximum(nrm, 1e-6)
            ax0 = a0 / den
            ax1 = a1 / den
            ax2 = a2 / den
            am0 = 1.0 / (1.0 + jnp.exp(-acc[8]))
            am1 = 1.0 / (1.0 + jnp.exp(-acc[9]))
            am2 = 1.0 / (1.0 + jnp.exp(-acc[10]))

            gb = rows * F_OUT_G
            for f, val in enumerate((g0, g1, g2, g3)):
                plsc.store_scatter(gob, [gb + f], val)
            vb = rows * F_OUT_V
            for f, val in enumerate((sharp, ax0, ax1, ax2, am0, am1, am2)):
                plsc.store_scatter(vob, [vb + f], val)
            return c2
        return group_body

    def outer(ci2, carry):
        for b in (0, 1):
            ci = ci2 * 2 + b
            base = base_w + ci * CHUNK
            wait_in(b, base)

            @pl.when(ci2 > 0)
            def _wait_out():
                pb = base - 2 * CHUNK
                pltpu.make_async_copy(
                    gobs[b], go_hbm.at[pl.ds(pb * F_OUT_G, CHUNK * F_OUT_G)],
                    og_sems[b]).wait()
                pltpu.make_async_copy(
                    vobs[b], vo_hbm.at[pl.ds(pb * F_OUT_V, CHUNK * F_OUT_V)],
                    ov_sems[b]).wait()

            lax.fori_loop(
                0, GROUPS,
                group_body_for(xbs[b], ybs[b], zbs[b], gobs[b], vobs[b]), 0)

            pltpu.async_copy(
                gobs[b], go_hbm.at[pl.ds(base * F_OUT_G, CHUNK * F_OUT_G)],
                og_sems[b])
            pltpu.async_copy(
                vobs[b], vo_hbm.at[pl.ds(base * F_OUT_V, CHUNK * F_OUT_V)],
                ov_sems[b])

            @pl.when(ci2 < N_OUTER - 1)
            def _next_in():
                issue_in(b, base + 2 * CHUNK)
        return carry

    lax.fori_loop(0, N_OUTER, outer, 0)

    for b in (0, 1):
        lb = base_w + ((N_OUTER - 1) * 2 + b) * CHUNK
        pltpu.make_async_copy(
            gobs[b], go_hbm.at[pl.ds(lb * F_OUT_G, CHUNK * F_OUT_G)],
            og_sems[b]).wait()
        pltpu.make_async_copy(
            vobs[b], vo_hbm.at[pl.ds(lb * F_OUT_V, CHUNK * F_OUT_V)],
            ov_sems[b]).wait()


@jax.jit
def _run(x, y, z, tab):
    mesh = plsc.VectorSubcoreMesh(core_axis_name="c", subcore_axis_name="s")
    f = pl.kernel(
        _sc_body,
        out_type=(
            jax.ShapeDtypeStruct((N_POINTS * F_OUT_G,), jnp.float32),
            jax.ShapeDtypeStruct((N_POINTS * F_OUT_V,), jnp.float32),
        ),
        mesh=mesh,
        compiler_params=pltpu.CompilerParams(needs_layout_passes=False),
        scratch_types=[
            pltpu.VMEM((N_TAB * F_TAB,), jnp.float32),
            pltpu.VMEM((CHUNK,), jnp.float32),
            pltpu.VMEM((CHUNK,), jnp.float32),
            pltpu.VMEM((CHUNK,), jnp.float32),
            pltpu.VMEM((CHUNK,), jnp.float32),
            pltpu.VMEM((CHUNK,), jnp.float32),
            pltpu.VMEM((CHUNK,), jnp.float32),
            pltpu.VMEM((CHUNK * F_OUT_G,), jnp.float32),
            pltpu.VMEM((CHUNK * F_OUT_G,), jnp.float32),
            pltpu.VMEM((CHUNK * F_OUT_V,), jnp.float32),
            pltpu.VMEM((CHUNK * F_OUT_V,), jnp.float32),
            pltpu.SemaphoreType.DMA,
            pltpu.SemaphoreType.DMA,
            pltpu.SemaphoreType.DMA,
            pltpu.SemaphoreType.DMA,
            pltpu.SemaphoreType.DMA,
            pltpu.SemaphoreType.DMA,
        ],
    )
    return f(x, y, z, tab)


def kernel(input, gaussian_table, vmf_table):
    x = input[:, 0]
    y = input[:, 1]
    z = input[:, 2]
    tab = jnp.concatenate(
        [gaussian_table[:N_TAB, :F_OUT_G], vmf_table[:N_TAB, :F_OUT_V]],
        axis=1).reshape(-1)
    go, vo = _run(x, y, z, tab)
    return (go.reshape(N_POINTS, F_OUT_G), vo.reshape(N_POINTS, F_OUT_V))

# --- scband reference (transcript-rebuilt; emitter-appended) ---
"""Pipeline reference for scband-vapl-grid-64338610094972 (READ-ONLY COPY).

The authoritative reference and input builder live on the scoring server;
editing this copy changes nothing except your own understanding.
"""

import jax, jax.numpy as jnp
import numpy as np
import math

N_POINTS = 524288
BB_MIN = [0.0, 0.0, 0.0]
BB_MAX = [1.0, 1.0, 1.0]
N_LEVELS = 5
BASE_RES = 16
PER_LEVEL_SCALE = 2.0
TABLE_SIZE = 1 << 22
F_G = 4
F_V = 8


def _level_meta():
    metas = []
    offset = 0
    for l in range(N_LEVELS):
        res = int(math.floor(BASE_RES * (PER_LEVEL_SCALE ** l)))
        vpd = res + 1
        dense = vpd ** 3
        hashed = dense > TABLE_SIZE
        size = TABLE_SIZE if hashed else dense
        metas.append((res, vpd, hashed, size, offset))
        offset += size
    return metas, offset

METAS, TOTAL_ENTRIES = _level_meta()


def _hash_encode(X, table, F):
    n = X.shape[0]
    outs = []
    for (res, vpd, hashed, size, off) in METAS:
        pos = X * res
        p0f = jnp.floor(pos)
        frac = pos - p0f
        p0 = p0f.astype(jnp.int32)
        feat = jnp.zeros((n, F), dtype=table.dtype)
        for dx in (0, 1):
            for dy in (0, 1):
                for dz in (0, 1):
                    c = jnp.clip(p0 + jnp.array([dx, dy, dz], dtype=jnp.int32), 0, res)
                    if hashed:
                        h = c[:, 0].astype(jnp.uint32)
                        h = h ^ (c[:, 1].astype(jnp.uint32) * jnp.uint32(2654435761))
                        h = h ^ (c[:, 2].astype(jnp.uint32) * jnp.uint32(805459861))
                        idx = (h % jnp.uint32(size)).astype(jnp.int32)
                    else:
                        idx = c[:, 0] + c[:, 1] * vpd + c[:, 2] * vpd * vpd
                    wx = frac[:, 0] if dx else 1.0 - frac[:, 0]
                    wy = frac[:, 1] if dy else 1.0 - frac[:, 1]
                    wz = frac[:, 2] if dz else 1.0 - frac[:, 2]
                    w = wx * wy * wz
                    feat = feat + w[:, None] * jnp.take(table, idx + off, axis=0)
        outs.append(feat)
    return jnp.concatenate(outs, axis=1)


def _forward(inp, gaussian_table, vmf_table):
    bb_min = jnp.array(BB_MIN, dtype=inp.dtype)
    bb_max = jnp.array(BB_MAX, dtype=inp.dtype)
    X = (inp - bb_min) / (bb_max - bb_min)
    gaussians = _hash_encode(X, gaussian_table, F_G)
    vmf = _hash_encode(X, vmf_table, F_V)
    eps = 0.01
    mean = gaussians[:, :3] / eps * 0.5 + 0.5
    mean = mean * (bb_max - bb_min) + bb_min
    variance = jnp.maximum(jax.nn.relu(gaussians[:, 3]), 0.001)
    sharpness = jnp.clip(vmf[:, 0], 0.1, 1.0)
    nrm = jnp.sqrt(jnp.sum(vmf[:, 1:4] ** 2, axis=1, keepdims=True))
    axis = vmf[:, 1:4] / jnp.maximum(nrm, 1e-06)
    amplitude = jax.nn.sigmoid(vmf[:, 4:7])
    gaussians_out = jnp.concatenate([mean, variance[:, None]], axis=1)
    vmf_out = jnp.concatenate([sharpness[:, None], axis, amplitude], axis=1)
    return (gaussians_out, vmf_out)


def setup_inputs(seed: int = 0):
    key = jax.random.key(seed)
    k1, k2, k3 = jax.random.split(key, 3)
    inp = jax.random.uniform(k1, (N_POINTS, 3), dtype=jnp.float32)
    gaussian_table = jax.random.uniform(k2, (TOTAL_ENTRIES, F_G), minval=-1e-4, maxval=1e-4, dtype=jnp.float32)
    vmf_table = jax.random.uniform(k3, (TOTAL_ENTRIES, F_V), minval=-1e-4, maxval=1e-4, dtype=jnp.float32)
    return {"input": inp, "gaussian_table": gaussian_table, "vmf_table": vmf_table}


def reference(input, gaussian_table, vmf_table):
    return _forward(input, gaussian_table, vmf_table)

if __name__ == "__main__":
    import jax
    _d = setup_inputs()
    print(jax.jit(kernel)(*tuple(_d.values())))

</pallas_src>

<mosaic_0001>
#map = affine_map<(d0, d1) -> (0)>
module attributes {stable_mosaic.version = 14 : i64} {
  func.func @_sc_body(%arg0: i32, %arg1: i32, %arg2: memref<524288xf32, #tpu.memory_space<hbm>>, %arg3: memref<524288xf32, #tpu.memory_space<hbm>>, %arg4: memref<524288xf32, #tpu.memory_space<hbm>>, %arg5: memref<54043xf32, #tpu.memory_space<hbm>>, %arg6: memref<2097152xf32, #tpu.memory_space<hbm>>, %arg7: memref<3670016xf32, #tpu.memory_space<hbm>>, %arg8: memref<54043xf32, #tpu.memory_space<vmem>>, %arg9: memref<2048xf32, #tpu.memory_space<vmem>>, %arg10: memref<2048xf32, #tpu.memory_space<vmem>>, %arg11: memref<2048xf32, #tpu.memory_space<vmem>>, %arg12: memref<2048xf32, #tpu.memory_space<vmem>>, %arg13: memref<2048xf32, #tpu.memory_space<vmem>>, %arg14: memref<2048xf32, #tpu.memory_space<vmem>>, %arg15: memref<8192xf32, #tpu.memory_space<vmem>>, %arg16: memref<8192xf32, #tpu.memory_space<vmem>>, %arg17: memref<14336xf32, #tpu.memory_space<vmem>>, %arg18: memref<14336xf32, #tpu.memory_space<vmem>>, %arg19: memref<!tpu.dma_semaphore, #tpu.memory_space<semaphore_mem>>, %arg20: memref<!tpu.dma_semaphore, #tpu.memory_space<semaphore_mem>>, %arg21: memref<!tpu.dma_semaphore, #tpu.memory_space<semaphore_mem>>, %arg22: memref<!tpu.dma_semaphore, #tpu.memory_space<semaphore_mem>>, %arg23: memref<!tpu.dma_semaphore, #tpu.memory_space<semaphore_mem>>, %arg24: memref<!tpu.dma_semaphore, #tpu.memory_space<semaphore_mem>>) attributes {dimension_semantics = [#tpu.dimension_semantics<core_parallel>, #tpu.dimension_semantics<subcore_parallel>], iteration_bounds = array<i64: 2, 16>, scalar_prefetch = 0 : i64, scratch_operands = 17 : i64, tpu.core_type = #tpu.core_type<sc_vector_subcore>, window_params = [{transform_indices = #map}, {transform_indices = #map}, {transform_indices = #map}, {transform_indices = #map}, {transform_indices = #map}, {transform_indices = #map}]} {
    %mul3A = arith.constant 2 : i32
    %mul3A_0 = arith.muli %arg1, %mul3A : i32
    %add3A = arith.addi %mul3A_0, %arg0 : i32
    "tpu.region"() ({
      %run_scoped3A = tpu.sem_alloc : memref<!tpu.dma_semaphore, #tpu.memory_space<semaphore_mem>>
      tpu.enqueue_dma source(%arg5 : memref<54043xf32, #tpu.memory_space<hbm>>) target(%arg8 : memref<54043xf32, #tpu.memory_space<vmem>>) target_semaphore(%run_scoped3A : memref<!tpu.dma_semaphore, #tpu.memory_space<semaphore_mem>>)
      tpu.wait_dma2 semaphore(%run_scoped3A : memref<!tpu.dma_semaphore, #tpu.memory_space<semaphore_mem>>) src(%arg5 : memref<54043xf32, #tpu.memory_space<hbm>>) dst(%arg8 : memref<54043xf32, #tpu.memory_space<vmem>>)
      tpu.yield
    }) : () -> ()
    %iota3A = tpu.iota {dimensions = array<i32: 0>} : vector<16xi32>
    %mul3A_1 = arith.constant 16384 : i32
    %mul3A_2 = arith.muli %add3A, %mul3A_1 : i32
    %add3A_3 = arith.constant 0 : i32
    %add3A_4 = arith.addi %mul3A_2, %add3A_3 : i32
    %dma_start3A = tpu.memref_slice %arg2[%add3A_4] : memref<524288xf32, #tpu.memory_space<hbm>> -> memref<2048xf32, #tpu.memory_space<hbm>>
    %dma_start3A_5 = tpu.memref_slice %arg2[%add3A_4] : memref<524288xf32, #tpu.memory_space<hbm>> -> memref<2048xf32, #tpu.memory_space<hbm>>
    tpu.enqueue_dma source(%dma_start3A_5 : memref<2048xf32, #tpu.memory_space<hbm>>) target(%arg9 : memref<2048xf32, #tpu.memory_space<vmem>>) target_semaphore(%arg19 : memref<!tpu.dma_semaphore, #tpu.memory_space<semaphore_mem>>)
    %dma_start3A_6 = tpu.memref_slice %arg3[%add3A_4] : memref<524288xf32, #tpu.memory_space<hbm>> -> memref<2048xf32, #tpu.memory_space<hbm>>
    %dma_start3A_7 = tpu.memref_slice %arg3[%add3A_4] : memref<524288xf32, #tpu.memory_space<hbm>> -> memref<2048xf32, #tpu.memory_space<hbm>>
    tpu.enqueue_dma source(%dma_start3A_7 : memref<2048xf32, #tpu.memory_space<hbm>>) target(%arg11 : memref<2048xf32, #tpu.memory_space<vmem>>) target_semaphore(%arg19 : memref<!tpu.dma_semaphore, #tpu.memory_space<semaphore_mem>>)
    %dma_start3A_8 = tpu.memref_slice %arg4[%add3A_4] : memref<524288xf32, #tpu.memory_space<hbm>> -> memref<2048xf32, #tpu.memory_space<hbm>>
    %dma_start3A_9 = tpu.memref_slice %arg4[%add3A_4] : memref<524288xf32, #tpu.memory_space<hbm>> -> memref<2048xf32, #tpu.memory_space<hbm>>
    tpu.enqueue_dma source(%dma_start3A_9 : memref<2048xf32, #tpu.memory_space<hbm>>) target(%arg13 : memref<2048xf32, #tpu.memory_space<vmem>>) target_semaphore(%arg19 : memref<!tpu.dma_semaphore, #tpu.memory_space<semaphore_mem>>)
    %add3A_10 = arith.constant 2048 : i32
    %add3A_11 = arith.addi %mul3A_2, %add3A_10 : i32
    %dma_start3A_12 = tpu.memref_slice %arg2[%add3A_11] : memref<524288xf32, #tpu.memory_space<hbm>> -> memref<2048xf32, #tpu.memory_space<hbm>>
    %dma_start3A_13 = tpu.memref_slice %arg2[%add3A_11] : memref<524288xf32, #tpu.memory_space<hbm>> -> memref<2048xf32, #tpu.memory_space<hbm>>
    tpu.enqueue_dma source(%dma_start3A_13 : memref<2048xf32, #tpu.memory_space<hbm>>) target(%arg10 : memref<2048xf32, #tpu.memory_space<vmem>>) target_semaphore(%arg20 : memref<!tpu.dma_semaphore, #tpu.memory_space<semaphore_mem>>)
    %dma_start3A_14 = tpu.memref_slice %arg3[%add3A_11] : memref<524288xf32, #tpu.memory_space<hbm>> -> memref<2048xf32, #tpu.memory_space<hbm>>
    %dma_start3A_15 = tpu.memref_slice %arg3[%add3A_11] : memref<524288xf32, #tpu.memory_space<hbm>> -> memref<2048xf32, #tpu.memory_space<hbm>>
    tpu.enqueue_dma source(%dma_start3A_15 : memref<2048xf32, #tpu.memory_space<hbm>>) target(%arg12 : memref<2048xf32, #tpu.memory_space<vmem>>) target_semaphore(%arg20 : memref<!tpu.dma_semaphore, #tpu.memory_space<semaphore_mem>>)
    %dma_start3A_16 = tpu.memref_slice %arg4[%add3A_11] : memref<524288xf32, #tpu.memory_space<hbm>> -> memref<2048xf32, #tpu.memory_space<hbm>>
    %dma_start3A_17 = tpu.memref_slice %arg4[%add3A_11] : memref<524288xf32, #tpu.memory_space<hbm>> -> memref<2048xf32, #tpu.memory_space<hbm>>
    tpu.enqueue_dma source(%dma_start3A_17 : memref<2048xf32, #tpu.memory_space<hbm>>) target(%arg14 : memref<2048xf32, #tpu.memory_space<vmem>>) target_semaphore(%arg20 : memref<!tpu.dma_semaphore, #tpu.memory_space<semaphore_mem>>)
    %scan3A = arith.constant 0 : i32
    %scan3A_18 = arith.constant 0 : i32
    %scan3A_19 = arith.constant 4 : i32
    %scan3A_20 = arith.addi %scan3A_18, %scan3A_19 : i32
    %scan3A_21 = arith.constant 1 : i32
    scf.for %scan3A_42 = %scan3A_18 to %scan3A_20 step %scan3A_21  : i32 {
      %mul3A_43 = arith.constant 2 : i32
      %mul3A_44 = arith.muli %scan3A_42, %mul3A_43 : i32
      %add3A_45 = arith.constant 0 : i32
      %add3A_46 = arith.addi %mul3A_44, %add3A_45 : i32
      %mul3A_47 = arith.constant 2048 : i32
      %mul3A_48 = arith.muli %add3A_46, %mul3A_47 : i32
      %add3A_49 = arith.addi %mul3A_2, %mul3A_48 : i32
      %dma_wait3A_50 = tpu.memref_slice %arg2[%add3A_49] : memref<524288xf32, #tpu.memory_space<hbm>> -> memref<2048xf32, #tpu.memory_space<hbm>>
      %dma_wait3A_51 = tpu.memref_slice %arg2[%add3A_49] : memref<524288xf32, #tpu.memory_space<hbm>> -> memref<2048xf32, #tpu.memory_space<hbm>>
      tpu.wait_dma2 semaphore(%arg19 : memref<!tpu.dma_semaphore, #tpu.memory_space<semaphore_mem>>) src(%dma_wait3A_51 : memref<2048xf32, #tpu.memory_space<hbm>>) dst(%arg9 : memref<2048xf32, #tpu.memory_space<vmem>>)
      %dma_wait3A_52 = tpu.memref_slice %arg3[%add3A_49] : memref<524288xf32, #tpu.memory_space<hbm>> -> memref<2048xf32, #tpu.memory_space<hbm>>
      %dma_wait3A_53 = tpu.memref_slice %arg3[%add3A_49] : memref<524288xf32, #tpu.memory_space<hbm>> -> memref<2048xf32, #tpu.memory_space<hbm>>
      tpu.wait_dma2 semaphore(%arg19 : memref<!tpu.dma_semaphore, #tpu.memory_space<semaphore_mem>>) src(%dma_wait3A_53 : memref<2048xf32, #tpu.memory_space<hbm>>) dst(%arg11 : memref<2048xf32, #tpu.memory_space<vmem>>)
      %dma_wait3A_54 = tpu.memref_slice %arg4[%add3A_49] : memref<524288xf32, #tpu.memory_space<hbm>> -> memref<2048xf32, #tpu.memory_space<hbm>>
      %dma_wait3A_55 = tpu.memref_slice %arg4[%add3A_49] : memref<524288xf32, #tpu.memory_space<hbm>> -> memref<2048xf32, #tpu.memory_space<hbm>>
      tpu.wait_dma2 semaphore(%arg19 : memref<!tpu.dma_semaphore, #tpu.memory_space<semaphore_mem>>) src(%dma_wait3A_55 : memref<2048xf32, #tpu.memory_space<hbm>>) dst(%arg13 : memref<2048xf32, #tpu.memory_space<vmem>>)
      %gt3A = arith.constant 0 : i32
      %gt3A_56 = arith.cmpi sgt, %scan3A_42, %gt3A : i32
      %convert_element_type3A = arith.extui %gt3A_56 : i1 to i32
      %cond3A = arith.constant 0 : i32
      %cond3A_57 = arith.cmpi ne, %convert_element_type3A, %cond3A : i32
      scf.if %cond3A_57 {
        %sub3A = arith.constant 4096 : i32
        %sub3A_113 = arith.subi %add3A_49, %sub3A : i32
        %mul3A_114 = arith.constant 4 : i32
        %mul3A_115 = arith.muli %sub3A_113, %mul3A_114 : i32
        %dma_wait3A_116 = tpu.memref_slice %arg6[%mul3A_115] : memref<2097152xf32, #tpu.memory_space<hbm>> -> memref<8192xf32, #tpu.memory_space<hbm>>
        %dma_wait3A_117 = tpu.memref_slice %arg6[%mul3A_115] : memref<2097152xf32, #tpu.memory_space<hbm>> -> memref<8192xf32, #tpu.memory_space<hbm>>
        tpu.wait_dma2 semaphore(%arg21 : memref<!tpu.dma_semaphore, #tpu.memory_space<semaphore_mem>>) src(%arg15 : memref<8192xf32, #tpu.memory_space<vmem>>) dst(%dma_wait3A_117 : memref<8192xf32, #tpu.memory_space<hbm>>)
        %mul3A_118 = arith.constant 7 : i32
        %mul3A_119 = arith.muli %sub3A_113, %mul3A_118 : i32
        %dma_wait3A_120 = tpu.memref_slice %arg7[%mul3A_119] : memref<3670016xf32, #tpu.memory_space<hbm>> -> memref<14336xf32, #tpu.memory_space<hbm>>
        %dma_wait3A_121 = tpu.memref_slice %arg7[%mul3A_119] : memref<3670016xf32, #tpu.memory_space<hbm>> -> memref<14336xf32, #tpu.memory_space<hbm>>
        tpu.wait_dma2 semaphore(%arg23 : memref<!tpu.dma_semaphore, #tpu.memory_space<semaphore_mem>>) src(%arg17 : memref<14336xf32, #tpu.memory_space<vmem>>) dst(%dma_wait3A_121 : memref<14336xf32, #tpu.memory_space<hbm>>)
      } else {
      }
      %scan3A_58 = arith.constant 0 : i32
      %scan3A_59 = arith.constant 0 : i32
      %scan3A_60 = arith.constant 128 : i32
      %scan3A_61 = arith.addi %scan3A_59, %scan3A_60 : i32
      %scan3A_62 = arith.constant 1 : i32
      scf.for %scan3A_113 = %scan3A_59 to %scan3A_61 step %scan3A_62  : i32 {
        %mul3A_114 = arith.constant 16 : i32
        %mul3A_115 = arith.muli %scan3A_113, %mul3A_114 : i32
        %add3A_116 = vector.broadcast %mul3A_115 : i32 to vector<16xi32>
        %add3A_117 = arith.addi %add3A_116, %iota3A : vector<16xi32>
        %get3A = arith.index_cast %mul3A_115 : i32 to index
        %get3A_118 = tpu.vector_load %arg9[%get3A] {strides = array<i32>} : memref<2048xf32, #tpu.memory_space<vmem>>, vector<16xf32>,
        %get3A_119 = arith.index_cast %mul3A_115 : i32 to index
        %get3A_120 = tpu.vector_load %arg11[%get3A_119] {strides = array<i32>} : memref<2048xf32, #tpu.memory_space<vmem>>, vector<16xf32>,
        %get3A_121 = arith.index_cast %mul3A_115 : i32 to index
        %get3A_122 = tpu.vector_load %arg13[%get3A_121] {strides = array<i32>} : memref<2048xf32, #tpu.memory_space<vmem>>, vector<16xf32>,
        %mul3A_123 = arith.constant 1.600000e+01 : f32
        %mul3A_124 = vector.broadcast %mul3A_123 : f32 to vector<16xf32>
        %mul3A_125 = arith.mulf %get3A_118, %mul3A_124 : vector<16xf32>
        %mul3A_126 = arith.constant 1.600000e+01 : f32
        %mul3A_127 = vector.broadcast %mul3A_126 : f32 to vector<16xf32>
        %mul3A_128 = arith.mulf %get3A_120, %mul3A_127 : vector<16xf32>
        %mul3A_129 = arith.constant 1.600000e+01 : f32
        %mul3A_130 = vector.broadcast %mul3A_129 : f32 to vector<16xf32>
        %mul3A_131 = arith.mulf %get3A_122, %mul3A_130 : vector<16xf32>
        %convert_element_type3A_132 = arith.fptosi %mul3A_125 : vector<16xf32> to vector<16xi32>
        %convert_element_type3A_133 = arith.fptosi %mul3A_128 : vector<16xf32> to vector<16xi32>
        %convert_element_type3A_134 = arith.fptosi %mul3A_131 : vector<16xf32> to vector<16xi32>
        %convert_element_type3A_135 = arith.sitofp %convert_element_type3A_132 : vector<16xi32> to vector<16xf32>
        %sub3A = arith.subf %mul3A_125, %convert_element_type3A_135 : vector<16xf32>
        %convert_element_type3A_136 = arith.sitofp %convert_element_type3A_133 : vector<16xi32> to vector<16xf32>
        %sub3A_137 = arith.subf %mul3A_128, %convert_element_type3A_136 : vector<16xf32>
        %convert_element_type3A_138 = arith.sitofp %convert_element_type3A_134 : vector<16xi32> to vector<16xf32>
        %sub3A_139 = arith.subf %mul3A_131, %convert_element_type3A_138 : vector<16xf32>
        %max3A = arith.constant 0 : i32
        %max3A_140 = vector.broadcast %max3A : i32 to vector<16xi32>
        %max3A_141 = arith.maxsi %convert_element_type3A_132, %max3A_140 : vector<16xi32>
        %min3A = arith.constant 16 : i32
        %min3A_142 = vector.broadcast %min3A : i32 to vector<16xi32>
        %min3A_143 = arith.minsi %max3A_141, %min3A_142 : vector<16xi32>
        %add3A_144 = arith.constant 1 : i32
        %add3A_145 = vector.broadcast %add3A_144 : i32 to vector<16xi32>
        %add3A_146 = arith.addi %convert_element_type3A_132, %add3A_145 : vector<16xi32>
        %min3A_147 = arith.constant 16 : i32
        %min3A_148 = vector.broadcast %min3A_147 : i32 to vector<16xi32>
        %min3A_149 = arith.minsi %add3A_146, %min3A_148 : vector<16xi32>
        %max3A_150 = arith.constant 0 : i32
        %max3A_151 = vector.broadcast %max3A_150 : i32 to vector<16xi32>
        %max3A_152 = arith.maxsi %convert_element_type3A_133, %max3A_151 : vector<16xi32>
        %min3A_153 = arith.constant 16 : i32
        %min3A_154 = vector.broadcast %min3A_153 : i32 to vector<16xi32>
        %min3A_155 = arith.minsi %max3A_152, %min3A_154 : vector<16xi32>
        %mul3A_156 = arith.constant 17 : i32
        %mul3A_157 = vector.broadcast %mul3A_156 : i32 to vector<16xi32>
        %mul3A_158 = arith.muli %min3A_155, %mul3A_157 : vector<16xi32>
        %add3A_159 = arith.constant 1 : i32
        %add3A_160 = vector.broadcast %add3A_159 : i32 to vector<16xi32>
        %add3A_161 = arith.addi %convert_element_type3A_133, %add3A_160 : vector<16xi32>
        %min3A_162 = arith.constant 16 : i32
        %min3A_163 = vector.broadcast %min3A_162 : i32 to vector<16xi32>
        %min3A_164 = arith.minsi %add3A_161, %min3A_163 : vector<16xi32>
        %mul3A_165 = arith.constant 17 : i32
        %mul3A_166 = vector.broadcast %mul3A_165 : i32 to vector<16xi32>
        %mul3A_167 = arith.muli %min3A_164, %mul3A_166 : vector<16xi32>
        %max3A_168 = arith.constant 0 : i32
        %max3A_169 = vector.broadcast %max3A_168 : i32 to vector<16xi32>
        %max3A_170 = arith.maxsi %convert_element_type3A_134, %max3A_169 : vector<16xi32>
        %min3A_171 = arith.constant 16 : i32
        %min3A_172 = vector.broadcast %min3A_171 : i32 to vector<16xi32>
        %min3A_173 = arith.minsi %max3A_170, %min3A_172 : vector<16xi32>
        %mul3A_174 = arith.constant 289 : i32
        %mul3A_175 = vector.broadcast %mul3A_174 : i32 to vector<16xi32>
        %mul3A_176 = arith.muli %min3A_173, %mul3A_175 : vector<16xi32>
        %add3A_177 = arith.constant 1 : i32
        %add3A_178 = vector.broadcast %add3A_177 : i32 to vector<16xi32>
        %add3A_179 = arith.addi %convert_element_type3A_134, %add3A_178 : vector<16xi32>
        %min3A_180 = arith.constant 16 : i32
        %min3A_181 = vector.broadcast %min3A_180 : i32 to vector<16xi32>
        %min3A_182 = arith.minsi %add3A_179, %min3A_181 : vector<16xi32>
        %mul3A_183 = arith.constant 289 : i32
        %mul3A_184 = vector.broadcast %mul3A_183 : i32 to vector<16xi32>
        %mul3A_185 = arith.muli %min3A_182, %mul3A_184 : vector<16xi32>
        %sub3A_186 = arith.constant 1.000000e+00 : f32
        %sub3A_187 = vector.broadcast %sub3A_186 : f32 to vector<16xf32>
        %sub3A_188 = arith.subf %sub3A_187, %sub3A : vector<16xf32>
        %sub3A_189 = arith.constant 1.000000e+00 : f32
        %sub3A_190 = vector.broadcast %sub3A_189 : f32 to vector<16xf32>
        %sub3A_191 = arith.subf %sub3A_190, %sub3A_137 : vector<16xf32>
        %sub3A_192 = arith.constant 1.000000e+00 : f32
        %sub3A_193 = vector.broadcast %sub3A_192 : f32 to vector<16xf32>
        %sub3A_194 = arith.subf %sub3A_193, %sub3A_139 : vector<16xf32>
        %broadcast_in_dim3A = arith.constant 0.000000e+00 : f32
        %broadcast_in_dim3A_195 = vector.broadcast %broadcast_in_dim3A : f32 to vector<16xf32>
        %broadcast_in_dim3A_196 = arith.constant 0.000000e+00 : f32
        %broadcast_in_dim3A_197 = vector.broadcast %broadcast_in_dim3A_196 : f32 to vector<16xf32>
        %broadcast_in_dim3A_198 = arith.constant 0.000000e+00 : f32
        %broadcast_in_dim3A_199 = vector.broadcast %broadcast_in_dim3A_198 : f32 to vector<16xf32>
        %broadcast_in_dim3A_200 = arith.constant 0.000000e+00 : f32
        %broadcast_in_dim3A_201 = vector.broadcast %broadcast_in_dim3A_200 : f32 to vector<16xf32>
        %broadcast_in_dim3A_202 = arith.constant 0.000000e+00 : f32
        %broadcast_in_dim3A_203 = vector.broadcast %broadcast_in_dim3A_202 : f32 to vector<16xf32>
        %broadcast_in_dim3A_204 = arith.constant 0.000000e+00 : f32
        %broadcast_in_dim3A_205 = vector.broadcast %broadcast_in_dim3A_204 : f32 to vector<16xf32>
        %broadcast_in_dim3A_206 = arith.constant 0.000000e+00 : f32
        %broadcast_in_dim3A_207 = vector.broadcast %broadcast_in_dim3A_206 : f32 to vector<16xf32>
        %broadcast_in_dim3A_208 = arith.constant 0.000000e+00 : f32
        %broadcast_in_dim3A_209 = vector.broadcast %broadcast_in_dim3A_208 : f32 to vector<16xf32>
        %broadcast_in_dim3A_210 = arith.constant 0.000000e+00 : f32
        %broadcast_in_dim3A_211 = vector.broadcast %broadcast_in_dim3A_210 : f32 to vector<16xf32>
        %broadcast_in_dim3A_212 = arith.constant 0.000000e+00 : f32
        %broadcast_in_dim3A_213 = vector.broadcast %broadcast_in_dim3A_212 : f32 to vector<16xf32>
        %broadcast_in_dim3A_214 = arith.constant 0.000000e+00 : f32
        %broadcast_in_dim3A_215 = vector.broadcast %broadcast_in_dim3A_214 : f32 to vector<16xf32>
        %mul3A_216 = arith.mulf %sub3A_188, %sub3A_191 : vector<16xf32>
        %add3A_217 = arith.addi %min3A_143, %mul3A_158 : vector<16xi32>
        %mul3A_218 = arith.mulf %mul3A_216, %sub3A_194 : vector<16xf32>
        %add3A_219 = arith.addi %add3A_217, %mul3A_176 : vector<16xi32>
        %mul3A_220 = arith.constant 11 : i32
        %mul3A_221 = vector.broadcast %mul3A_220 : i32 to vector<16xi32>
        %mul3A_222 = arith.muli %add3A_219, %mul3A_221 : vector<16xi32>
        %add3A_223 = arith.constant 0 : i32
        %add3A_224 = vector.broadcast %add3A_223 : i32 to vector<16xi32>
        %add3A_225 = arith.addi %mul3A_222, %add3A_224 : vector<16xi32>
        %gather3A = tpu.vector_load_idx %arg8[%add3A_225] : memref<54043xf32, #tpu.memory_space<vmem>>[vector<16xi32>], vector<16xf32>,
        %mul3A_226 = arith.mulf %mul3A_218, %gather3A : vector<16xf32>
        %add3A_227 = arith.addf %broadcast_in_dim3A_195, %mul3A_226 : vector<16xf32>
        %add3A_228 = arith.constant 1 : i32
        %add3A_229 = vector.broadcast %add3A_228 : i32 to vector<16xi32>
        %add3A_230 = arith.addi %mul3A_222, %add3A_229 : vector<16xi32>
        %gather3A_231 = tpu.vector_load_idx %arg8[%add3A_230] : memref<54043xf32, #tpu.memory_space<vmem>>[vector<16xi32>], vector<16xf32>,
        %mul3A_232 = arith.mulf %mul3A_218, %gather3A_231 : vector<16xf32>
        %add3A_233 = arith.addf %broadcast_in_dim3A_197, %mul3A_232 : vector<16xf32>
        %add3A_234 = arith.constant 2 : i32
        %add3A_235 = vector.broadcast %add3A_234 : i32 to vector<16xi32>
        %add3A_236 = arith.addi %mul3A_222, %add3A_235 : vector<16xi32>
        %gather3A_237 = tpu.vector_load_idx %arg8[%add3A_236] : memref<54043xf32, #tpu.memory_space<vmem>>[vector<16xi32>], vector<16xf32>,
        %mul3A_238 = arith.mulf %mul3A_218, %gather3A_237 : vector<16xf32>
        %add3A_239 = arith.addf %broadcast_in_dim3A_199, %mul3A_238 : vector<16xf32>
        %add3A_240 = arith.constant 3 : i32
        %add3A_241 = vector.broadcast %add3A_240 : i32 to vector<16xi32>
        %add3A_242 = arith.addi %mul3A_222, %add3A_241 : vector<16xi32>
        %gather3A_243 = tpu.vector_load_idx %arg8[%add3A_242] : memref<54043xf32, #tpu.memory_space<vmem>>[vector<16xi32>], vector<16xf32>,
        %mul3A_244 = arith.mulf %mul3A_218, %gather3A_243 : vector<16xf32>
        %add3A_245 = arith.addf %broadcast_in_dim3A_201, %mul3A_244 : vector<16xf32>
        %add3A_246 = arith.constant 4 : i32
        %add3A_247 = vector.broadcast %add3A_246 : i32 to vector<16xi32>
        %add3A_248 = arith.addi %mul3A_222, %add3A_247 : vector<16xi32>
        %gather3A_249 = tpu.vector_load_idx %arg8[%add3A_248] : memref<54043xf32, #tpu.memory_space<vmem>>[vector<16xi32>], vector<16xf32>,
        %mul3A_250 = arith.mulf %mul3A_218, %gather3A_249 : vector<16xf32>
        %add3A_251 = arith.addf %broadcast_in_dim3A_203, %mul3A_250 : vector<16xf32>
        %add3A_252 = arith.constant 5 : i32
        %add3A_253 = vector.broadcast %add3A_252 : i32 to vector<16xi32>
        %add3A_254 = arith.addi %mul3A_222, %add3A_253 : vector<16xi32>
        %gather3A_255 = tpu.vector_load_idx %arg8[%add3A_254] : memref<54043xf32, #tpu.memory_space<vmem>>[vector<16xi32>], vector<16xf32>,
        %mul3A_256 = arith.mulf %mul3A_218, %gather3A_255 : vector<16xf32>
        %add3A_257 = arith.addf %broadcast_in_dim3A_205, %mul3A_256 : vector<16xf32>
        %add3A_258 = arith.constant 6 : i32
        %add3A_259 = vector.broadcast %add3A_258 : i32 to vector<16xi32>
        %add3A_260 = arith.addi %mul3A_222, %add3A_259 : vector<16xi32>
        %gather3A_261 = tpu.vector_load_idx %arg8[%add3A_260] : memref<54043xf32, #tpu.memory_space<vmem>>[vector<16xi32>], vector<16xf32>,
        %mul3A_262 = arith.mulf %mul3A_218, %gather3A_261 : vector<16xf32>
        %add3A_263 = arith.addf %broadcast_in_dim3A_207, %mul3A_262 : vector<16xf32>
        %add3A_264 = arith.constant 7 : i32
        %add3A_265 = vector.broadcast %add3A_264 : i32 to vector<16xi32>
        %add3A_266 = arith.addi %mul3A_222, %add3A_265 : vector<16xi32>
        %gather3A_267 = tpu.vector_load_idx %arg8[%add3A_266] : memref<54043xf32, #tpu.memory_space<vmem>>[vector<16xi32>], vector<16xf32>,
        %mul3A_268 = arith.mulf %mul3A_218, %gather3A_267 : vector<16xf32>
        %add3A_269 = arith.addf %broadcast_in_dim3A_209, %mul3A_268 : vector<16xf32>
        %add3A_270 = arith.constant 8 : i32
        %add3A_271 = vector.broadcast %add3A_270 : i32 to vector<16xi32>
        %add3A_272 = arith.addi %mul3A_222, %add3A_271 : vector<16xi32>
        %gather3A_273 = tpu.vector_load_idx %arg8[%add3A_272] : memref<54043xf32, #tpu.memory_space<vmem>>[vector<16xi32>], vector<16xf32>,
        %mul3A_274 = arith.mulf %mul3A_218, %gather3A_273 : vector<16xf32>
        %add3A_275 = arith.addf %broadcast_in_dim3A_211, %mul3A_274 : vector<16xf32>
        %add3A_276 = arith.constant 9 : i32
        %add3A_277 = vector.broadcast %add3A_276 : i32 to vector<16xi32>
        %add3A_278 = arith.addi %mul3A_222, %add3A_277 : vector<16xi32>
        %gather3A_279 = tpu.vector_load_idx %arg8[%add3A_278] : memref<54043xf32, #tpu.memory_space<vmem>>[vector<16xi32>], vector<16xf32>,
        %mul3A_280 = arith.mulf %mul3A_218, %gather3A_279 : vector<16xf32>
        %add3A_281 = arith.addf %broadcast_in_dim3A_213, %mul3A_280 : vector<16xf32>
        %add3A_282 = arith.constant 10 : i32
        %add3A_283 = vector.broadcast %add3A_282 : i32 to vector<16xi32>
        %add3A_284 = arith.addi %mul3A_222, %add3A_283 : vector<16xi32>
        %gather3A_285 = tpu.vector_load_idx %arg8[%add3A_284] : memref<54043xf32, #tpu.memory_space<vmem>>[vector<16xi32>], vector<16xf32>,
        %mul3A_286 = arith.mulf %mul3A_218, %gather3A_285 : vector<16xf32>
        %add3A_287 = arith.addf %broadcast_in_dim3A_215, %mul3A_286 : vector<16xf32>
        %mul3A_288 = arith.mulf %mul3A_216, %sub3A_139 : vector<16xf32>
        %add3A_289 = arith.addi %add3A_217, %mul3A_185 : vector<16xi32>
        %mul3A_290 = arith.constant 11 : i32
        %mul3A_291 = vector.broadcast %mul3A_290 : i32 to vector<16xi32>
        %mul3A_292 = arith.muli %add3A_289, %mul3A_291 : vector<16xi32>
        %add3A_293 = arith.constant 0 : i32
        %add3A_294 = vector.broadcast %add3A_293 : i32 to vector<16xi32>
        %add3A_295 = arith.addi %mul3A_292, %add3A_294 : vector<16xi32>
        %gather3A_296 = tpu.vector_load_idx %arg8[%add3A_295] : memref<54043xf32, #tpu.memory_space<vmem>>[vector<16xi32>], vector<16xf32>,
        %mul3A_297 = arith.mulf %mul3A_288, %gather3A_296 : vector<16xf32>
        %add3A_298 = arith.addf %add3A_227, %mul3A_297 : vector<16xf32>
        %add3A_299 = arith.constant 1 : i32
        %add3A_300 = vector.broadcast %add3A_299 : i32 to vector<16xi32>
        %add3A_301 = arith.addi %mul3A_292, %add3A_300 : vector<16xi32>
        %gather3A_302 = tpu.vector_load_idx %arg8[%add3A_301] : memref<54043xf32, #tpu.memory_space<vmem>>[vector<16xi32>], vector<16xf32>,
        %mul3A_303 = arith.mulf %mul3A_288, %gather3A_302 : vector<16xf32>
        %add3A_304 = arith.addf %add3A_233, %mul3A_303 : vector<16xf32>
        %add3A_305 = arith.constant 2 : i32
        %add3A_306 = vector.broadcast %add3A_305 : i32 to vector<16xi32>
        %add3A_307 = arith.addi %mul3A_292, %add3A_306 : vector<16xi32>
        %gather3A_308 = tpu.vector_load_idx %arg8[%add3A_307] : memref<54043xf32, #tpu.memory_space<vmem>>[vector<16xi32>], vector<16xf32>,
        %mul3A_309 = arith.mulf %mul3A_288, %gather3A_308 : vector<16xf32>
        %add3A_310 = arith.addf %add3A_239, %mul3A_309 : vector<16xf32>
        %add3A_311 = arith.constant 3 : i32
        %add3A_312 = vector.broadcast %add3A_311 : i32 to vector<16xi32>
        %add3A_313 = arith.addi %mul3A_292, %add3A_312 : vector<16xi32>
        %gather3A_314 = tpu.vector_load_idx %arg8[%add3A_313] : memref<54043xf32, #tpu.memory_space<vmem>>[vector<16xi32>], vector<16xf32>,
        %mul3A_315 = arith.mulf %mul3A_288, %gather3A_314 : vector<16xf32>
        %add3A_316 = arith.addf %add3A_245, %mul3A_315 : vector<16xf32>
        %add3A_317 = arith.constant 4 : i32
        %add3A_318 = vector.broadcast %add3A_317 : i32 to vector<16xi32>
        %add3A_319 = arith.addi %mul3A_292, %add3A_318 : vector<16xi32>
        %gather3A_320 = tpu.vector_load_idx %arg8[%add3A_319] : memref<54043xf32, #tpu.memory_space<vmem>>[vector<16xi32>], vector<16xf32>,
        %mul3A_321 = arith.mulf %mul3A_288, %gather3A_320 : vector<16xf32>
        %add3A_322 = arith.addf %add3A_251, %mul3A_321 : vector<16xf32>
        %add3A_323 = arith.constant 5 : i32
        %add3A_324 = vector.broadcast %add3A_323 : i32 to vector<16xi32>
        %add3A_325 = arith.addi %mul3A_292, %add3A_324 : vector<16xi32>
        %gather3A_326 = tpu.vector_load_idx %arg8[%add3A_325] : memref<54043xf32, #tpu.memory_space<vmem>>[vector<16xi32>], vector<16xf32>,
        %mul3A_327 = arith.mulf %mul3A_288, %gather3A_326 : vector<16xf32>
        %add3A_328 = arith.addf %add3A_257, %mul3A_327 : vector<16xf32>
        %add3A_329 = arith.constant 6 : i32
        %add3A_330 = vector.broadcast %add3A_329 : i32 to vector<16xi32>
        %add3A_331 = arith.addi %mul3A_292, %add3A_330 : vector<16xi32>
        %gather3A_332 = tpu.vector_load_idx %arg8[%add3A_331] : memref<54043xf32, #tpu.memory_space<vmem>>[vector<16xi32>], vector<16xf32>,
        %mul3A_333 = arith.mulf %mul3A_288, %gather3A_332 : vector<16xf32>
        %add3A_334 = arith.addf %add3A_263, %mul3A_333 : vector<16xf32>
        %add3A_335 = arith.constant 7 : i32
        %add3A_336 = vector.broadcast %add3A_335 : i32 to vector<16xi32>
        %add3A_337 = arith.addi %mul3A_292, %add3A_336 : vector<16xi32>
        %gather3A_338 = tpu.vector_load_idx %arg8[%add3A_337] : memref<54043xf32, #tpu.memory_space<vmem>>[vector<16xi32>], vector<16xf32>,
        %mul3A_339 = arith.mulf %mul3A_288, %gather3A_338 : vector<16xf32>
        %add3A_340 = arith.addf %add3A_269, %mul3A_339 : vector<16xf32>
        %add3A_341 = arith.constant 8 : i32
        %add3A_342 = vector.broadcast %add3A_341 : i32 to vector<16xi32>
        %add3A_343 = arith.addi %mul3A_292, %add3A_342 : vector<16xi32>
        %gather3A_344 = tpu.vector_load_idx %arg8[%add3A_343] : memref<54043xf32, #tpu.memory_space<vmem>>[vector<16xi32>], vector<16xf32>,
        %mul3A_345 = arith.mulf %mul3A_288, %gather3A_344 : vector<16xf32>
        %add3A_346 = arith.addf %add3A_275, %mul3A_345 : vector<16xf32>
        %add3A_347 = arith.constant 9 : i32
        %add3A_348 = vector.broadcast %add3A_347 : i32 to vector<16xi32>
        %add3A_349 = arith.addi %mul3A_292, %add3A_348 : vector<16xi32>
        %gather3A_350 = tpu.vector_load_idx %arg8[%add3A_349] : memref<54043xf32, #tpu.memory_space<vmem>>[vector<16xi32>], vector<16xf32>,
        %mul3A_351 = arith.mulf %mul3A_288, %gather3A_350 : vector<16xf32>
        %add3A_352 = arith.addf %add3A_281, %mul3A_351 : vector<16xf32>
        %add3A_353 = arith.constant 10 : i32
        %add3A_354 = vector.broadcast %add3A_353 : i32 to vector<16xi32>
        %add3A_355 = arith.addi %mul3A_292, %add3A_354 : vector<16xi32>
        %gather3A_356 = tpu.vector_load_idx %arg8[%add3A_355] : memref<54043xf32, #tpu.memory_space<vmem>>[vector<16xi32>], vector<16xf32>,
        %mul3A_357 = arith.mulf %mul3A_288, %gather3A_356 : vector<16xf32>
        %add3A_358 = arith.addf %add3A_287, %mul3A_357 : vector<16xf32>
        %mul3A_359 = arith.mulf %sub3A_188, %sub3A_137 : vector<16xf32>
        %add3A_360 = arith.addi %min3A_143, %mul3A_167 : vector<16xi32>
        %mul3A_361 = arith.mulf %mul3A_359, %sub3A_194 : vector<16xf32>
        %add3A_362 = arith.addi %add3A_360, %mul3A_176 : vector<16xi32>
        %mul3A_363 = arith.constant 11 : i32
        %mul3A_364 = vector.broadcast %mul3A_363 : i32 to vector<16xi32>
        %mul3A_365 = arith.muli %add3A_362, %mul3A_364 : vector<16xi32>
        %add3A_366 = arith.constant 0 : i32
        %add3A_367 = vector.broadcast %add3A_366 : i32 to vector<16xi32>
        %add3A_368 = arith.addi %mul3A_365, %add3A_367 : vector<16xi32>
        %gather3A_369 = tpu.vector_load_idx %arg8[%add3A_368] : memref<54043xf32, #tpu.memory_space<vmem>>[vector<16xi32>], vector<16xf32>,
        %mul3A_370 = arith.mulf %mul3A_361, %gather3A_369 : vector<16xf32>
        %add3A_371 = arith.addf %add3A_298, %mul3A_370 : vector<16xf32>
        %add3A_372 = arith.constant 1 : i32
        %add3A_373 = vector.broadcast %add3A_372 : i32 to vector<16xi32>
        %add3A_374 = arith.addi %mul3A_365, %add3A_373 : vector<16xi32>
        %gather3A_375 = tpu.vector_load_idx %arg8[%add3A_374] : memref<54043xf32, #tpu.memory_space<vmem>>[vector<16xi32>], vector<16xf32>,
        %mul3A_376 = arith.mulf %mul3A_361, %gather3A_375 : vector<16xf32>
        %add3A_377 = arith.addf %add3A_304, %mul3A_376 : vector<16xf32>
        %add3A_378 = arith.constant 2 : i32
        %add3A_379 = vector.broadcast %add3A_378 : i32 to vector<16xi32>
        %add3A_380 = arith.addi %mul3A_365, %add3A_379 : vector<16xi32>
        %gather3A_381 = tpu.vector_load_idx %arg8[%add3A_380] : memref<54043xf32, #tpu.memory_space<vmem>>[vector<16xi32>], vector<16xf32>,
        %mul3A_382 = arith.mulf %mul3A_361, %gather3A_381 : vector<16xf32>
        %add3A_383 = arith.addf %add3A_310, %mul3A_382 : vector<16xf32>
        %add3A_384 = arith.constant 3 : i32
        %add3A_385 = vector.broadcast %add3A_384 : i32 to vector<16xi32>
        %add3A_386 = arith.addi %mul3A_365, %add3A_385 : vector<16xi32>
        %gather3A_387 = tpu.vector_load_idx %arg8[%add3A_386] : memref<54043xf32, #tpu.memory_space<vmem>>[vector<16xi32>], vector<16xf32>,
        %mul3A_388 = arith.mulf %mul3A_361, %gather3A_387 : vector<16xf32>
        %add3A_389 = arith.addf %add3A_316, %mul3A_388 : vector<16xf32>
        %add3A_390 = arith.constant 4 : i32
        %add3A_391 = vector.broadcast %add3A_390 : i32 to vector<16xi32>
        %add3A_392 = arith.addi %mul3A_365, %add3A_391 : vector<16xi32>
        %gather3A_393 = tpu.vector_load_idx %arg8[%add3A_392] : memref<54043xf32, #tpu.memory_space<vmem>>[vector<16xi32>], vector<16xf32>,
        %mul3A_394 = arith.mulf %mul3A_361, %gather3A_393 : vector<16xf32>
        %add3A_395 = arith.addf %add3A_322, %mul3A_394 : vector<16xf32>
        %add3A_396 = arith.constant 5 : i32
        %add3A_397 = vector.broadcast %add3A_396 : i32 to vector<16xi32>
        %add3A_398 = arith.addi %mul3A_365, %add3A_397 : vector<16xi32>
        %gather3A_399 = tpu.vector_load_idx %arg8[%add3A_398] : memref<54043xf32, #tpu.memory_space<vmem>>[vector<16xi32>], vector<16xf32>,
        %mul3A_400 = arith.mulf %mul3A_361, %gather3A_399 : vector<16xf32>
        %add3A_401 = arith.addf %add3A_328, %mul3A_400 : vector<16xf32>
        %add3A_402 = arith.constant 6 : i32
        %add3A_403 = vector.broadcast %add3A_402 : i32 to vector<16xi32>
        %add3A_404 = arith.addi %mul3A_365, %add3A_403 : vector<16xi32>
        %gather3A_405 = tpu.vector_load_idx %arg8[%add3A_404] : memref<54043xf32, #tpu.memory_space<vmem>>[vector<16xi32>], vector<16xf32>,
        %mul3A_406 = arith.mulf %mul3A_361, %gather3A_405 : vector<16xf32>
        %add3A_407 = arith.addf %add3A_334, %mul3A_406 : vector<16xf32>
        %add3A_408 = arith.constant 7 : i32
        %add3A_409 = vector.broadcast %add3A_408 : i32 to vector<16xi32>
        %add3A_410 = arith.addi %mul3A_365, %add3A_409 : vector<16xi32>
        %gather3A_411 = tpu.vector_load_idx %arg8[%add3A_410] : memref<54043xf32, #tpu.memory_space<vmem>>[vector<16xi32>], vector<16xf32>,
        %mul3A_412 = arith.mulf %mul3A_361, %gather3A_411 : vector<16xf32>
        %add3A_413 = arith.addf %add3A_340, %mul3A_412 : vector<16xf32>
        %add3A_414 = arith.constant 8 : i32
        %add3A_415 = vector.broadcast %add3A_414 : i32 to vector<16xi32>
        %add3A_416 = arith.addi %mul3A_365, %add3A_415 : vector<16xi32>
        %gather3A_417 = tpu.vector_load_idx %arg8[%add3A_416] : memref<54043xf32, #tpu.memory_space<vmem>>[vector<16xi32>], vector<16xf32>,
        %mul3A_418 = arith.mulf %mul3A_361, %gather3A_417 : vector<16xf32>
        %add3A_419 = arith.addf %add3A_346, %mul3A_418 : vector<16xf32>
        %add3A_420 = arith.constant 9 : i32
        %add3A_421 = vector.broadcast %add3A_420 : i32 to vector<16xi32>
        %add3A_422 = arith.addi %mul3A_365, %add3A_421 : vector<16xi32>
        %gather3A_423 = tpu.vector_load_idx %arg8[%add3A_422] : memref<54043xf32, #tpu.memory_space<vmem>>[vector<16xi32>], vector<16xf32>,
        %mul3A_424 = arith.mulf %mul3A_361, %gather3A_423 : vector<16xf32>
        %add3A_425 = arith.addf %add3A_352, %mul3A_424 : vector<16xf32>
        %add3A_426 = arith.constant 10 : i32
        %add3A_427 = vector.broadcast %add3A_426 : i32 to vector<16xi32>
        %add3A_428 = arith.addi %mul3A_365, %add3A_427 : vector<16xi32>
        %gather3A_429 = tpu.vector_load_idx %arg8[%add3A_428] : memref<54043xf32, #tpu.memory_space<vmem>>[vector<16xi32>], vector<16xf32>,
        %mul3A_430 = arith.mulf %mul3A_361, %gather3A_429 : vector<16xf32>
        %add3A_431 = arith.addf %add3A_358, %mul3A_430 : vector<16xf32>
        %mul3A_432 = arith.mulf %mul3A_359, %sub3A_139 : vector<16xf32>
        %add3A_433 = arith.addi %add3A_360, %mul3A_185 : vector<16xi32>
        %mul3A_434 = arith.constant 11 : i32
        %mul3A_435 = vector.broadcast %mul3A_434 : i32 to vector<16xi32>
        %mul3A_436 = arith.muli %add3A_433, %mul3A_435 : vector<16xi32>
        %add3A_437 = arith.constant 0 : i32
        %add3A_438 = vector.broadcast %add3A_437 : i32 to vector<16xi32>
        %add3A_439 = arith.addi %mul3A_436, %add3A_438 : vector<16xi32>
        %gather3A_440 = tpu.vector_load_idx %arg8[%add3A_439] : memref<54043xf32, #tpu.memory_space<vmem>>[vector<16xi32>], vector<16xf32>,
        %mul3A_441 = arith.mulf %mul3A_432, %gather3A_440 : vector<16xf32>
        %add3A_442 = arith.addf %add3A_371, %mul3A_441 : vector<16xf32>
        %add3A_443 = arith.constant 1 : i32
        %add3A_444 = vector.broadcast %add3A_443 : i32 to vector<16xi32>
        %add3A_445 = arith.addi %mul3A_436, %add3A_444 : vector<16xi32>
        %gather3A_446 = tpu.vector_load_idx %arg8[%add3A_445] : memref<54043xf32, #tpu.memory_space<vmem>>[vector<16xi32>], vector<16xf32>,
        %mul3A_447 = arith.mulf %mul3A_432, %gather3A_446 : vector<16xf32>
        %add3A_448 = arith.addf %add3A_377, %mul3A_447 : vector<16xf32>
        %add3A_449 = arith.constant 2 : i32
        %add3A_450 = vector.broadcast %add3A_449 : i32 to vector<16xi32>
        %add3A_451 = arith.addi %mul3A_436, %add3A_450 : vector<16xi32>
        %gather3A_452 = tpu.vector_load_idx %arg8[%add3A_451] : memref<54043xf32, #tpu.memory_space<vmem>>[vector<16xi32>], vector<16xf32>,
        %mul3A_453 = arith.mulf %mul3A_432, %gather3A_452 : vector<16xf32>
        %add3A_454 = arith.addf %add3A_383, %mul3A_453 : vector<16xf32>
        %add3A_455 = arith.constant 3 : i32
        %add3A_456 = vector.broadcast %add3A_455 : i32 to vector<16xi32>
        %add3A_457 = arith.addi %mul3A_436, %add3A_456 : vector<16xi32>
        %gather3A_458 = tpu.vector_load_idx %arg8[%add3A_457] : memref<54043xf32, #tpu.memory_space<vmem>>[vector<16xi32>], vector<16xf32>,
        %mul3A_459 = arith.mulf %mul3A_432, %gather3A_458 : vector<16xf32>
        %add3A_460 = arith.addf %add3A_389, %mul3A_459 : vector<16xf32>
        %add3A_461 = arith.constant 4 : i32
        %add3A_462 = vector.broadcast %add3A_461 : i32 to vector<16xi32>
        %add3A_463 = arith.addi %mul3A_436, %add3A_462 : vector<16xi32>
        %gather3A_464 = tpu.vector_load_idx %arg8[%add3A_463] : memref<54043xf32, #tpu.memory_space<vmem>>[vector<16xi32>], vector<16xf32>,
        %mul3A_465 = arith.mulf %mul3A_432, %gather3A_464 : vector<16xf32>
        %add3A_466 = arith.addf %add3A_395, %mul3A_465 : vector<16xf32>
        %add3A_467 = arith.constant 5 : i32
        %add3A_468 = vector.broadcast %add3A_467 : i32 to vector<16xi32>
        %add3A_469 = arith.addi %mul3A_436, %add3A_468 : vector<16xi32>
        %gather3A_470 = tpu.vector_load_idx %arg8[%add3A_469] : memref<54043xf32, #tpu.memory_space<vmem>>[vector<16xi32>], vector<16xf32>,
        %mul3A_471 = arith.mulf %mul3A_432, %gather3A_470 : vector<16xf32>
        %add3A_472 = arith.addf %add3A_401, %mul3A_471 : vector<16xf32>
        %add3A_473 = arith.constant 6 : i32
        %add3A_474 = vector.broadcast %add3A_473 : i32 to vector<16xi32>
        %add3A_475 = arith.addi %mul3A_436, %add3A_474 : vector<16xi32>
        %gather3A_476 = tpu.vector_load_idx %arg8[%add3A_475] : memref<54043xf32, #tpu.memory_space<vmem>>[vector<16xi32>], vector<16xf32>,
        %mul3A_477 = arith.mulf %mul3A_432, %gather3A_476 : vector<16xf32>
        %add3A_478 = arith.addf %add3A_407, %mul3A_477 : vector<16xf32>
        %add3A_479 = arith.constant 7 : i32
        %add3A_480 = vector.broadcast %add3A_479 : i32 to vector<16xi32>
        %add3A_481 = arith.addi %mul3A_436, %add3A_480 : vector<16xi32>
        %gather3A_482 = tpu.vector_load_idx %arg8[%add3A_481] : memref<54043xf32, #tpu.memory_space<vmem>>[vector<16xi32>], vector<16xf32>,
        %mul3A_483 = arith.mulf %mul3A_432, %gather3A_482 : vector<16xf32>
        %add3A_484 = arith.addf %add3A_413, %mul3A_483 : vector<16xf32>
        %add3A_485 = arith.constant 8 : i32
        %add3A_486 = vector.broadcast %add3A_485 : i32 to vector<16xi32>
        %add3A_487 = arith.addi %mul3A_436, %add3A_486 : vector<16xi32>
        %gather3A_488 = tpu.vector_load_idx %arg8[%add3A_487] : memref<54043xf32, #tpu.memory_space<vmem>>[vector<16xi32>], vector<16xf32>,
        %mul3A_489 = arith.mulf %mul3A_432, %gather3A_488 : vector<16xf32>
        %add3A_490 = arith.addf %add3A_419, %mul3A_489 : vector<16xf32>
        %add3A_491 = arith.constant 9 : i32
        %add3A_492 = vector.broadcast %add3A_491 : i32 to vector<16xi32>
        %add3A_493 = arith.addi %mul3A_436, %add3A_492 : vector<16xi32>
        %gather3A_494 = tpu.vector_load_idx %arg8[%add3A_493] : memref<54043xf32, #tpu.memory_space<vmem>>[vector<16xi32>], vector<16xf32>,
        %mul3A_495 = arith.mulf %mul3A_432, %gather3A_494 : vector<16xf32>
        %add3A_496 = arith.addf %add3A_425, %mul3A_495 : vector<16xf32>
        %add3A_497 = arith.constant 10 : i32
        %add3A_498 = vector.broadcast %add3A_497 : i32 to vector<16xi32>
        %add3A_499 = arith.addi %mul3A_436, %add3A_498 : vector<16xi32>
        %gather3A_500 = tpu.vector_load_idx %arg8[%add3A_499] : memref<54043xf32, #tpu.memory_space<vmem>>[vector<16xi32>], vector<16xf32>,
        %mul3A_501 = arith.mulf %mul3A_432, %gather3A_500 : vector<16xf32>
        %add3A_502 = arith.addf %add3A_431, %mul3A_501 : vector<16xf32>
        %mul3A_503 = arith.mulf %sub3A, %sub3A_191 : vector<16xf32>
        %add3A_504 = arith.addi %min3A_149, %mul3A_158 : vector<16xi32>
        %mul3A_505 = arith.mulf %mul3A_503, %sub3A_194 : vector<16xf32>
        %add3A_506 = arith.addi %add3A_504, %mul3A_176 : vector<16xi32>
        %mul3A_507 = arith.constant 11 : i32
        %mul3A_508 = vector.broadcast %mul3A_507 : i32 to vector<16xi32>
        %mul3A_509 = arith.muli %add3A_506, %mul3A_508 : vector<16xi32>
        %add3A_510 = arith.constant 0 : i32
        %add3A_511 = vector.broadcast %add3A_510 : i32 to vector<16xi32>
        %add3A_512 = arith.addi %mul3A_509, %add3A_511 : vector<16xi32>
        %gather3A_513 = tpu.vector_load_idx %arg8[%add3A_512] : memref<54043xf32, #tpu.memory_space<vmem>>[vector<16xi32>], vector<16xf32>,
        %mul3A_514 = arith.mulf %mul3A_505, %gather3A_513 : vector<16xf32>
        %add3A_515 = arith.addf %add3A_442, %mul3A_514 : vector<16xf32>
        %add3A_516 = arith.constant 1 : i32
        %add3A_517 = vector.broadcast %add3A_516 : i32 to vector<16xi32>
        %add3A_518 = arith.addi %mul3A_509, %add3A_517 : vector<16xi32>
        %gather3A_519 = tpu.vector_load_idx %arg8[%add3A_518] : memref<54043xf32, #tpu.memory_space<vmem>>[vector<16xi32>], vector<16xf32>,
        %mul3A_520 = arith.mulf %mul3A_505, %gather3A_519 : vector<16xf32>
        %add3A_521 = arith.addf %add3A_448, %mul3A_520 : vector<16xf32>
        %add3A_522 = arith.constant 2 : i32
        %add3A_523 = vector.broadcast %add3A_522 : i32 to vector<16xi32>
        %add3A_524 = arith.addi %mul3A_509, %add3A_523 : vector<16xi32>
        %gather3A_525 = tpu.vector_load_idx %arg8[%add3A_524] : memref<54043xf32, #tpu.memory_space<vmem>>[vector<16xi32>], vector<16xf32>,
        %mul3A_526 = arith.mulf %mul3A_505, %gather3A_525 : vector<16xf32>
        %add3A_527 = arith.addf %add3A_454, %mul3A_526 : vector<16xf32>
        %add3A_528 = arith.constant 3 : i32
        %add3A_529 = vector.broadcast %add3A_528 : i32 to vector<16xi32>
        %add3A_530 = arith.addi %mul3A_509, %add3A_529 : vector<16xi32>
        %gather3A_531 = tpu.vector_load_idx %arg8[%add3A_530] : memref<54043xf32, #tpu.memory_space<vmem>>[vector<16xi32>], vector<16xf32>,
        %mul3A_532 = arith.mulf %mul3A_505, %gather3A_531 : vector<16xf32>
        %add3A_533 = arith.addf %add3A_460, %mul3A_532 : vector<16xf32>
        %add3A_534 = arith.constant 4 : i32
        %add3A_535 = vector.broadcast %add3A_534 : i32 to vector<16xi32>
        %add3A_536 = arith.addi %mul3A_509, %add3A_535 : vector<16xi32>
        %gather3A_537 = tpu.vector_load_idx %arg8[%add3A_536] : memref<54043xf32, #tpu.memory_space<vmem>>[vector<16xi32>], vector<16xf32>,
        %mul3A_538 = arith.mulf %mul3A_505, %gather3A_537 : vector<16xf32>
        %add3A_539 = arith.addf %add3A_466, %mul3A_538 : vector<16xf32>
        %add3A_540 = arith.constant 5 : i32
        %add3A_541 = vector.broadcast %add3A_540 : i32 to vector<16xi32>
        %add3A_542 = arith.addi %mul3A_509, %add3A_541 : vector<16xi32>
        %gather3A_543 = tpu.vector_load_idx %arg8[%add3A_542] : memref<54043xf32, #tpu.memory_space<vmem>>[vector<16xi32>], vector<16xf32>,
        %mul3A_544 = arith.mulf %mul3A_505, %gather3A_543 : vector<16xf32>
        %add3A_545 = arith.addf %add3A_472, %mul3A_544 : vector<16xf32>
        %add3A_546 = arith.constant 6 : i32
        %add3A_547 = vector.broadcast %add3A_546 : i32 to vector<16xi32>
        %add3A_548 = arith.addi %mul3A_509, %add3A_547 : vector<16xi32>
        %gather3A_549 = tpu.vector_load_idx %arg8[%add3A_548] : memref<54043xf32, #tpu.memory_space<vmem>>[vector<16xi32>], vector<16xf32>,
        %mul3A_550 = arith.mulf %mul3A_505, %gather3A_549 : vector<16xf32>
        %add3A_551 = arith.addf %add3A_478, %mul3A_550 : vector<16xf32>
        %add3A_552 = arith.constant 7 : i32
        %add3A_553 = vector.broadcast %add3A_552 : i32 to vector<16xi32>
        %add3A_554 = arith.addi %mul3A_509, %add3A_553 : vector<16xi32>
        %gather3A_555 = tpu.vector_load_idx %arg8[%add3A_554] : memref<54043xf32, #tpu.memory_space<vmem>>[vector<16xi32>], vector<16xf32>,
        %mul3A_556 = arith.mulf %mul3A_505, %gather3A_555 : vector<16xf32>
        %add3A_557 = arith.addf %add3A_484, %mul3A_556 : vector<16xf32>
        %add3A_558 = arith.constant 8 : i32
        %add3A_559 = vector.broadcast %add3A_558 : i32 to vector<16xi32>
        %add3A_560 = arith.addi %mul3A_509, %add3A_559 : vector<16xi32>
        %gather3A_561 = tpu.vector_load_idx %arg8[%add3A_560] : memref<54043xf32, #tpu.memory_space<vmem>>[vector<16xi32>], vector<16xf32>,
        %mul3A_562 = arith.mulf %mul3A_505, %gather3A_561 : vector<16xf32>
        %add3A_563 = arith.addf %add3A_490, %mul3A_562 : vector<16xf32>
        %add3A_564 = arith.constant 9 : i32
        %add3A_565 = vector.broadcast %add3A_564 : i32 to vector<16xi32>
        %add3A_566 = arith.addi %mul3A_509, %add3A_565 : vector<16xi32>
        %gather3A_567 = tpu.vector_load_idx %arg8[%add3A_566] : memref<54043xf32, #tpu.memory_space<vmem>>[vector<16xi32>], vector<16xf32>,
        %mul3A_568 = arith.mulf %mul3A_505, %gather3A_567 : vector<16xf32>
        %add3A_569 = arith.addf %add3A_496, %mul3A_568 : vector<16xf32>
        %add3A_570 = arith.constant 10 : i32
        %add3A_571 = vector.broadcast %add3A_570 : i32 to vector<16xi32>
        %add3A_572 = arith.addi %mul3A_509, %add3A_571 : vector<16xi32>
        %gather3A_573 = tpu.vector_load_idx %arg8[%add3A_572] : memref<54043xf32, #tpu.memory_space<vmem>>[vector<16xi32>], vector<16xf32>,
        %mul3A_574 = arith.mulf %mul3A_505, %gather3A_573 : vector<16xf32>
        %add3A_575 = arith.addf %add3A_502, %mul3A_574 : vector<16xf32>
        %mul3A_576 = arith.mulf %mul3A_503, %sub3A_139 : vector<16xf32>
        %add3A_577 = arith.addi %add3A_504, %mul3A_185 : vector<16xi32>
        %mul3A_578 = arith.constant 11 : i32
        %mul3A_579 = vector.broadcast %mul3A_578 : i32 to vector<16xi32>
        %mul3A_580 = arith.muli %add3A_577, %mul3A_579 : vector<16xi32>
        %add3A_581 = arith.constant 0 : i32
        %add3A_582 = vector.broadcast %add3A_581 : i32 to vector<16xi32>
        %add3A_583 = arith.addi %mul3A_580, %add3A_582 : vector<16xi32>
        %gather3A_584 = tpu.vector_load_idx %arg8[%add3A_583] : memref<54043xf32, #tpu.memory_space<vmem>>[vector<16xi32>], vector<16xf32>,
        %mul3A_585 = arith.mulf %mul3A_576, %gather3A_584 : vector<16xf32>
        %add3A_586 = arith.addf %add3A_515, %mul3A_585 : vector<16xf32>
        %add3A_587 = arith.constant 1 : i32
        %add3A_588 = vector.broadcast %add3A_587 : i32 to vector<16xi32>
        %add3A_589 = arith.addi %mul3A_580, %add3A_588 : vector<16xi32>
        %gather3A_590 = tpu.vector_load_idx %arg8[%add3A_589] : memref<54043xf32, #tpu.memory_space<vmem>>[vector<16xi32>], vector<16xf32>,
        %mul3A_591 = arith.mulf %mul3A_576, %gather3A_590 : vector<16xf32>
        %add3A_592 = arith.addf %add3A_521, %mul3A_591 : vector<16xf32>
        %add3A_593 = arith.constant 2 : i32
        %add3A_594 = vector.broadcast %add3A_593 : i32 to vector<16xi32>
        %add3A_595 = arith.addi %mul3A_580, %add3A_594 : vector<16xi32>
        %gather3A_596 = tpu.vector_load_idx %arg8[%add3A_595] : memref<54043xf32, #tpu.memory_space<vmem>>[vector<16xi32>], vector<16xf32>,
        %mul3A_597 = arith.mulf %mul3A_576, %gather3A_596 : vector<16xf32>
        %add3A_598 = arith.addf %add3A_527, %mul3A_597 : vector<16xf32>
        %add3A_599 = arith.constant 3 : i32
        %add3A_600 = vector.broadcast %add3A_599 : i32 to vector<16xi32>
        %add3A_601 = arith.addi %mul3A_580, %add3A_600 : vector<16xi32>
        %gather3A_602 = tpu.vector_load_idx %arg8[%add3A_601] : memref<54043xf32, #tpu.memory_space<vmem>>[vector<16xi32>], vector<16xf32>,
        %mul3A_603 = arith.mulf %mul3A_576, %gather3A_602 : vector<16xf32>
        %add3A_604 = arith.addf %add3A_533, %mul3A_603 : vector<16xf32>
        %add3A_605 = arith.constant 4 : i32
        %add3A_606 = vector.broadcast %add3A_605 : i32 to vector<16xi32>
        %add3A_607 = arith.addi %mul3A_580, %add3A_606 : vector<16xi32>
        %gather3A_608 = tpu.vector_load_idx %arg8[%add3A_607] : memref<54043xf32, #tpu.memory_space<vmem>>[vector<16xi32>], vector<16xf32>,
        %mul3A_609 = arith.mulf %mul3A_576, %gather3A_608 : vector<16xf32>
        %add3A_610 = arith.addf %add3A_539, %mul3A_609 : vector<16xf32>
        %add3A_611 = arith.constant 5 : i32
        %add3A_612 = vector.broadcast %add3A_611 : i32 to vector<16xi32>
        %add3A_613 = arith.addi %mul3A_580, %add3A_612 : vector<16xi32>
        %gather3A_614 = tpu.vector_load_idx %arg8[%add3A_613] : memref<54043xf32, #tpu.memory_space<vmem>>[vector<16xi32>], vector<16xf32>,
        %mul3A_615 = arith.mulf %mul3A_576, %gather3A_614 : vector<16xf32>
        %add3A_616 = arith.addf %add3A_545, %mul3A_615 : vector<16xf32>
        %add3A_617 = arith.constant 6 : i32
        %add3A_618 = vector.broadcast %add3A_617 : i32 to vector<16xi32>
        %add3A_619 = arith.addi %mul3A_580, %add3A_618 : vector<16xi32>
        %gather3A_620 = tpu.vector_load_idx %arg8[%add3A_619] : memref<54043xf32, #tpu.memory_space<vmem>>[vector<16xi32>], vector<16xf32>,
        %mul3A_621 = arith.mulf %mul3A_576, %gather3A_620 : vector<16xf32>
        %add3A_622 = arith.addf %add3A_551, %mul3A_621 : vector<16xf32>
        %add3A_623 = arith.constant 7 : i32
        %add3A_624 = vector.broadcast %add3A_623 : i32 to vector<16xi32>
        %add3A_625 = arith.addi %mul3A_580, %add3A_624 : vector<16xi32>
        %gather3A_626 = tpu.vector_load_idx %arg8[%add3A_625] : memref<54043xf32, #tpu.memory_space<vmem>>[vector<16xi32>], vector<16xf32>,
        %mul3A_627 = arith.mulf %mul3A_576, %gather3A_626 : vector<16xf32>
        %add3A_628 = arith.addf %add3A_557, %mul3A_627 : vector<16xf32>
        %add3A_629 = arith.constant 8 : i32
        %add3A_630 = vector.broadcast %add3A_629 : i32 to vector<16xi32>
        %add3A_631 = arith.addi %mul3A_580, %add3A_630 : vector<16xi32>
        %gather3A_632 = tpu.vector_load_idx %arg8[%add3A_631] : memref<54043xf32, #tpu.memory_space<vmem>>[vector<16xi32>], vector<16xf32>,
        %mul3A_633 = arith.mulf %mul3A_576, %gather3A_632 : vector<16xf32>
        %add3A_634 = arith.addf %add3A_563, %mul3A_633 : vector<16xf32>
        %add3A_635 = arith.constant 9 : i32
        %add3A_636 = vector.broadcast %add3A_635 : i32 to vector<16xi32>
        %add3A_637 = arith.addi %mul3A_580, %add3A_636 : vector<16xi32>
        %gather3A_638 = tpu.vector_load_idx %arg8[%add3A_637] : memref<54043xf32, #tpu.memory_space<vmem>>[vector<16xi32>], vector<16xf32>,
        %mul3A_639 = arith.mulf %mul3A_576, %gather3A_638 : vector<16xf32>
        %add3A_640 = arith.addf %add3A_569, %mul3A_639 : vector<16xf32>
        %add3A_641 = arith.constant 10 : i32
        %add3A_642 = vector.broadcast %add3A_641 : i32 to vector<16xi32>
        %add3A_643 = arith.addi %mul3A_580, %add3A_642 : vector<16xi32>
        %gather3A_644 = tpu.vector_load_idx %arg8[%add3A_643] : memref<54043xf32, #tpu.memory_space<vmem>>[vector<16xi32>], vector<16xf32>,
        %mul3A_645 = arith.mulf %mul3A_576, %gather3A_644 : vector<16xf32>
        %add3A_646 = arith.addf %add3A_575, %mul3A_645 : vector<16xf32>
        %mul3A_647 = arith.mulf %sub3A, %sub3A_137 : vector<16xf32>
        %add3A_648 = arith.addi %min3A_149, %mul3A_167 : vector<16xi32>
        %mul3A_649 = arith.mulf %mul3A_647, %sub3A_194 : vector<16xf32>
        %add3A_650 = arith.addi %add3A_648, %mul3A_176 : vector<16xi32>
        %mul3A_651 = arith.constant 11 : i32
        %mul3A_652 = vector.broadcast %mul3A_651 : i32 to vector<16xi32>
        %mul3A_653 = arith.muli %add3A_650, %mul3A_652 : vector<16xi32>
        %add3A_654 = arith.constant 0 : i32
        %add3A_655 = vector.broadcast %add3A_654 : i32 to vector<16xi32>
        %add3A_656 = arith.addi %mul3A_653, %add3A_655 : vector<16xi32>
        %gather3A_657 = tpu.vector_load_idx %arg8[%add3A_656] : memref<54043xf32, #tpu.memory_space<vmem>>[vector<16xi32>], vector<16xf32>,
        %mul3A_658 = arith.mulf %mul3A_649, %gather3A_657 : vector<16xf32>
        %add3A_659 = arith.addf %add3A_586, %mul3A_658 : vector<16xf32>
        %add3A_660 = arith.constant 1 : i32
        %add3A_661 = vector.broadcast %add3A_660 : i32 to vector<16xi32>
        %add3A_662 = arith.addi %mul3A_653, %add3A_661 : vector<16xi32>
        %gather3A_663 = tpu.vector_load_idx %arg8[%add3A_662] : memref<54043xf32, #tpu.memory_space<vmem>>[vector<16xi32>], vector<16xf32>,
        %mul3A_664 = arith.mulf %mul3A_649, %gather3A_663 : vector<16xf32>
        %add3A_665 = arith.addf %add3A_592, %mul3A_664 : vector<16xf32>
        %add3A_666 = arith.constant 2 : i32
        %add3A_667 = vector.broadcast %add3A_666 : i32 to vector<16xi32>
        %add3A_668 = arith.addi %mul3A_653, %add3A_667 : vector<16xi32>
        %gather3A_669 = tpu.vector_load_idx %arg8[%add3A_668] : memref<54043xf32, #tpu.memory_space<vmem>>[vector<16xi32>], vector<16xf32>,
        %mul3A_670 = arith.mulf %mul3A_649, %gather3A_669 : vector<16xf32>
        %add3A_671 = arith.addf %add3A_598, %mul3A_670 : vector<16xf32>
        %add3A_672 = arith.constant 3 : i32
        %add3A_673 = vector.broadcast %add3A_672 : i32 to vector<16xi32>
        %add3A_674 = arith.addi %mul3A_653, %add3A_673 : vector<16xi32>
        %gather3A_675 = tpu.vector_load_idx %arg8[%add3A_674] : memref<54043xf32, #tpu.memory_space<vmem>>[vector<16xi32>], vector<16xf32>,
        %mul3A_676 = arith.mulf %mul3A_649, %gather3A_675 : vector<16xf32>
        %add3A_677 = arith.addf %add3A_604, %mul3A_676 : vector<16xf32>
        %add3A_678 = arith.constant 4 : i32
        %add3A_679 = vector.broadcast %add3A_678 : i32 to vector<16xi32>
        %add3A_680 = arith.addi %mul3A_653, %add3A_679 : vector<16xi32>
        %gather3A_681 = tpu.vector_load_idx %arg8[%add3A_680] : memref<54043xf32, #tpu.memory_space<vmem>>[vector<16xi32>], vector<16xf32>,
        %mul3A_682 = arith.mulf %mul3A_649, %gather3A_681 : vector<16xf32>
        %add3A_683 = arith.addf %add3A_610, %mul3A_682 : vector<16xf32>
        %add3A_684 = arith.constant 5 : i32
        %add3A_685 = vector.broadcast %add3A_684 : i32 to vector<16xi32>
        %add3A_686 = arith.addi %mul3A_653, %add3A_685 : vector<16xi32>
        %gather3A_687 = tpu.vector_load_idx %arg8[%add3A_686] : memref<54043xf32, #tpu.memory_space<vmem>>[vector<16xi32>], vector<16xf32>,
        %mul3A_688 = arith.mulf %mul3A_649, %gather3A_687 : vector<16xf32>
        %add3A_689 = arith.addf %add3A_616, %mul3A_688 : vector<16xf32>
        %add3A_690 = arith.constant 6 : i32
        %add3A_691 = vector.broadcast %add3A_690 : i32 to vector<16xi32>
        %add3A_692 = arith.addi %mul3A_653, %add3A_691 : vector<16xi32>
        %gather3A_693 = tpu.vector_load_idx %arg8[%add3A_692] : memref<54043xf32, #tpu.memory_space<vmem>>[vector<16xi32>], vector<16xf32>,
        %mul3A_694 = arith.mulf %mul3A_649, %gather3A_693 : vector<16xf32>
        %add3A_695 = arith.addf %add3A_622, %mul3A_694 : vector<16xf32>
        %add3A_696 = arith.constant 7 : i32
        %add3A_697 = vector.broadcast %add3A_696 : i32 to vector<16xi32>
        %add3A_698 = arith.addi %mul3A_653, %add3A_697 : vector<16xi32>
        %gather3A_699 = tpu.vector_load_idx %arg8[%add3A_698] : memref<54043xf32, #tpu.memory_space<vmem>>[vector<16xi32>], vector<16xf32>,
        %mul3A_700 = arith.mulf %mul3A_649, %gather3A_699 : vector<16xf32>
        %add3A_701 = arith.addf %add3A_628, %mul3A_700 : vector<16xf32>
        %add3A_702 = arith.constant 8 : i32
        %add3A_703 = vector.broadcast %add3A_702 : i32 to vector<16xi32>
        %add3A_704 = arith.addi %mul3A_653, %add3A_703 : vector<16xi32>
        %gather3A_705 = tpu.vector_load_idx %arg8[%add3A_704] : memref<54043xf32, #tpu.memory_space<vmem>>[vector<16xi32>], vector<16xf32>,
        %mul3A_706 = arith.mulf %mul3A_649, %gather3A_705 : vector<16xf32>
        %add3A_707 = arith.addf %add3A_634, %mul3A_706 : vector<16xf32>
        %add3A_708 = arith.constant 9 : i32
        %add3A_709 = vector.broadcast %add3A_708 : i32 to vector<16xi32>
        %add3A_710 = arith.addi %mul3A_653, %add3A_709 : vector<16xi32>
        %gather3A_711 = tpu.vector_load_idx %arg8[%add3A_710] : memref<54043xf32, #tpu.memory_space<vmem>>[vector<16xi32>], vector<16xf32>,
        %mul3A_712 = arith.mulf %mul3A_649, %gather3A_711 : vector<16xf32>
        %add3A_713 = arith.addf %add3A_640, %mul3A_712 : vector<16xf32>
        %add3A_714 = arith.constant 10 : i32
        %add3A_715 = vector.broadcast %add3A_714 : i32 to vector<16xi32>
        %add3A_716 = arith.addi %mul3A_653, %add3A_715 : vector<16xi32>
        %gather3A_717 = tpu.vector_load_idx %arg8[%add3A_716] : memref<54043xf32, #tpu.memory_space<vmem>>[vector<16xi32>], vector<16xf32>,
        %mul3A_718 = arith.mulf %mul3A_649, %gather3A_717 : vector<16xf32>
        %add3A_719 = arith.addf %add3A_646, %mul3A_718 : vector<16xf32>
        %mul3A_720 = arith.mulf %mul3A_647, %sub3A_139 : vector<16xf32>
        %add3A_721 = arith.addi %add3A_648, %mul3A_185 : vector<16xi32>
        %mul3A_722 = arith.constant 11 : i32
        %mul3A_723 = vector.broadcast %mul3A_722 : i32 to vector<16xi32>
        %mul3A_724 = arith.muli %add3A_721, %mul3A_723 : vector<16xi32>
        %add3A_725 = arith.constant 0 : i32
        %add3A_726 = vector.broadcast %add3A_725 : i32 to vector<16xi32>
        %add3A_727 = arith.addi %mul3A_724, %add3A_726 : vector<16xi32>
        %gather3A_728 = tpu.vector_load_idx %arg8[%add3A_727] : memref<54043xf32, #tpu.memory_space<vmem>>[vector<16xi32>], vector<16xf32>,
        %mul3A_729 = arith.mulf %mul3A_720, %gather3A_728 : vector<16xf32>
        %add3A_730 = arith.addf %add3A_659, %mul3A_729 : vector<16xf32>
        %add3A_731 = arith.constant 1 : i32
        %add3A_732 = vector.broadcast %add3A_731 : i32 to vector<16xi32>
        %add3A_733 = arith.addi %mul3A_724, %add3A_732 : vector<16xi32>
        %gather3A_734 = tpu.vector_load_idx %arg8[%add3A_733] : memref<54043xf32, #tpu.memory_space<vmem>>[vector<16xi32>], vector<16xf32>,
        %mul3A_735 = arith.mulf %mul3A_720, %gather3A_734 : vector<16xf32>
        %add3A_736 = arith.addf %add3A_665, %mul3A_735 : vector<16xf32>
        %add3A_737 = arith.constant 2 : i32
        %add3A_738 = vector.broadcast %add3A_737 : i32 to vector<16xi32>
        %add3A_739 = arith.addi %mul3A_724, %add3A_738 : vector<16xi32>
        %gather3A_740 = tpu.vector_load_idx %arg8[%add3A_739] : memref<54043xf32, #tpu.memory_space<vmem>>[vector<16xi32>], vector<16xf32>,
        %mul3A_741 = arith.mulf %mul3A_720, %gather3A_740 : vector<16xf32>
        %add3A_742 = arith.addf %add3A_671, %mul3A_741 : vector<16xf32>
        %add3A_743 = arith.constant 3 : i32
        %add3A_744 = vector.broadcast %add3A_743 : i32 to vector<16xi32>
        %add3A_745 = arith.addi %mul3A_724, %add3A_744 : vector<16xi32>
        %gather3A_746 = tpu.vector_load_idx %arg8[%add3A_745] : memref<54043xf32, #tpu.memory_space<vmem>>[vector<16xi32>], vector<16xf32>,
        %mul3A_747 = arith.mulf %mul3A_720, %gather3A_746 : vector<16xf32>
        %add3A_748 = arith.addf %add3A_677, %mul3A_747 : vector<16xf32>
        %add3A_749 = arith.constant 4 : i32
        %add3A_750 = vector.broadcast %add3A_749 : i32 to vector<16xi32>
        %add3A_751 = arith.addi %mul3A_724, %add3A_750 : vector<16xi32>
        %gather3A_752 = tpu.vector_load_idx %arg8[%add3A_751] : memref<54043xf32, #tpu.memory_space<vmem>>[vector<16xi32>], vector<16xf32>,
        %mul3A_753 = arith.mulf %mul3A_720, %gather3A_752 : vector<16xf32>
        %add3A_754 = arith.addf %add3A_683, %mul3A_753 : vector<16xf32>
        %add3A_755 = arith.constant 5 : i32
        %add3A_756 = vector.broadcast %add3A_755 : i32 to vector<16xi32>
        %add3A_757 = arith.addi %mul3A_724, %add3A_756 : vector<16xi32>
        %gather3A_758 = tpu.vector_load_idx %arg8[%add3A_757] : memref<54043xf32, #tpu.memory_space<vmem>>[vector<16xi32>], vector<16xf32>,
        %mul3A_759 = arith.mulf %mul3A_720, %gather3A_758 : vector<16xf32>
        %add3A_760 = arith.addf %add3A_689, %mul3A_759 : vector<16xf32>
        %add3A_761 = arith.constant 6 : i32
        %add3A_762 = vector.broadcast %add3A_761 : i32 to vector<16xi32>
        %add3A_763 = arith.addi %mul3A_724, %add3A_762 : vector<16xi32>
        %gather3A_764 = tpu.vector_load_idx %arg8[%add3A_763] : memref<54043xf32, #tpu.memory_space<vmem>>[vector<16xi32>], vector<16xf32>,
        %mul3A_765 = arith.mulf %mul3A_720, %gather3A_764 : vector<16xf32>
        %add3A_766 = arith.addf %add3A_695, %mul3A_765 : vector<16xf32>
        %add3A_767 = arith.constant 7 : i32
        %add3A_768 = vector.broadcast %add3A_767 : i32 to vector<16xi32>
        %add3A_769 = arith.addi %mul3A_724, %add3A_768 : vector<16xi32>
        %gather3A_770 = tpu.vector_load_idx %arg8[%add3A_769] : memref<54043xf32, #tpu.memory_space<vmem>>[vector<16xi32>], vector<16xf32>,
        %mul3A_771 = arith.mulf %mul3A_720, %gather3A_770 : vector<16xf32>
        %add3A_772 = arith.addf %add3A_701, %mul3A_771 : vector<16xf32>
        %add3A_773 = arith.constant 8 : i32
        %add3A_774 = vector.broadcast %add3A_773 : i32 to vector<16xi32>
        %add3A_775 = arith.addi %mul3A_724, %add3A_774 : vector<16xi32>
        %gather3A_776 = tpu.vector_load_idx %arg8[%add3A_775] : memref<54043xf32, #tpu.memory_space<vmem>>[vector<16xi32>], vector<16xf32>,
        %mul3A_777 = arith.mulf %mul3A_720, %gather3A_776 : vector<16xf32>
        %add3A_778 = arith.addf %add3A_707, %mul3A_777 : vector<16xf32>
        %add3A_779 = arith.constant 9 : i32
        %add3A_780 = vector.broadcast %add3A_779 : i32 to vector<16xi32>
        %add3A_781 = arith.addi %mul3A_724, %add3A_780 : vector<16xi32>
        %gather3A_782 = tpu.vector_load_idx %arg8[%add3A_781] : memref<54043xf32, #tpu.memory_space<vmem>>[vector<16xi32>], vector<16xf32>,
        %mul3A_783 = arith.mulf %mul3A_720, %gather3A_782 : vector<16xf32>
        %add3A_784 = arith.addf %add3A_713, %mul3A_783 : vector<16xf32>
        %add3A_785 = arith.constant 10 : i32
        %add3A_786 = vector.broadcast %add3A_785 : i32 to vector<16xi32>
        %add3A_787 = arith.addi %mul3A_724, %add3A_786 : vector<16xi32>
        %gather3A_788 = tpu.vector_load_idx %arg8[%add3A_787] : memref<54043xf32, #tpu.memory_space<vmem>>[vector<16xi32>], vector<16xf32>,
        %mul3A_789 = arith.mulf %mul3A_720, %gather3A_788 : vector<16xf32>
        %add3A_790 = arith.addf %add3A_719, %mul3A_789 : vector<16xf32>
        %mul3A_791 = arith.constant 5.000000e+01 : f32
        %mul3A_792 = vector.broadcast %mul3A_791 : f32 to vector<16xf32>
        %mul3A_793 = arith.mulf %add3A_730, %mul3A_792 : vector<16xf32>
        %add3A_794 = arith.constant 5.000000e-01 : f32
        %add3A_795 = vector.broadcast %add3A_794 : f32 to vector<16xf32>
        %add3A_796 = arith.addf %mul3A_793, %add3A_795 : vector<16xf32>
        %mul3A_797 = arith.constant 5.000000e+01 : f32
        %mul3A_798 = vector.broadcast %mul3A_797 : f32 to vector<16xf32>
        %mul3A_799 = arith.mulf %add3A_736, %mul3A_798 : vector<16xf32>
        %add3A_800 = arith.constant 5.000000e-01 : f32
        %add3A_801 = vector.broadcast %add3A_800 : f32 to vector<16xf32>
        %add3A_802 = arith.addf %mul3A_799, %add3A_801 : vector<16xf32>
        %mul3A_803 = arith.constant 5.000000e+01 : f32
        %mul3A_804 = vector.broadcast %mul3A_803 : f32 to vector<16xf32>
        %mul3A_805 = arith.mulf %add3A_742, %mul3A_804 : vector<16xf32>
        %add3A_806 = arith.constant 5.000000e-01 : f32
        %add3A_807 = vector.broadcast %add3A_806 : f32 to vector<16xf32>
        %add3A_808 = arith.addf %mul3A_805, %add3A_807 : vector<16xf32>
        %max3A_809 = arith.constant 1.000000e-03 : f32
        %max3A_810 = vector.broadcast %max3A_809 : f32 to vector<16xf32>
        %max3A_811 = arith.maximumf %add3A_748, %max3A_810 : vector<16xf32>
        %max3A_812 = arith.constant 1.000000e-01 : f32
        %max3A_813 = vector.broadcast %max3A_812 : f32 to vector<16xf32>
        %max3A_814 = arith.maximumf %add3A_754, %max3A_813 : vector<16xf32>
        %min3A_815 = arith.constant 1.000000e+00 : f32
        %min3A_816 = vector.broadcast %min3A_815 : f32 to vector<16xf32>
        %min3A_817 = arith.minimumf %max3A_814, %min3A_816 : vector<16xf32>
        %mul3A_818 = arith.mulf %add3A_760, %add3A_760 : vector<16xf32>
        %mul3A_819 = arith.mulf %add3A_766, %add3A_766 : vector<16xf32>
        %add3A_820 = arith.addf %mul3A_818, %mul3A_819 : vector<16xf32>
        %mul3A_821 = arith.mulf %add3A_772, %add3A_772 : vector<16xf32>
        %add3A_822 = arith.addf %add3A_820, %mul3A_821 : vector<16xf32>
        %max3A_823 = arith.constant 1.000000e-30 : f32
        %max3A_824 = vector.broadcast %max3A_823 : f32 to vector<16xf32>
        %max3A_825 = arith.maximumf %add3A_822, %max3A_824 : vector<16xf32>
        %bitcast_convert_type3A = tpu.bitcast %max3A_825 : vector<16xf32> -> vector<16xi32>
        %shift_right_logical3A = arith.constant 1 : i32
        %shift_right_logical3A_826 = vector.broadcast %shift_right_logical3A : i32 to vector<16xi32>
        %shift_right_logical3A_827 = arith.shrui %bitcast_convert_type3A, %shift_right_logical3A_826 : vector<16xi32>
        %sub3A_828 = arith.constant 1597463007 : i32
        %sub3A_829 = vector.broadcast %sub3A_828 : i32 to vector<16xi32>
        %sub3A_830 = arith.subi %sub3A_829, %shift_right_logical3A_827 : vector<16xi32>
        %bitcast_convert_type3A_831 = tpu.bitcast %sub3A_830 : vector<16xi32> -> vector<16xf32>
        %mul3A_832 = arith.constant 5.000000e-01 : f32
        %mul3A_833 = vector.broadcast %mul3A_832 : f32 to vector<16xf32>
        %mul3A_834 = arith.mulf %mul3A_833, %max3A_825 : vector<16xf32>
        %mul3A_835 = arith.mulf %mul3A_834, %bitcast_convert_type3A_831 : vector<16xf32>
        %mul3A_836 = arith.mulf %mul3A_835, %bitcast_convert_type3A_831 : vector<16xf32>
        %sub3A_837 = arith.constant 1.500000e+00 : f32
        %sub3A_838 = vector.broadcast %sub3A_837 : f32 to vector<16xf32>
        %sub3A_839 = arith.subf %sub3A_838, %mul3A_836 : vector<16xf32>
        %mul3A_840 = arith.mulf %bitcast_convert_type3A_831, %sub3A_839 : vector<16xf32>
        %mul3A_841 = arith.constant 5.000000e-01 : f32
        %mul3A_842 = vector.broadcast %mul3A_841 : f32 to vector<16xf32>
        %mul3A_843 = arith.mulf %mul3A_842, %max3A_825 : vector<16xf32>
        %mul3A_844 = arith.mulf %mul3A_843, %mul3A_840 : vector<16xf32>
        %mul3A_845 = arith.mulf %mul3A_844, %mul3A_840 : vector<16xf32>
        %sub3A_846 = arith.constant 1.500000e+00 : f32
        %sub3A_847 = vector.broadcast %sub3A_846 : f32 to vector<16xf32>
        %sub3A_848 = arith.subf %sub3A_847, %mul3A_845 : vector<16xf32>
        %mul3A_849 = arith.mulf %mul3A_840, %sub3A_848 : vector<16xf32>
        %mul3A_850 = arith.constant 5.000000e-01 : f32
        %mul3A_851 = vector.broadcast %mul3A_850 : f32 to vector<16xf32>
        %mul3A_852 = arith.mulf %mul3A_851, %max3A_825 : vector<16xf32>
        %mul3A_853 = arith.mulf %mul3A_852, %mul3A_849 : vector<16xf32>
        %mul3A_854 = arith.mulf %mul3A_853, %mul3A_849 : vector<16xf32>
        %sub3A_855 = arith.constant 1.500000e+00 : f32
        %sub3A_856 = vector.broadcast %sub3A_855 : f32 to vector<16xf32>
        %sub3A_857 = arith.subf %sub3A_856, %mul3A_854 : vector<16xf32>
        %mul3A_858 = arith.mulf %mul3A_849, %sub3A_857 : vector<16xf32>
        %mul3A_859 = arith.mulf %max3A_825, %mul3A_858 : vector<16xf32>
        %max3A_860 = arith.constant 9.99999997E-7 : f32
        %max3A_861 = vector.broadcast %max3A_860 : f32 to vector<16xf32>
        %max3A_862 = arith.maximumf %mul3A_859, %max3A_861 : vector<16xf32>
        %div3A = arith.divf %add3A_760, %max3A_862 : vector<16xf32>
        %div3A_863 = arith.divf %add3A_766, %max3A_862 : vector<16xf32>
        %div3A_864 = arith.divf %add3A_772, %max3A_862 : vector<16xf32>
        %neg3A = arith.constant 0.000000e+00 : f32
        %neg3A_865 = vector.broadcast %neg3A : f32 to vector<16xf32>
        %neg3A_866 = arith.subf %neg3A_865, %add3A_778 : vector<16xf32>
        %exp3A = math.exp %neg3A_866 : vector<16xf32>
        %add3A_867 = arith.constant 1.000000e+00 : f32
        %add3A_868 = vector.broadcast %add3A_867 : f32 to vector<16xf32>
        %add3A_869 = arith.addf %add3A_868, %exp3A : vector<16xf32>
        %div3A_870 = arith.constant 1.000000e+00 : f32
        %div3A_871 = vector.broadcast %div3A_870 : f32 to vector<16xf32>
        %div3A_872 = arith.divf %div3A_871, %add3A_869 : vector<16xf32>
        %neg3A_873 = arith.constant 0.000000e+00 : f32
        %neg3A_874 = vector.broadcast %neg3A_873 : f32 to vector<16xf32>
        %neg3A_875 = arith.subf %neg3A_874, %add3A_784 : vector<16xf32>
        %exp3A_876 = math.exp %neg3A_875 : vector<16xf32>
        %add3A_877 = arith.constant 1.000000e+00 : f32
        %add3A_878 = vector.broadcast %add3A_877 : f32 to vector<16xf32>
        %add3A_879 = arith.addf %add3A_878, %exp3A_876 : vector<16xf32>
        %div3A_880 = arith.constant 1.000000e+00 : f32
        %div3A_881 = vector.broadcast %div3A_880 : f32 to vector<16xf32>
        %div3A_882 = arith.divf %div3A_881, %add3A_879 : vector<16xf32>
        %neg3A_883 = arith.constant 0.000000e+00 : f32
        %neg3A_884 = vector.broadcast %neg3A_883 : f32 to vector<16xf32>
        %neg3A_885 = arith.subf %neg3A_884, %add3A_790 : vector<16xf32>
        %exp3A_886 = math.exp %neg3A_885 : vector<16xf32>
        %add3A_887 = arith.constant 1.000000e+00 : f32
        %add3A_888 = vector.broadcast %add3A_887 : f32 to vector<16xf32>
        %add3A_889 = arith.addf %add3A_888, %exp3A_886 : vector<16xf32>
        %div3A_890 = arith.constant 1.000000e+00 : f32
        %div3A_891 = vector.broadcast %div3A_890 : f32 to vector<16xf32>
        %div3A_892 = arith.divf %div3A_891, %add3A_889 : vector<16xf32>
        %mul3A_893 = arith.constant 4 : i32
        %mul3A_894 = vector.broadcast %mul3A_893 : i32 to vector<16xi32>
        %mul3A_895 = arith.muli %add3A_117, %mul3A_894 : vector<16xi32>
        %add3A_896 = arith.constant 0 : i32
        %add3A_897 = vector.broadcast %add3A_896 : i32 to vector<16xi32>
        %add3A_898 = arith.addi %mul3A_895, %add3A_897 : vector<16xi32>
        tpu.vector_store_idx %arg15[%add3A_898], %add3A_796 : memref<8192xf32, #tpu.memory_space<vmem>>[vector<16xi32>], vector<16xf32>,
        %add3A_899 = arith.constant 1 : i32
        %add3A_900 = vector.broadcast %add3A_899 : i32 to vector<16xi32>
        %add3A_901 = arith.addi %mul3A_895, %add3A_900 : vector<16xi32>
        tpu.vector_store_idx %arg15[%add3A_901], %add3A_802 : memref<8192xf32, #tpu.memory_space<vmem>>[vector<16xi32>], vector<16xf32>,
        %add3A_902 = arith.constant 2 : i32
        %add3A_903 = vector.broadcast %add3A_902 : i32 to vector<16xi32>
        %add3A_904 = arith.addi %mul3A_895, %add3A_903 : vector<16xi32>
        tpu.vector_store_idx %arg15[%add3A_904], %add3A_808 : memref<8192xf32, #tpu.memory_space<vmem>>[vector<16xi32>], vector<16xf32>,
        %add3A_905 = arith.constant 3 : i32
        %add3A_906 = vector.broadcast %add3A_905 : i32 to vector<16xi32>
        %add3A_907 = arith.addi %mul3A_895, %add3A_906 : vector<16xi32>
        tpu.vector_store_idx %arg15[%add3A_907], %max3A_811 : memref<8192xf32, #tpu.memory_space<vmem>>[vector<16xi32>], vector<16xf32>,
        %mul3A_908 = arith.constant 7 : i32
        %mul3A_909 = vector.broadcast %mul3A_908 : i32 to vector<16xi32>
        %mul3A_910 = arith.muli %add3A_117, %mul3A_909 : vector<16xi32>
        %add3A_911 = arith.constant 0 : i32
        %add3A_912 = vector.broadcast %add3A_911 : i32 to vector<16xi32>
        %add3A_913 = arith.addi %mul3A_910, %add3A_912 : vector<16xi32>
        tpu.vector_store_idx %arg17[%add3A_913], %min3A_817 : memref<14336xf32, #tpu.memory_space<vmem>>[vector<16xi32>], vector<16xf32>,
        %add3A_914 = arith.constant 1 : i32
        %add3A_915 = vector.broadcast %add3A_914 : i32 to vector<16xi32>
        %add3A_916 = arith.addi %mul3A_910, %add3A_915 : vector<16xi32>
        tpu.vector_store_idx %arg17[%add3A_916], %div3A : memref<14336xf32, #tpu.memory_space<vmem>>[vector<16xi32>], vector<16xf32>,
        %add3A_917 = arith.constant 2 : i32
        %add3A_918 = vector.broadcast %add3A_917 : i32 to vector<16xi32>
        %add3A_919 = arith.addi %mul3A_910, %add3A_918 : vector<16xi32>
        tpu.vector_store_idx %arg17[%add3A_919], %div3A_863 : memref<14336xf32, #tpu.memory_space<vmem>>[vector<16xi32>], vector<16xf32>,
        %add3A_920 = arith.constant 3 : i32
        %add3A_921 = vector.broadcast %add3A_920 : i32 to vector<16xi32>
        %add3A_922 = arith.addi %mul3A_910, %add3A_921 : vector<16xi32>
        tpu.vector_store_idx %arg17[%add3A_922], %div3A_864 : memref<14336xf32, #tpu.memory_space<vmem>>[vector<16xi32>], vector<16xf32>,
        %add3A_923 = arith.constant 4 : i32
        %add3A_924 = vector.broadcast %add3A_923 : i32 to vector<16xi32>
        %add3A_925 = arith.addi %mul3A_910, %add3A_924 : vector<16xi32>
        tpu.vector_store_idx %arg17[%add3A_925], %div3A_872 : memref<14336xf32, #tpu.memory_space<vmem>>[vector<16xi32>], vector<16xf32>,
        %add3A_926 = arith.constant 5 : i32
        %add3A_927 = vector.broadcast %add3A_926 : i32 to vector<16xi32>
        %add3A_928 = arith.addi %mul3A_910, %add3A_927 : vector<16xi32>
        tpu.vector_store_idx %arg17[%add3A_928], %div3A_882 : memref<14336xf32, #tpu.memory_space<vmem>>[vector<16xi32>], vector<16xf32>,
        %add3A_929 = arith.constant 6 : i32
        %add3A_930 = vector.broadcast %add3A_929 : i32 to vector<16xi32>
        %add3A_931 = arith.addi %mul3A_910, %add3A_930 : vector<16xi32>
        tpu.vector_store_idx %arg17[%add3A_931], %div3A_892 : memref<14336xf32, #tpu.memory_space<vmem>>[vector<16xi32>], vector<16xf32>,
      }
      %scan3A_63 = arith.constant 128 : i32
      %mul3A_64 = arith.constant 4 : i32
      %mul3A_65 = arith.muli %add3A_49, %mul3A_64 : i32
      %dma_start3A_66 = tpu.memref_slice %arg6[%mul3A_65] : memref<2097152xf32, #tpu.memory_space<hbm>> -> memref<8192xf32, #tpu.memory_space<hbm>>
      %dma_start3A_67 = tpu.memref_slice %arg6[%mul3A_65] : memref<2097152xf32, #tpu.memory_space<hbm>> -> memref<8192xf32, #tpu.memory_space<hbm>>
      tpu.enqueue_dma source(%arg15 : memref<8192xf32, #tpu.memory_space<vmem>>) target(%dma_start3A_67 : memref<8192xf32, #tpu.memory_space<hbm>>) target_semaphore(%arg21 : memref<!tpu.dma_semaphore, #tpu.memory_space<semaphore_mem>>)
      %mul3A_68 = arith.constant 7 : i32
      %mul3A_69 = arith.muli %add3A_49, %mul3A_68 : i32
      %dma_start3A_70 = tpu.memref_slice %arg7[%mul3A_69] : memref<3670016xf32, #tpu.memory_space<hbm>> -> memref<14336xf32, #tpu.memory_space<hbm>>
      %dma_start3A_71 = tpu.memref_slice %arg7[%mul3A_69] : memref<3670016xf32, #tpu.memory_space<hbm>> -> memref<14336xf32, #tpu.memory_space<hbm>>
      tpu.enqueue_dma source(%arg17 : memref<14336xf32, #tpu.memory_space<vmem>>) target(%dma_start3A_71 : memref<14336xf32, #tpu.memory_space<hbm>>) target_semaphore(%arg23 : memref<!tpu.dma_semaphore, #tpu.memory_space<semaphore_mem>>)
      %lt3A = arith.constant 3 : i32
      %lt3A_72 = arith.cmpi slt, %scan3A_42, %lt3A : i32
      %convert_element_type3A_73 = arith.extui %lt3A_72 : i1 to i32
      %cond3A_74 = arith.constant 0 : i32
      %cond3A_75 = arith.cmpi ne, %convert_element_type3A_73, %cond3A_74 : i32
      scf.if %cond3A_75 {
        %add3A_113 = arith.constant 4096 : i32
        %add3A_114 = arith.addi %add3A_49, %add3A_113 : i32
        %dma_start3A_115 = tpu.memref_slice %arg2[%add3A_114] : memref<524288xf32, #tpu.memory_space<hbm>> -> memref<2048xf32, #tpu.memory_space<hbm>>
        %dma_start3A_116 = tpu.memref_slice %arg2[%add3A_114] : memref<524288xf32, #tpu.memory_space<hbm>> -> memref<2048xf32, #tpu.memory_space<hbm>>
        tpu.enqueue_dma source(%dma_start3A_116 : memref<2048xf32, #tpu.memory_space<hbm>>) target(%arg9 : memref<2048xf32, #tpu.memory_space<vmem>>) target_semaphore(%arg19 : memref<!tpu.dma_semaphore, #tpu.memory_space<semaphore_mem>>)
        %dma_start3A_117 = tpu.memref_slice %arg3[%add3A_114] : memref<524288xf32, #tpu.memory_space<hbm>> -> memref<2048xf32, #tpu.memory_space<hbm>>
        %dma_start3A_118 = tpu.memref_slice %arg3[%add3A_114] : memref<524288xf32, #tpu.memory_space<hbm>> -> memref<2048xf32, #tpu.memory_space<hbm>>
        tpu.enqueue_dma source(%dma_start3A_118 : memref<2048xf32, #tpu.memory_space<hbm>>) target(%arg11 : memref<2048xf32, #tpu.memory_space<vmem>>) target_semaphore(%arg19 : memref<!tpu.dma_semaphore, #tpu.memory_space<semaphore_mem>>)
        %dma_start3A_119 = tpu.memref_slice %arg4[%add3A_114] : memref<524288xf32, #tpu.memory_space<hbm>> -> memref<2048xf32, #tpu.memory_space<hbm>>
        %dma_start3A_120 = tpu.memref_slice %arg4[%add3A_114] : memref<524288xf32, #tpu.memory_space<hbm>> -> memref<2048xf32, #tpu.memory_space<hbm>>
        tpu.enqueue_dma source(%dma_start3A_120 : memref<2048xf32, #tpu.memory_space<hbm>>) target(%arg13 : memref<2048xf32, #tpu.memory_space<vmem>>) target_semaphore(%arg19 : memref<!tpu.dma_semaphore, #tpu.memory_space<semaphore_mem>>)
      } else {
      }
      %mul3A_76 = arith.constant 2 : i32
      %mul3A_77 = arith.muli %scan3A_42, %mul3A_76 : i32
      %add3A_78 = arith.constant 1 : i32
      %add3A_79 = arith.addi %mul3A_77, %add3A_78 : i32
      %mul3A_80 = arith.constant 2048 : i32
      %mul3A_81 = arith.muli %add3A_79, %mul3A_80 : i32
      %add3A_82 = arith.addi %mul3A_2, %mul3A_81 : i32
      %dma_wait3A_83 = tpu.memref_slice %arg2[%add3A_82] : memref<524288xf32, #tpu.memory_space<hbm>> -> memref<2048xf32, #tpu.memory_space<hbm>>
      %dma_wait3A_84 = tpu.memref_slice %arg2[%add3A_82] : memref<524288xf32, #tpu.memory_space<hbm>> -> memref<2048xf32, #tpu.memory_space<hbm>>
      tpu.wait_dma2 semaphore(%arg20 : memref<!tpu.dma_semaphore, #tpu.memory_space<semaphore_mem>>) src(%dma_wait3A_84 : memref<2048xf32, #tpu.memory_space<hbm>>) dst(%arg10 : memref<2048xf32, #tpu.memory_space<vmem>>)
      %dma_wait3A_85 = tpu.memref_slice %arg3[%add3A_82] : memref<524288xf32, #tpu.memory_space<hbm>> -> memref<2048xf32, #tpu.memory_space<hbm>>
      %dma_wait3A_86 = tpu.memref_slice %arg3[%add3A_82] : memref<524288xf32, #tpu.memory_space<hbm>> -> memref<2048xf32, #tpu.memory_space<hbm>>
      tpu.wait_dma2 semaphore(%arg20 : memref<!tpu.dma_semaphore, #tpu.memory_space<semaphore_mem>>) src(%dma_wait3A_86 : memref<2048xf32, #tpu.memory_space<hbm>>) dst(%arg12 : memref<2048xf32, #tpu.memory_space<vmem>>)
      %dma_wait3A_87 = tpu.memref_slice %arg4[%add3A_82] : memref<524288xf32, #tpu.memory_space<hbm>> -> memref<2048xf32, #tpu.memory_space<hbm>>
      %dma_wait3A_88 = tpu.memref_slice %arg4[%add3A_82] : memref<524288xf32, #tpu.memory_space<hbm>> -> memref<2048xf32, #tpu.memory_space<hbm>>
      tpu.wait_dma2 semaphore(%arg20 : memref<!tpu.dma_semaphore, #tpu.memory_space<semaphore_mem>>) src(%dma_wait3A_88 : memref<2048xf32, #tpu.memory_space<hbm>>) dst(%arg14 : memref<2048xf32, #tpu.memory_space<vmem>>)
      %gt3A_89 = arith.constant 0 : i32
      %gt3A_90 = arith.cmpi sgt, %scan3A_42, %gt3A_89 : i32
      %convert_element_type3A_91 = arith.extui %gt3A_90 : i1 to i32
      %cond3A_92 = arith.constant 0 : i32
      %cond3A_93 = arith.cmpi ne, %convert_element_type3A_91, %cond3A_92 : i32
      scf.if %cond3A_93 {
        %sub3A = arith.constant 4096 : i32
        %sub3A_113 = arith.subi %add3A_82, %sub3A : i32
        %mul3A_114 = arith.constant 4 : i32
        %mul3A_115 = arith.muli %sub3A_113, %mul3A_114 : i32
        %dma_wait3A_116 = tpu.memref_slice %arg6[%mul3A_115] : memref<2097152xf32, #tpu.memory_space<hbm>> -> memref<8192xf32, #tpu.memory_space<hbm>>
        %dma_wait3A_117 = tpu.memref_slice %arg6[%mul3A_115] : memref<2097152xf32, #tpu.memory_space<hbm>> -> memref<8192xf32, #tpu.memory_space<hbm>>
        tpu.wait_dma2 semaphore(%arg22 : memref<!tpu.dma_semaphore, #tpu.memory_space<semaphore_mem>>) src(%arg16 : memref<8192xf32, #tpu.memory_space<vmem>>) dst(%dma_wait3A_117 : memref<8192xf32, #tpu.memory_space<hbm>>)
        %mul3A_118 = arith.constant 7 : i32
        %mul3A_119 = arith.muli %sub3A_113, %mul3A_118 : i32
        %dma_wait3A_120 = tpu.memref_slice %arg7[%mul3A_119] : memref<3670016xf32, #tpu.memory_space<hbm>> -> memref<14336xf32, #tpu.memory_space<hbm>>
        %dma_wait3A_121 = tpu.memref_slice %arg7[%mul3A_119] : memref<3670016xf32, #tpu.memory_space<hbm>> -> memref<14336xf32, #tpu.memory_space<hbm>>
        tpu.wait_dma2 semaphore(%arg24 : memref<!tpu.dma_semaphore, #tpu.memory_space<semaphore_mem>>) src(%arg18 : memref<14336xf32, #tpu.memory_space<vmem>>) dst(%dma_wait3A_121 : memref<14336xf32, #tpu.memory_space<hbm>>)
      } else {
      }
      %scan3A_94 = arith.constant 0 : i32
      %scan3A_95 = arith.constant 0 : i32
      %scan3A_96 = arith.constant 128 : i32
      %scan3A_97 = arith.addi %scan3A_95, %scan3A_96 : i32
      %scan3A_98 = arith.constant 1 : i32
      scf.for %scan3A_113 = %scan3A_95 to %scan3A_97 step %scan3A_98  : i32 {
        %mul3A_114 = arith.constant 16 : i32
        %mul3A_115 = arith.muli %scan3A_113, %mul3A_114 : i32
        %add3A_116 = vector.broadcast %mul3A_115 : i32 to vector<16xi32>
        %add3A_117 = arith.addi %add3A_116, %iota3A : vector<16xi32>
        %get3A = arith.index_cast %mul3A_115 : i32 to index
        %get3A_118 = tpu.vector_load %arg10[%get3A] {strides = array<i32>} : memref<2048xf32, #tpu.memory_space<vmem>>, vector<16xf32>,
        %get3A_119 = arith.index_cast %mul3A_115 : i32 to index
        %get3A_120 = tpu.vector_load %arg12[%get3A_119] {strides = array<i32>} : memref<2048xf32, #tpu.memory_space<vmem>>, vector<16xf32>,
        %get3A_121 = arith.index_cast %mul3A_115 : i32 to index
        %get3A_122 = tpu.vector_load %arg14[%get3A_121] {strides = array<i32>} : memref<2048xf32, #tpu.memory_space<vmem>>, vector<16xf32>,
        %mul3A_123 = arith.constant 1.600000e+01 : f32
        %mul3A_124 = vector.broadcast %mul3A_123 : f32 to vector<16xf32>
        %mul3A_125 = arith.mulf %get3A_118, %mul3A_124 : vector<16xf32>
        %mul3A_126 = arith.constant 1.600000e+01 : f32
        %mul3A_127 = vector.broadcast %mul3A_126 : f32 to vector<16xf32>
        %mul3A_128 = arith.mulf %get3A_120, %mul3A_127 : vector<16xf32>
        %mul3A_129 = arith.constant 1.600000e+01 : f32
        %mul3A_130 = vector.broadcast %mul3A_129 : f32 to vector<16xf32>
        %mul3A_131 = arith.mulf %get3A_122, %mul3A_130 : vector<16xf32>
        %convert_element_type3A_132 = arith.fptosi %mul3A_125 : vector<16xf32> to vector<16xi32>
        %convert_element_type3A_133 = arith.fptosi %mul3A_128 : vector<16xf32> to vector<16xi32>
        %convert_element_type3A_134 = arith.fptosi %mul3A_131 : vector<16xf32> to vector<16xi32>
        %convert_element_type3A_135 = arith.sitofp %convert_element_type3A_132 : vector<16xi32> to vector<16xf32>
        %sub3A = arith.subf %mul3A_125, %convert_element_type3A_135 : vector<16xf32>
        %convert_element_type3A_136 = arith.sitofp %convert_element_type3A_133 : vector<16xi32> to vector<16xf32>
        %sub3A_137 = arith.subf %mul3A_128, %convert_element_type3A_136 : vector<16xf32>
        %convert_element_type3A_138 = arith.sitofp %convert_element_type3A_134 : vector<16xi32> to vector<16xf32>
        %sub3A_139 = arith.subf %mul3A_131, %convert_element_type3A_138 : vector<16xf32>
        %max3A = arith.constant 0 : i32
        %max3A_140 = vector.broadcast %max3A : i32 to vector<16xi32>
        %max3A_141 = arith.maxsi %convert_element_type3A_132, %max3A_140 : vector<16xi32>
        %min3A = arith.constant 16 : i32
        %min3A_142 = vector.broadcast %min3A : i32 to vector<16xi32>
        %min3A_143 = arith.minsi %max3A_141, %min3A_142 : vector<16xi32>
        %add3A_144 = arith.constant 1 : i32
        %add3A_145 = vector.broadcast %add3A_144 : i32 to vector<16xi32>
        %add3A_146 = arith.addi %convert_element_type3A_132, %add3A_145 : vector<16xi32>
        %min3A_147 = arith.constant 16 : i32
        %min3A_148 = vector.broadcast %min3A_147 : i32 to vector<16xi32>
        %min3A_149 = arith.minsi %add3A_146, %min3A_148 : vector<16xi32>
        %max3A_150 = arith.constant 0 : i32
        %max3A_151 = vector.broadcast %max3A_150 : i32 to vector<16xi32>
        %max3A_152 = arith.maxsi %convert_element_type3A_133, %max3A_151 : vector<16xi32>
        %min3A_153 = arith.constant 16 : i32
        %min3A_154 = vector.broadcast %min3A_153 : i32 to vector<16xi32>
        %min3A_155 = arith.minsi %max3A_152, %min3A_154 : vector<16xi32>
        %mul3A_156 = arith.constant 17 : i32
        %mul3A_157 = vector.broadcast %mul3A_156 : i32 to vector<16xi32>
        %mul3A_158 = arith.muli %min3A_155, %mul3A_157 : vector<16xi32>
        %add3A_159 = arith.constant 1 : i32
        %add3A_160 = vector.broadcast %add3A_159 : i32 to vector<16xi32>
        %add3A_161 = arith.addi %convert_element_type3A_133, %add3A_160 : vector<16xi32>
        %min3A_162 = arith.constant 16 : i32
        %min3A_163 = vector.broadcast %min3A_162 : i32 to vector<16xi32>
        %min3A_164 = arith.minsi %add3A_161, %min3A_163 : vector<16xi32>
        %mul3A_165 = arith.constant 17 : i32
        %mul3A_166 = vector.broadcast %mul3A_165 : i32 to vector<16xi32>
        %mul3A_167 = arith.muli %min3A_164, %mul3A_166 : vector<16xi32>
        %max3A_168 = arith.constant 0 : i32
        %max3A_169 = vector.broadcast %max3A_168 : i32 to vector<16xi32>
        %max3A_170 = arith.maxsi %convert_element_type3A_134, %max3A_169 : vector<16xi32>
        %min3A_171 = arith.constant 16 : i32
        %min3A_172 = vector.broadcast %min3A_171 : i32 to vector<16xi32>
        %min3A_173 = arith.minsi %max3A_170, %min3A_172 : vector<16xi32>
        %mul3A_174 = arith.constant 289 : i32
        %mul3A_175 = vector.broadcast %mul3A_174 : i32 to vector<16xi32>
        %mul3A_176 = arith.muli %min3A_173, %mul3A_175 : vector<16xi32>
        %add3A_177 = arith.constant 1 : i32
        %add3A_178 = vector.broadcast %add3A_177 : i32 to vector<16xi32>
        %add3A_179 = arith.addi %convert_element_type3A_134, %add3A_178 : vector<16xi32>
        %min3A_180 = arith.constant 16 : i32
        %min3A_181 = vector.broadcast %min3A_180 : i32 to vector<16xi32>
        %min3A_182 = arith.minsi %add3A_179, %min3A_181 : vector<16xi32>
        %mul3A_183 = arith.constant 289 : i32
        %mul3A_184 = vector.broadcast %mul3A_183 : i32 to vector<16xi32>
        %mul3A_185 = arith.muli %min3A_182, %mul3A_184 : vector<16xi32>
        %sub3A_186 = arith.constant 1.000000e+00 : f32
        %sub3A_187 = vector.broadcast %sub3A_186 : f32 to vector<16xf32>
        %sub3A_188 = arith.subf %sub3A_187, %sub3A : vector<16xf32>
        %sub3A_189 = arith.constant 1.000000e+00 : f32
        %sub3A_190 = vector.broadcast %sub3A_189 : f32 to vector<16xf32>
        %sub3A_191 = arith.subf %sub3A_190, %sub3A_137 : vector<16xf32>
        %sub3A_192 = arith.constant 1.000000e+00 : f32
        %sub3A_193 = vector.broadcast %sub3A_192 : f32 to vector<16xf32>
        %sub3A_194 = arith.subf %sub3A_193, %sub3A_139 : vector<16xf32>
        %broadcast_in_dim3A = arith.constant 0.000000e+00 : f32
        %broadcast_in_dim3A_195 = vector.broadcast %broadcast_in_dim3A : f32 to vector<16xf32>
        %broadcast_in_dim3A_196 = arith.constant 0.000000e+00 : f32
        %broadcast_in_dim3A_197 = vector.broadcast %broadcast_in_dim3A_196 : f32 to vector<16xf32>
        %broadcast_in_dim3A_198 = arith.constant 0.000000e+00 : f32
        %broadcast_in_dim3A_199 = vector.broadcast %broadcast_in_dim3A_198 : f32 to vector<16xf32>
        %broadcast_in_dim3A_200 = arith.constant 0.000000e+00 : f32
        %broadcast_in_dim3A_201 = vector.broadcast %broadcast_in_dim3A_200 : f32 to vector<16xf32>
        %broadcast_in_dim3A_202 = arith.constant 0.000000e+00 : f32
        %broadcast_in_dim3A_203 = vector.broadcast %broadcast_in_dim3A_202 : f32 to vector<16xf32>
        %broadcast_in_dim3A_204 = arith.constant 0.000000e+00 : f32
        %broadcast_in_dim3A_205 = vector.broadcast %broadcast_in_dim3A_204 : f32 to vector<16xf32>
        %broadcast_in_dim3A_206 = arith.constant 0.000000e+00 : f32
        %broadcast_in_dim3A_207 = vector.broadcast %broadcast_in_dim3A_206 : f32 to vector<16xf32>
        %broadcast_in_dim3A_208 = arith.constant 0.000000e+00 : f32
        %broadcast_in_dim3A_209 = vector.broadcast %broadcast_in_dim3A_208 : f32 to vector<16xf32>
        %broadcast_in_dim3A_210 = arith.constant 0.000000e+00 : f32
        %broadcast_in_dim3A_211 = vector.broadcast %broadcast_in_dim3A_210 : f32 to vector<16xf32>
        %broadcast_in_dim3A_212 = arith.constant 0.000000e+00 : f32
        %broadcast_in_dim3A_213 = vector.broadcast %broadcast_in_dim3A_212 : f32 to vector<16xf32>
        %broadcast_in_dim3A_214 = arith.constant 0.000000e+00 : f32
        %broadcast_in_dim3A_215 = vector.broadcast %broadcast_in_dim3A_214 : f32 to vector<16xf32>
        %mul3A_216 = arith.mulf %sub3A_188, %sub3A_191 : vector<16xf32>
        %add3A_217 = arith.addi %min3A_143, %mul3A_158 : vector<16xi32>
        %mul3A_218 = arith.mulf %mul3A_216, %sub3A_194 : vector<16xf32>
        %add3A_219 = arith.addi %add3A_217, %mul3A_176 : vector<16xi32>
        %mul3A_220 = arith.constant 11 : i32
        %mul3A_221 = vector.broadcast %mul3A_220 : i32 to vector<16xi32>
        %mul3A_222 = arith.muli %add3A_219, %mul3A_221 : vector<16xi32>
        %add3A_223 = arith.constant 0 : i32
        %add3A_224 = vector.broadcast %add3A_223 : i32 to vector<16xi32>
        %add3A_225 = arith.addi %mul3A_222, %add3A_224 : vector<16xi32>
        %gather3A = tpu.vector_load_idx %arg8[%add3A_225] : memref<54043xf32, #tpu.memory_space<vmem>>[vector<16xi32>], vector<16xf32>,
        %mul3A_226 = arith.mulf %mul3A_218, %gather3A : vector<16xf32>
        %add3A_227 = arith.addf %broadcast_in_dim3A_195, %mul3A_226 : vector<16xf32>
        %add3A_228 = arith.constant 1 : i32
        %add3A_229 = vector.broadcast %add3A_228 : i32 to vector<16xi32>
        %add3A_230 = arith.addi %mul3A_222, %add3A_229 : vector<16xi32>
        %gather3A_231 = tpu.vector_load_idx %arg8[%add3A_230] : memref<54043xf32, #tpu.memory_space<vmem>>[vector<16xi32>], vector<16xf32>,
        %mul3A_232 = arith.mulf %mul3A_218, %gather3A_231 : vector<16xf32>
        %add3A_233 = arith.addf %broadcast_in_dim3A_197, %mul3A_232 : vector<16xf32>
        %add3A_234 = arith.constant 2 : i32
        %add3A_235 = vector.broadcast %add3A_234 : i32 to vector<16xi32>
        %add3A_236 = arith.addi %mul3A_222, %add3A_235 : vector<16xi32>
        %gather3A_237 = tpu.vector_load_idx %arg8[%add3A_236] : memref<54043xf32, #tpu.memory_space<vmem>>[vector<16xi32>], vector<16xf32>,
        %mul3A_238 = arith.mulf %mul3A_218, %gather3A_237 : vector<16xf32>
        %add3A_239 = arith.addf %broadcast_in_dim3A_199, %mul3A_238 : vector<16xf32>
        %add3A_240 = arith.constant 3 : i32
        %add3A_241 = vector.broadcast %add3A_240 : i32 to vector<16xi32>
        %add3A_242 = arith.addi %mul3A_222, %add3A_241 : vector<16xi32>
        %gather3A_243 = tpu.vector_load_idx %arg8[%add3A_242] : memref<54043xf32, #tpu.memory_space<vmem>>[vector<16xi32>], vector<16xf32>,
        %mul3A_244 = arith.mulf %mul3A_218, %gather3A_243 : vector<16xf32>
        %add3A_245 = arith.addf %broadcast_in_dim3A_201, %mul3A_244 : vector<16xf32>
        %add3A_246 = arith.constant 4 : i32
        %add3A_247 = vector.broadcast %add3A_246 : i32 to vector<16xi32>
        %add3A_248 = arith.addi %mul3A_222, %add3A_247 : vector<16xi32>
        %gather3A_249 = tpu.vector_load_idx %arg8[%add3A_248] : memref<54043xf32, #tpu.memory_space<vmem>>[vector<16xi32>], vector<16xf32>,
        %mul3A_250 = arith.mulf %mul3A_218, %gather3A_249 : vector<16xf32>
        %add3A_251 = arith.addf %broadcast_in_dim3A_203, %mul3A_250 : vector<16xf32>
        %add3A_252 = arith.constant 5 : i32
        %add3A_253 = vector.broadcast %add3A_252 : i32 to vector<16xi32>
        %add3A_254 = arith.addi %mul3A_222, %add3A_253 : vector<16xi32>
        %gather3A_255 = tpu.vector_load_idx %arg8[%add3A_254] : memref<54043xf32, #tpu.memory_space<vmem>>[vector<16xi32>], vector<16xf32>,
        %mul3A_256 = arith.mulf %mul3A_218, %gather3A_255 : vector<16xf32>
        %add3A_257 = arith.addf %broadcast_in_dim3A_205, %mul3A_256 : vector<16xf32>
        %add3A_258 = arith.constant 6 : i32
        %add3A_259 = vector.broadcast %add3A_258 : i32 to vector<16xi32>
        %add3A_260 = arith.addi %mul3A_222, %add3A_259 : vector<16xi32>
        %gather3A_261 = tpu.vector_load_idx %arg8[%add3A_260] : memref<54043xf32, #tpu.memory_space<vmem>>[vector<16xi32>], vector<16xf32>,
        %mul3A_262 = arith.mulf %mul3A_218, %gather3A_261 : vector<16xf32>
        %add3A_263 = arith.addf %broadcast_in_dim3A_207, %mul3A_262 : vector<16xf32>
        %add3A_264 = arith.constant 7 : i32
        %add3A_265 = vector.broadcast %add3A_264 : i32 to vector<16xi32>
        %add3A_266 = arith.addi %mul3A_222, %add3A_265 : vector<16xi32>
        %gather3A_267 = tpu.vector_load_idx %arg8[%add3A_266] : memref<54043xf32, #tpu.memory_space<vmem>>[vector<16xi32>], vector<16xf32>,
        %mul3A_268 = arith.mulf %mul3A_218, %gather3A_267 : vector<16xf32>
        %add3A_269 = arith.addf %broadcast_in_dim3A_209, %mul3A_268 : vector<16xf32>
        %add3A_270 = arith.constant 8 : i32
        %add3A_271 = vector.broadcast %add3A_270 : i32 to vector<16xi32>
        %add3A_272 = arith.addi %mul3A_222, %add3A_271 : vector<16xi32>
        %gather3A_273 = tpu.vector_load_idx %arg8[%add3A_272] : memref<54043xf32, #tpu.memory_space<vmem>>[vector<16xi32>], vector<16xf32>,
        %mul3A_274 = arith.mulf %mul3A_218, %gather3A_273 : vector<16xf32>
        %add3A_275 = arith.addf %broadcast_in_dim3A_211, %mul3A_274 : vector<16xf32>
        %add3A_276 = arith.constant 9 : i32
        %add3A_277 = vector.broadcast %add3A_276 : i32 to vector<16xi32>
        %add3A_278 = arith.addi %mul3A_222, %add3A_277 : vector<16xi32>
        %gather3A_279 = tpu.vector_load_idx %arg8[%add3A_278] : memref<54043xf32, #tpu.memory_space<vmem>>[vector<16xi32>], vector<16xf32>,
        %mul3A_280 = arith.mulf %mul3A_218, %gather3A_279 : vector<16xf32>
        %add3A_281 = arith.addf %broadcast_in_dim3A_213, %mul3A_280 : vector<16xf32>
        %add3A_282 = arith.constant 10 : i32
        %add3A_283 = vector.broadcast %add3A_282 : i32 to vector<16xi32>
        %add3A_284 = arith.addi %mul3A_222, %add3A_283 : vector<16xi32>
        %gather3A_285 = tpu.vector_load_idx %arg8[%add3A_284] : memref<54043xf32, #tpu.memory_space<vmem>>[vector<16xi32>], vector<16xf32>,
        %mul3A_286 = arith.mulf %mul3A_218, %gather3A_285 : vector<16xf32>
        %add3A_287 = arith.addf %broadcast_in_dim3A_215, %mul3A_286 : vector<16xf32>
        %mul3A_288 = arith.mulf %mul3A_216, %sub3A_139 : vector<16xf32>
        %add3A_289 = arith.addi %add3A_217, %mul3A_185 : vector<16xi32>
        %mul3A_290 = arith.constant 11 : i32
        %mul3A_291 = vector.broadcast %mul3A_290 : i32 to vector<16xi32>
        %mul3A_292 = arith.muli %add3A_289, %mul3A_291 : vector<16xi32>
        %add3A_293 = arith.constant 0 : i32
        %add3A_294 = vector.broadcast %add3A_293 : i32 to vector<16xi32>
        %add3A_295 = arith.addi %mul3A_292, %add3A_294 : vector<16xi32>
        %gather3A_296 = tpu.vector_load_idx %arg8[%add3A_295] : memref<54043xf32, #tpu.memory_space<vmem>>[vector<16xi32>], vector<16xf32>,
        %mul3A_297 = arith.mulf %mul3A_288, %gather3A_296 : vector<16xf32>
        %add3A_298 = arith.addf %add3A_227, %mul3A_297 : vector<16xf32>
        %add3A_299 = arith.constant 1 : i32
        %add3A_300 = vector.broadcast %add3A_299 : i32 to vector<16xi32>
        %add3A_301 = arith.addi %mul3A_292, %add3A_300 : vector<16xi32>
        %gather3A_302 = tpu.vector_load_idx %arg8[%add3A_301] : memref<54043xf32, #tpu.memory_space<vmem>>[vector<16xi32>], vector<16xf32>,
        %mul3A_303 = arith.mulf %mul3A_288, %gather3A_302 : vector<16xf32>
        %add3A_304 = arith.addf %add3A_233, %mul3A_303 : vector<16xf32>
        %add3A_305 = arith.constant 2 : i32
        %add3A_306 = vector.broadcast %add3A_305 : i32 to vector<16xi32>
        %add3A_307 = arith.addi %mul3A_292, %add3A_306 : vector<16xi32>
        %gather3A_308 = tpu.vector_load_idx %arg8[%add3A_307] : memref<54043xf32, #tpu.memory_space<vmem>>[vector<16xi32>], vector<16xf32>,
        %mul3A_309 = arith.mulf %mul3A_288, %gather3A_308 : vector<16xf32>
        %add3A_310 = arith.addf %add3A_239, %mul3A_309 : vector<16xf32>
        %add3A_311 = arith.constant 3 : i32
        %add3A_312 = vector.broadcast %add3A_311 : i32 to vector<16xi32>
        %add3A_313 = arith.addi %mul3A_292, %add3A_312 : vector<16xi32>
        %gather3A_314 = tpu.vector_load_idx %arg8[%add3A_313] : memref<54043xf32, #tpu.memory_space<vmem>>[vector<16xi32>], vector<16xf32>,
        %mul3A_315 = arith.mulf %mul3A_288, %gather3A_314 : vector<16xf32>
        %add3A_316 = arith.addf %add3A_245, %mul3A_315 : vector<16xf32>
        %add3A_317 = arith.constant 4 : i32
        %add3A_318 = vector.broadcast %add3A_317 : i32 to vector<16xi32>
        %add3A_319 = arith.addi %mul3A_292, %add3A_318 : vector<16xi32>
        %gather3A_320 = tpu.vector_load_idx %arg8[%add3A_319] : memref<54043xf32, #tpu.memory_space<vmem>>[vector<16xi32>], vector<16xf32>,
        %mul3A_321 = arith.mulf %mul3A_288, %gather3A_320 : vector<16xf32>
        %add3A_322 = arith.addf %add3A_251, %mul3A_321 : vector<16xf32>
        %add3A_323 = arith.constant 5 : i32
        %add3A_324 = vector.broadcast %add3A_323 : i32 to vector<16xi32>
        %add3A_325 = arith.addi %mul3A_292, %add3A_324 : vector<16xi32>
        %gather3A_326 = tpu.vector_load_idx %arg8[%add3A_325] : memref<54043xf32, #tpu.memory_space<vmem>>[vector<16xi32>], vector<16xf32>,
        %mul3A_327 = arith.mulf %mul3A_288, %gather3A_326 : vector<16xf32>
        %add3A_328 = arith.addf %add3A_257, %mul3A_327 : vector<16xf32>
        %add3A_329 = arith.constant 6 : i32
        %add3A_330 = vector.broadcast %add3A_329 : i32 to vector<16xi32>
        %add3A_331 = arith.addi %mul3A_292, %add3A_330 : vector<16xi32>
        %gather3A_332 = tpu.vector_load_idx %arg8[%add3A_331] : memref<54043xf32, #tpu.memory_space<vmem>>[vector<16xi32>], vector<16xf32>,
        %mul3A_333 = arith.mulf %mul3A_288, %gather3A_332 : vector<16xf32>
        %add3A_334 = arith.addf %add3A_263, %mul3A_333 : vector<16xf32>
        %add3A_335 = arith.constant 7 : i32
        %add3A_336 = vector.broadcast %add3A_335 : i32 to vector<16xi32>
        %add3A_337 = arith.addi %mul3A_292, %add3A_336 : vector<16xi32>
        %gather3A_338 = tpu.vector_load_idx %arg8[%add3A_337] : memref<54043xf32, #tpu.memory_space<vmem>>[vector<16xi32>], vector<16xf32>,
        %mul3A_339 = arith.mulf %mul3A_288, %gather3A_338 : vector<16xf32>
        %add3A_340 = arith.addf %add3A_269, %mul3A_339 : vector<16xf32>
        %add3A_341 = arith.constant 8 : i32
        %add3A_342 = vector.broadcast %add3A_341 : i32 to vector<16xi32>
        %add3A_343 = arith.addi %mul3A_292, %add3A_342 : vector<16xi32>
        %gather3A_344 = tpu.vector_load_idx %arg8[%add3A_343] : memref<54043xf32, #tpu.memory_space<vmem>>[vector<16xi32>], vector<16xf32>,
        %mul3A_345 = arith.mulf %mul3A_288, %gather3A_344 : vector<16xf32>
        %add3A_346 = arith.addf %add3A_275, %mul3A_345 : vector<16xf32>
        %add3A_347 = arith.constant 9 : i32
        %add3A_348 = vector.broadcast %add3A_347 : i32 to vector<16xi32>
        %add3A_349 = arith.addi %mul3A_292, %add3A_348 : vector<16xi32>
        %gather3A_350 = tpu.vector_load_idx %arg8[%add3A_349] : memref<54043xf32, #tpu.memory_space<vmem>>[vector<16xi32>], vector<16xf32>,
        %mul3A_351 = arith.mulf %mul3A_288, %gather3A_350 : vector<16xf32>
        %add3A_352 = arith.addf %add3A_281, %mul3A_351 : vector<16xf32>
        %add3A_353 = arith.constant 10 : i32
        %add3A_354 = vector.broadcast %add3A_353 : i32 to vector<16xi32>
        %add3A_355 = arith.addi %mul3A_292, %add3A_354 : vector<16xi32>
        %gather3A_356 = tpu.vector_load_idx %arg8[%add3A_355] : memref<54043xf32, #tpu.memory_space<vmem>>[vector<16xi32>], vector<16xf32>,
        %mul3A_357 = arith.mulf %mul3A_288, %gather3A_356 : vector<16xf32>
        %add3A_358 = arith.addf %add3A_287, %mul3A_357 : vector<16xf32>
        %mul3A_359 = arith.mulf %sub3A_188, %sub3A_137 : vector<16xf32>
        %add3A_360 = arith.addi %min3A_143, %mul3A_167 : vector<16xi32>
        %mul3A_361 = arith.mulf %mul3A_359, %sub3A_194 : vector<16xf32>
        %add3A_362 = arith.addi %add3A_360, %mul3A_176 : vector<16xi32>
        %mul3A_363 = arith.constant 11 : i32
        %mul3A_364 = vector.broadcast %mul3A_363 : i32 to vector<16xi32>
        %mul3A_365 = arith.muli %add3A_362, %mul3A_364 : vector<16xi32>
        %add3A_366 = arith.constant 0 : i32
        %add3A_367 = vector.broadcast %add3A_366 : i32 to vector<16xi32>
        %add3A_368 = arith.addi %mul3A_365, %add3A_367 : vector<16xi32>
        %gather3A_369 = tpu.vector_load_idx %arg8[%add3A_368] : memref<54043xf32, #tpu.memory_space<vmem>>[vector<16xi32>], vector<16xf32>,
        %mul3A_370 = arith.mulf %mul3A_361, %gather3A_369 : vector<16xf32>
        %add3A_371 = arith.addf %add3A_298, %mul3A_370 : vector<16xf32>
        %add3A_372 = arith.constant 1 : i32
        %add3A_373 = vector.broadcast %add3A_372 : i32 to vector<16xi32>
        %add3A_374 = arith.addi %mul3A_365, %add3A_373 : vector<16xi32>
        %gather3A_375 = tpu.vector_load_idx %arg8[%add3A_374] : memref<54043xf32, #tpu.memory_space<vmem>>[vector<16xi32>], vector<16xf32>,
        %mul3A_376 = arith.mulf %mul3A_361, %gather3A_375 : vector<16xf32>
        %add3A_377 = arith.addf %add3A_304, %mul3A_376 : vector<16xf32>
        %add3A_378 = arith.constant 2 : i32
        %add3A_379 = vector.broadcast %add3A_378 : i32 to vector<16xi32>
        %add3A_380 = arith.addi %mul3A_365, %add3A_379 : vector<16xi32>
        %gather3A_381 = tpu.vector_load_idx %arg8[%add3A_380] : memref<54043xf32, #tpu.memory_space<vmem>>[vector<16xi32>], vector<16xf32>,
        %mul3A_382 = arith.mulf %mul3A_361, %gather3A_381 : vector<16xf32>
        %add3A_383 = arith.addf %add3A_310, %mul3A_382 : vector<16xf32>
        %add3A_384 = arith.constant 3 : i32
        %add3A_385 = vector.broadcast %add3A_384 : i32 to vector<16xi32>
        %add3A_386 = arith.addi %mul3A_365, %add3A_385 : vector<16xi32>
        %gather3A_387 = tpu.vector_load_idx %arg8[%add3A_386] : memref<54043xf32, #tpu.memory_space<vmem>>[vector<16xi32>], vector<16xf32>,
        %mul3A_388 = arith.mulf %mul3A_361, %gather3A_387 : vector<16xf32>
        %add3A_389 = arith.addf %add3A_316, %mul3A_388 : vector<16xf32>
        %add3A_390 = arith.constant 4 : i32
        %add3A_391 = vector.broadcast %add3A_390 : i32 to vector<16xi32>
        %add3A_392 = arith.addi %mul3A_365, %add3A_391 : vector<16xi32>
        %gather3A_393 = tpu.vector_load_idx %arg8[%add3A_392] : memref<54043xf32, #tpu.memory_space<vmem>>[vector<16xi32>], vector<16xf32>,
        %mul3A_394 = arith.mulf %mul3A_361, %gather3A_393 : vector<16xf32>
        %add3A_395 = arith.addf %add3A_322, %mul3A_394 : vector<16xf32>
        %add3A_396 = arith.constant 5 : i32
        %add3A_397 = vector.broadcast %add3A_396 : i32 to vector<16xi32>
        %add3A_398 = arith.addi %mul3A_365, %add3A_397 : vector<16xi32>
        %gather3A_399 = tpu.vector_load_idx %arg8[%add3A_398] : memref<54043xf32, #tpu.memory_space<vmem>>[vector<16xi32>], vector<16xf32>,
        %mul3A_400 = arith.mulf %mul3A_361, %gather3A_399 : vector<16xf32>
        %add3A_401 = arith.addf %add3A_328, %mul3A_400 : vector<16xf32>
        %add3A_402 = arith.constant 6 : i32
        %add3A_403 = vector.broadcast %add3A_402 : i32 to vector<16xi32>
        %add3A_404 = arith.addi %mul3A_365, %add3A_403 : vector<16xi32>
        %gather3A_405 = tpu.vector_load_idx %arg8[%add3A_404] : memref<54043xf32, #tpu.memory_space<vmem>>[vector<16xi32>], vector<16xf32>,
        %mul3A_406 = arith.mulf %mul3A_361, %gather3A_405 : vector<16xf32>
        %add3A_407 = arith.addf %add3A_334, %mul3A_406 : vector<16xf32>
        %add3A_408 = arith.constant 7 : i32
        %add3A_409 = vector.broadcast %add3A_408 : i32 to vector<16xi32>
        %add3A_410 = arith.addi %mul3A_365, %add3A_409 : vector<16xi32>
        %gather3A_411 = tpu.vector_load_idx %arg8[%add3A_410] : memref<54043xf32, #tpu.memory_space<vmem>>[vector<16xi32>], vector<16xf32>,
        %mul3A_412 = arith.mulf %mul3A_361, %gather3A_411 : vector<16xf32>
        %add3A_413 = arith.addf %add3A_340, %mul3A_412 : vector<16xf32>
        %add3A_414 = arith.constant 8 : i32
        %add3A_415 = vector.broadcast %add3A_414 : i32 to vector<16xi32>
        %add3A_416 = arith.addi %mul3A_365, %add3A_415 : vector<16xi32>
        %gather3A_417 = tpu.vector_load_idx %arg8[%add3A_416] : memref<54043xf32, #tpu.memory_space<vmem>>[vector<16xi32>], vector<16xf32>,
        %mul3A_418 = arith.mulf %mul3A_361, %gather3A_417 : vector<16xf32>
        %add3A_419 = arith.addf %add3A_346, %mul3A_418 : vector<16xf32>
        %add3A_420 = arith.constant 9 : i32
        %add3A_421 = vector.broadcast %add3A_420 : i32 to vector<16xi32>
        %add3A_422 = arith.addi %mul3A_365, %add3A_421 : vector<16xi32>
        %gather3A_423 = tpu.vector_load_idx %arg8[%add3A_422] : memref<54043xf32, #tpu.memory_space<vmem>>[vector<16xi32>], vector<16xf32>,
        %mul3A_424 = arith.mulf %mul3A_361, %gather3A_423 : vector<16xf32>
        %add3A_425 = arith.addf %add3A_352, %mul3A_424 : vector<16xf32>
        %add3A_426 = arith.constant 10 : i32
        %add3A_427 = vector.broadcast %add3A_426 : i32 to vector<16xi32>
        %add3A_428 = arith.addi %mul3A_365, %add3A_427 : vector<16xi32>
        %gather3A_429 = tpu.vector_load_idx %arg8[%add3A_428] : memref<54043xf32, #tpu.memory_space<vmem>>[vector<16xi32>], vector<16xf32>,
        %mul3A_430 = arith.mulf %mul3A_361, %gather3A_429 : vector<16xf32>
        %add3A_431 = arith.addf %add3A_358, %mul3A_430 : vector<16xf32>
        %mul3A_432 = arith.mulf %mul3A_359, %sub3A_139 : vector<16xf32>
        %add3A_433 = arith.addi %add3A_360, %mul3A_185 : vector<16xi32>
        %mul3A_434 = arith.constant 11 : i32
        %mul3A_435 = vector.broadcast %mul3A_434 : i32 to vector<16xi32>
        %mul3A_436 = arith.muli %add3A_433, %mul3A_435 : vector<16xi32>
        %add3A_437 = arith.constant 0 : i32
        %add3A_438 = vector.broadcast %add3A_437 : i32 to vector<16xi32>
        %add3A_439 = arith.addi %mul3A_436, %add3A_438 : vector<16xi32>
        %gather3A_440 = tpu.vector_load_idx %arg8[%add3A_439] : memref<54043xf32, #tpu.memory_space<vmem>>[vector<16xi32>], vector<16xf32>,
        %mul3A_441 = arith.mulf %mul3A_432, %gather3A_440 : vector<16xf32>
        %add3A_442 = arith.addf %add3A_371, %mul3A_441 : vector<16xf32>
        %add3A_443 = arith.constant 1 : i32
        %add3A_444 = vector.broadcast %add3A_443 : i32 to vector<16xi32>
        %add3A_445 = arith.addi %mul3A_436, %add3A_444 : vector<16xi32>
        %gather3A_446 = tpu.vector_load_idx %arg8[%add3A_445] : memref<54043xf32, #tpu.memory_space<vmem>>[vector<16xi32>], vector<16xf32>,
        %mul3A_447 = arith.mulf %mul3A_432, %gather3A_446 : vector<16xf32>
        %add3A_448 = arith.addf %add3A_377, %mul3A_447 : vector<16xf32>
        %add3A_449 = arith.constant 2 : i32
        %add3A_450 = vector.broadcast %add3A_449 : i32 to vector<16xi32>
        %add3A_451 = arith.addi %mul3A_436, %add3A_450 : vector<16xi32>
        %gather3A_452 = tpu.vector_load_idx %arg8[%add3A_451] : memref<54043xf32, #tpu.memory_space<vmem>>[vector<16xi32>], vector<16xf32>,
        %mul3A_453 = arith.mulf %mul3A_432, %gather3A_452 : vector<16xf32>
        %add3A_454 = arith.addf %add3A_383, %mul3A_453 : vector<16xf32>
        %add3A_455 = arith.constant 3 : i32
        %add3A_456 = vector.broadcast %add3A_455 : i32 to vector<16xi32>
        %add3A_457 = arith.addi %mul3A_436, %add3A_456 : vector<16xi32>
        %gather3A_458 = tpu.vector_load_idx %arg8[%add3A_457] : memref<54043xf32, #tpu.memory_space<vmem>>[vector<16xi32>], vector<16xf32>,
        %mul3A_459 = arith.mulf %mul3A_432, %gather3A_458 : vector<16xf32>
        %add3A_460 = arith.addf %add3A_389, %mul3A_459 : vector<16xf32>
        %add3A_461 = arith.constant 4 : i32
        %add3A_462 = vector.broadcast %add3A_461 : i32 to vector<16xi32>
        %add3A_463 = arith.addi %mul3A_436, %add3A_462 : vector<16xi32>
        %gather3A_464 = tpu.vector_load_idx %arg8[%add3A_463] : memref<54043xf32, #tpu.memory_space<vmem>>[vector<16xi32>], vector<16xf32>,
        %mul3A_465 = arith.mulf %mul3A_432, %gather3A_464 : vector<16xf32>
        %add3A_466 = arith.addf %add3A_395, %mul3A_465 : vector<16xf32>
        %add3A_467 = arith.constant 5 : i32
        %add3A_468 = vector.broadcast %add3A_467 : i32 to vector<16xi32>
        %add3A_469 = arith.addi %mul3A_436, %add3A_468 : vector<16xi32>
        %gather3A_470 = tpu.vector_load_idx %arg8[%add3A_469] : memref<54043xf32, #tpu.memory_space<vmem>>[vector<16xi32>], vector<16xf32>,
        %mul3A_471 = arith.mulf %mul3A_432, %gather3A_470 : vector<16xf32>
        %add3A_472 = arith.addf %add3A_401, %mul3A_471 : vector<16xf32>
        %add3A_473 = arith.constant 6 : i32
        %add3A_474 = vector.broadcast %add3A_473 : i32 to vector<16xi32>
        %add3A_475 = arith.addi %mul3A_436, %add3A_474 : vector<16xi32>
        %gather3A_476 = tpu.vector_load_idx %arg8[%add3A_475] : memref<54043xf32, #tpu.memory_space<vmem>>[vector<16xi32>], vector<16xf32>,
        %mul3A_477 = arith.mulf %mul3A_432, %gather3A_476 : vector<16xf32>
        %add3A_478 = arith.addf %add3A_407, %mul3A_477 : vector<16xf32>
        %add3A_479 = arith.constant 7 : i32
        %add3A_480 = vector.broadcast %add3A_479 : i32 to vector<16xi32>
        %add3A_481 = arith.addi %mul3A_436, %add3A_480 : vector<16xi32>
        %gather3A_482 = tpu.vector_load_idx %arg8[%add3A_481] : memref<54043xf32, #tpu.memory_space<vmem>>[vector<16xi32>], vector<16xf32>,
        %mul3A_483 = arith.mulf %mul3A_432, %gather3A_482 : vector<16xf32>
        %add3A_484 = arith.addf %add3A_413, %mul3A_483 : vector<16xf32>
        %add3A_485 = arith.constant 8 : i32
        %add3A_486 = vector.broadcast %add3A_485 : i32 to vector<16xi32>
        %add3A_487 = arith.addi %mul3A_436, %add3A_486 : vector<16xi32>
        %gather3A_488 = tpu.vector_load_idx %arg8[%add3A_487] : memref<54043xf32, #tpu.memory_space<vmem>>[vector<16xi32>], vector<16xf32>,
        %mul3A_489 = arith.mulf %mul3A_432, %gather3A_488 : vector<16xf32>
        %add3A_490 = arith.addf %add3A_419, %mul3A_489 : vector<16xf32>
        %add3A_491 = arith.constant 9 : i32
        %add3A_492 = vector.broadcast %add3A_491 : i32 to vector<16xi32>
        %add3A_493 = arith.addi %mul3A_436, %add3A_492 : vector<16xi32>
        %gather3A_494 = tpu.vector_load_idx %arg8[%add3A_493] : memref<54043xf32, #tpu.memory_space<vmem>>[vector<16xi32>], vector<16xf32>,
        %mul3A_495 = arith.mulf %mul3A_432, %gather3A_494 : vector<16xf32>
        %add3A_496 = arith.addf %add3A_425, %mul3A_495 : vector<16xf32>
        %add3A_497 = arith.constant 10 : i32
        %add3A_498 = vector.broadcast %add3A_497 : i32 to vector<16xi32>
        %add3A_499 = arith.addi %mul3A_436, %add3A_498 : vector<16xi32>
        %gather3A_500 = tpu.vector_load_idx %arg8[%add3A_499] : memref<54043xf32, #tpu.memory_space<vmem>>[vector<16xi32>], vector<16xf32>,
        %mul3A_501 = arith.mulf %mul3A_432, %gather3A_500 : vector<16xf32>
        %add3A_502 = arith.addf %add3A_431, %mul3A_501 : vector<16xf32>
        %mul3A_503 = arith.mulf %sub3A, %sub3A_191 : vector<16xf32>
        %add3A_504 = arith.addi %min3A_149, %mul3A_158 : vector<16xi32>
        %mul3A_505 = arith.mulf %mul3A_503, %sub3A_194 : vector<16xf32>
        %add3A_506 = arith.addi %add3A_504, %mul3A_176 : vector<16xi32>
        %mul3A_507 = arith.constant 11 : i32
        %mul3A_508 = vector.broadcast %mul3A_507 : i32 to vector<16xi32>
        %mul3A_509 = arith.muli %add3A_506, %mul3A_508 : vector<16xi32>
        %add3A_510 = arith.constant 0 : i32
        %add3A_511 = vector.broadcast %add3A_510 : i32 to vector<16xi32>
        %add3A_512 = arith.addi %mul3A_509, %add3A_511 : vector<16xi32>
        %gather3A_513 = tpu.vector_load_idx %arg8[%add3A_512] : memref<54043xf32, #tpu.memory_space<vmem>>[vector<16xi32>], vector<16xf32>,
        %mul3A_514 = arith.mulf %mul3A_505, %gather3A_513 : vector<16xf32>
        %add3A_515 = arith.addf %add3A_442, %mul3A_514 : vector<16xf32>
        %add3A_516 = arith.constant 1 : i32
        %add3A_517 = vector.broadcast %add3A_516 : i32 to vector<16xi32>
        %add3A_518 = arith.addi %mul3A_509, %add3A_517 : vector<16xi32>
        %gather3A_519 = tpu.vector_load_idx %arg8[%add3A_518] : memref<54043xf32, #tpu.memory_space<vmem>>[vector<16xi32>], vector<16xf32>,
        %mul3A_520 = arith.mulf %mul3A_505, %gather3A_519 : vector<16xf32>
        %add3A_521 = arith.addf %add3A_448, %mul3A_520 : vector<16xf32>
        %add3A_522 = arith.constant 2 : i32
        %add3A_523 = vector.broadcast %add3A_522 : i32 to vector<16xi32>
        %add3A_524 = arith.addi %mul3A_509, %add3A_523 : vector<16xi32>
        %gather3A_525 = tpu.vector_load_idx %arg8[%add3A_524] : memref<54043xf32, #tpu.memory_space<vmem>>[vector<16xi32>], vector<16xf32>,
        %mul3A_526 = arith.mulf %mul3A_505, %gather3A_525 : vector<16xf32>
        %add3A_527 = arith.addf %add3A_454, %mul3A_526 : vector<16xf32>
        %add3A_528 = arith.constant 3 : i32
        %add3A_529 = vector.broadcast %add3A_528 : i32 to vector<16xi32>
        %add3A_530 = arith.addi %mul3A_509, %add3A_529 : vector<16xi32>
        %gather3A_531 = tpu.vector_load_idx %arg8[%add3A_530] : memref<54043xf32, #tpu.memory_space<vmem>>[vector<16xi32>], vector<16xf32>,
        %mul3A_532 = arith.mulf %mul3A_505, %gather3A_531 : vector<16xf32>
        %add3A_533 = arith.addf %add3A_460, %mul3A_532 : vector<16xf32>
        %add3A_534 = arith.constant 4 : i32
        %add3A_535 = vector.broadcast %add3A_534 : i32 to vector<16xi32>
        %add3A_536 = arith.addi %mul3A_509, %add3A_535 : vector<16xi32>
        %gather3A_537 = tpu.vector_load_idx %arg8[%add3A_536] : memref<54043xf32, #tpu.memory_space<vmem>>[vector<16xi32>], vector<16xf32>,
        %mul3A_538 = arith.mulf %mul3A_505, %gather3A_537 : vector<16xf32>
        %add3A_539 = arith.addf %add3A_466, %mul3A_538 : vector<16xf32>
        %add3A_540 = arith.constant 5 : i32
        %add3A_541 = vector.broadcast %add3A_540 : i32 to vector<16xi32>
        %add3A_542 = arith.addi %mul3A_509, %add3A_541 : vector<16xi32>
        %gather3A_543 = tpu.vector_load_idx %arg8[%add3A_542] : memref<54043xf32, #tpu.memory_space<vmem>>[vector<16xi32>], vector<16xf32>,
        %mul3A_544 = arith.mulf %mul3A_505, %gather3A_543 : vector<16xf32>
        %add3A_545 = arith.addf %add3A_472, %mul3A_544 : vector<16xf32>
        %add3A_546 = arith.constant 6 : i32
        %add3A_547 = vector.broadcast %add3A_546 : i32 to vector<16xi32>
        %add3A_548 = arith.addi %mul3A_509, %add3A_547 : vector<16xi32>
        %gather3A_549 = tpu.vector_load_idx %arg8[%add3A_548] : memref<54043xf32, #tpu.memory_space<vmem>>[vector<16xi32>], vector<16xf32>,
        %mul3A_550 = arith.mulf %mul3A_505, %gather3A_549 : vector<16xf32>
        %add3A_551 = arith.addf %add3A_478, %mul3A_550 : vector<16xf32>
        %add3A_552 = arith.constant 7 : i32
        %add3A_553 = vector.broadcast %add3A_552 : i32 to vector<16xi32>
        %add3A_554 = arith.addi %mul3A_509, %add3A_553 : vector<16xi32>
        %gather3A_555 = tpu.vector_load_idx %arg8[%add3A_554] : memref<54043xf32, #tpu.memory_space<vmem>>[vector<16xi32>], vector<16xf32>,
        %mul3A_556 = arith.mulf %mul3A_505, %gather3A_555 : vector<16xf32>
        %add3A_557 = arith.addf %add3A_484, %mul3A_556 : vector<16xf32>
        %add3A_558 = arith.constant 8 : i32
        %add3A_559 = vector.broadcast %add3A_558 : i32 to vector<16xi32>
        %add3A_560 = arith.addi %mul3A_509, %add3A_559 : vector<16xi32>
        %gather3A_561 = tpu.vector_load_idx %arg8[%add3A_560] : memref<54043xf32, #tpu.memory_space<vmem>>[vector<16xi32>], vector<16xf32>,
        %mul3A_562 = arith.mulf %mul3A_505, %gather3A_561 : vector<16xf32>
        %add3A_563 = arith.addf %add3A_490, %mul3A_562 : vector<16xf32>
        %add3A_564 = arith.constant 9 : i32
        %add3A_565 = vector.broadcast %add3A_564 : i32 to vector<16xi32>
        %add3A_566 = arith.addi %mul3A_509, %add3A_565 : vector<16xi32>
        %gather3A_567 = tpu.vector_load_idx %arg8[%add3A_566] : memref<54043xf32, #tpu.memory_space<vmem>>[vector<16xi32>], vector<16xf32>,
        %mul3A_568 = arith.mulf %mul3A_505, %gather3A_567 : vector<16xf32>
        %add3A_569 = arith.addf %add3A_496, %mul3A_568 : vector<16xf32>
        %add3A_570 = arith.constant 10 : i32
        %add3A_571 = vector.broadcast %add3A_570 : i32 to vector<16xi32>
        %add3A_572 = arith.addi %mul3A_509, %add3A_571 : vector<16xi32>
        %gather3A_573 = tpu.vector_load_idx %arg8[%add3A_572] : memref<54043xf32, #tpu.memory_space<vmem>>[vector<16xi32>], vector<16xf32>,
        %mul3A_574 = arith.mulf %mul3A_505, %gather3A_573 : vector<16xf32>
        %add3A_575 = arith.addf %add3A_502, %mul3A_574 : vector<16xf32>
        %mul3A_576 = arith.mulf %mul3A_503, %sub3A_139 : vector<16xf32>
        %add3A_577 = arith.addi %add3A_504, %mul3A_185 : vector<16xi32>
        %mul3A_578 = arith.constant 11 : i32
        %mul3A_579 = vector.broadcast %mul3A_578 : i32 to vector<16xi32>
        %mul3A_580 = arith.muli %add3A_577, %mul3A_579 : vector<16xi32>
        %add3A_581 = arith.constant 0 : i32
        %add3A_582 = vector.broadcast %add3A_581 : i32 to vector<16xi32>
        %add3A_583 = arith.addi %mul3A_580, %add3A_582 : vector<16xi32>
        %gather3A_584 = tpu.vector_load_idx %arg8[%add3A_583] : memref<54043xf32, #tpu.memory_space<vmem>>[vector<16xi32>], vector<16xf32>,
        %mul3A_585 = arith.mulf %mul3A_576, %gather3A_584 : vector<16xf32>
        %add3A_586 = arith.addf %add3A_515, %mul3A_585 : vector<16xf32>
        %add3A_587 = arith.constant 1 : i32
        %add3A_588 = vector.broadcast %add3A_587 : i32 to vector<16xi32>
        %add3A_589 = arith.addi %mul3A_580, %add3A_588 : vector<16xi32>
        %gather3A_590 = tpu.vector_load_idx %arg8[%add3A_589] : memref<54043xf32, #tpu.memory_space<vmem>>[vector<16xi32>], vector<16xf32>,
        %mul3A_591 = arith.mulf %mul3A_576, %gather3A_590 : vector<16xf32>
        %add3A_592 = arith.addf %add3A_521, %mul3A_591 : vector<16xf32>
        %add3A_593 = arith.constant 2 : i32
        %add3A_594 = vector.broadcast %add3A_593 : i32 to vector<16xi32>
        %add3A_595 = arith.addi %mul3A_580, %add3A_594 : vector<16xi32>
        %gather3A_596 = tpu.vector_load_idx %arg8[%add3A_595] : memref<54043xf32, #tpu.memory_space<vmem>>[vector<16xi32>], vector<16xf32>,
        %mul3A_597 = arith.mulf %mul3A_576, %gather3A_596 : vector<16xf32>
        %add3A_598 = arith.addf %add3A_527, %mul3A_597 : vector<16xf32>
        %add3A_599 = arith.constant 3 : i32
        %add3A_600 = vector.broadcast %add3A_599 : i32 to vector<16xi32>
        %add3A_601 = arith.addi %mul3A_580, %add3A_600 : vector<16xi32>
        %gather3A_602 = tpu.vector_load_idx %arg8[%add3A_601] : memref<54043xf32, #tpu.memory_space<vmem>>[vector<16xi32>], vector<16xf32>,
        %mul3A_603 = arith.mulf %mul3A_576, %gather3A_602 : vector<16xf32>
        %add3A_604 = arith.addf %add3A_533, %mul3A_603 : vector<16xf32>
        %add3A_605 = arith.constant 4 : i32
        %add3A_606 = vector.broadcast %add3A_605 : i32 to vector<16xi32>
        %add3A_607 = arith.addi %mul3A_580, %add3A_606 : vector<16xi32>
        %gather3A_608 = tpu.vector_load_idx %arg8[%add3A_607] : memref<54043xf32, #tpu.memory_space<vmem>>[vector<16xi32>], vector<16xf32>,
        %mul3A_609 = arith.mulf %mul3A_576, %gather3A_608 : vector<16xf32>
        %add3A_610 = arith.addf %add3A_539, %mul3A_609 : vector<16xf32>
        %add3A_611 = arith.constant 5 : i32
        %add3A_612 = vector.broadcast %add3A_611 : i32 to vector<16xi32>
        %add3A_613 = arith.addi %mul3A_580, %add3A_612 : vector<16xi32>
        %gather3A_614 = tpu.vector_load_idx %arg8[%add3A_613] : memref<54043xf32, #tpu.memory_space<vmem>>[vector<16xi32>], vector<16xf32>,
        %mul3A_615 = arith.mulf %mul3A_576, %gather3A_614 : vector<16xf32>
        %add3A_616 = arith.addf %add3A_545, %mul3A_615 : vector<16xf32>
        %add3A_617 = arith.constant 6 : i32
        %add3A_618 = vector.broadcast %add3A_617 : i32 to vector<16xi32>
        %add3A_619 = arith.addi %mul3A_580, %add3A_618 : vector<16xi32>
        %gather3A_620 = tpu.vector_load_idx %arg8[%add3A_619] : memref<54043xf32, #tpu.memory_space<vmem>>[vector<16xi32>], vector<16xf32>,
        %mul3A_621 = arith.mulf %mul3A_576, %gather3A_620 : vector<16xf32>
        %add3A_622 = arith.addf %add3A_551, %mul3A_621 : vector<16xf32>
        %add3A_623 = arith.constant 7 : i32
        %add3A_624 = vector.broadcast %add3A_623 : i32 to vector<16xi32>
        %add3A_625 = arith.addi %mul3A_580, %add3A_624 : vector<16xi32>
        %gather3A_626 = tpu.vector_load_idx %arg8[%add3A_625] : memref<54043xf32, #tpu.memory_space<vmem>>[vector<16xi32>], vector<16xf32>,
        %mul3A_627 = arith.mulf %mul3A_576, %gather3A_626 : vector<16xf32>
        %add3A_628 = arith.addf %add3A_557, %mul3A_627 : vector<16xf32>
        %add3A_629 = arith.constant 8 : i32
        %add3A_630 = vector.broadcast %add3A_629 : i32 to vector<16xi32>
        %add3A_631 = arith.addi %mul3A_580, %add3A_630 : vector<16xi32>
        %gather3A_632 = tpu.vector_load_idx %arg8[%add3A_631] : memref<54043xf32, #tpu.memory_space<vmem>>[vector<16xi32>], vector<16xf32>,
        %mul3A_633 = arith.mulf %mul3A_576, %gather3A_632 : vector<16xf32>
        %add3A_634 = arith.addf %add3A_563, %mul3A_633 : vector<16xf32>
        %add3A_635 = arith.constant 9 : i32
        %add3A_636 = vector.broadcast %add3A_635 : i32 to vector<16xi32>
        %add3A_637 = arith.addi %mul3A_580, %add3A_636 : vector<16xi32>
        %gather3A_638 = tpu.vector_load_idx %arg8[%add3A_637] : memref<54043xf32, #tpu.memory_space<vmem>>[vector<16xi32>], vector<16xf32>,
        %mul3A_639 = arith.mulf %mul3A_576, %gather3A_638 : vector<16xf32>
        %add3A_640 = arith.addf %add3A_569, %mul3A_639 : vector<16xf32>
        %add3A_641 = arith.constant 10 : i32
        %add3A_642 = vector.broadcast %add3A_641 : i32 to vector<16xi32>
        %add3A_643 = arith.addi %mul3A_580, %add3A_642 : vector<16xi32>
        %gather3A_644 = tpu.vector_load_idx %arg8[%add3A_643] : memref<54043xf32, #tpu.memory_space<vmem>>[vector<16xi32>], vector<16xf32>,
        %mul3A_645 = arith.mulf %mul3A_576, %gather3A_644 : vector<16xf32>
        %add3A_646 = arith.addf %add3A_575, %mul3A_645 : vector<16xf32>
        %mul3A_647 = arith.mulf %sub3A, %sub3A_137 : vector<16xf32>
        %add3A_648 = arith.addi %min3A_149, %mul3A_167 : vector<16xi32>
        %mul3A_649 = arith.mulf %mul3A_647, %sub3A_194 : vector<16xf32>
        %add3A_650 = arith.addi %add3A_648, %mul3A_176 : vector<16xi32>
        %mul3A_651 = arith.constant 11 : i32
        %mul3A_652 = vector.broadcast %mul3A_651 : i32 to vector<16xi32>
        %mul3A_653 = arith.muli %add3A_650, %mul3A_652 : vector<16xi32>
        %add3A_654 = arith.constant 0 : i32
        %add3A_655 = vector.broadcast %add3A_654 : i32 to vector<16xi32>
        %add3A_656 = arith.addi %mul3A_653, %add3A_655 : vector<16xi32>
        %gather3A_657 = tpu.vector_load_idx %arg8[%add3A_656] : memref<54043xf32, #tpu.memory_space<vmem>>[vector<16xi32>], vector<16xf32>,
        %mul3A_658 = arith.mulf %mul3A_649, %gather3A_657 : vector<16xf32>
        %add3A_659 = arith.addf %add3A_586, %mul3A_658 : vector<16xf32>
        %add3A_660 = arith.constant 1 : i32
        %add3A_661 = vector.broadcast %add3A_660 : i32 to vector<16xi32>
        %add3A_662 = arith.addi %mul3A_653, %add3A_661 : vector<16xi32>
        %gather3A_663 = tpu.vector_load_idx %arg8[%add3A_662] : memref<54043xf32, #tpu.memory_space<vmem>>[vector<16xi32>], vector<16xf32>,
        %mul3A_664 = arith.mulf %mul3A_649, %gather3A_663 : vector<16xf32>
        %add3A_665 = arith.addf %add3A_592, %mul3A_664 : vector<16xf32>
        %add3A_666 = arith.constant 2 : i32
        %add3A_667 = vector.broadcast %add3A_666 : i32 to vector<16xi32>
        %add3A_668 = arith.addi %mul3A_653, %add3A_667 : vector<16xi32>
        %gather3A_669 = tpu.vector_load_idx %arg8[%add3A_668] : memref<54043xf32, #tpu.memory_space<vmem>>[vector<16xi32>], vector<16xf32>,
        %mul3A_670 = arith.mulf %mul3A_649, %gather3A_669 : vector<16xf32>
        %add3A_671 = arith.addf %add3A_598, %mul3A_670 : vector<16xf32>
        %add3A_672 = arith.constant 3 : i32
        %add3A_673 = vector.broadcast %add3A_672 : i32 to vector<16xi32>
        %add3A_674 = arith.addi %mul3A_653, %add3A_673 : vector<16xi32>
        %gather3A_675 = tpu.vector_load_idx %arg8[%add3A_674] : memref<54043xf32, #tpu.memory_space<vmem>>[vector<16xi32>], vector<16xf32>,
        %mul3A_676 = arith.mulf %mul3A_649, %gather3A_675 : vector<16xf32>
        %add3A_677 = arith.addf %add3A_604, %mul3A_676 : vector<16xf32>
        %add3A_678 = arith.constant 4 : i32
        %add3A_679 = vector.broadcast %add3A_678 : i32 to vector<16xi32>
        %add3A_680 = arith.addi %mul3A_653, %add3A_679 : vector<16xi32>
        %gather3A_681 = tpu.vector_load_idx %arg8[%add3A_680] : memref<54043xf32, #tpu.memory_space<vmem>>[vector<16xi32>], vector<16xf32>,
        %mul3A_682 = arith.mulf %mul3A_649, %gather3A_681 : vector<16xf32>
        %add3A_683 = arith.addf %add3A_610, %mul3A_682 : vector<16xf32>
        %add3A_684 = arith.constant 5 : i32
        %add3A_685 = vector.broadcast %add3A_684 : i32 to vector<16xi32>
        %add3A_686 = arith.addi %mul3A_653, %add3A_685 : vector<16xi32>
        %gather3A_687 = tpu.vector_load_idx %arg8[%add3A_686] : memref<54043xf32, #tpu.memory_space<vmem>>[vector<16xi32>], vector<16xf32>,
        %mul3A_688 = arith.mulf %mul3A_649, %gather3A_687 : vector<16xf32>
        %add3A_689 = arith.addf %add3A_616, %mul3A_688 : vector<16xf32>
        %add3A_690 = arith.constant 6 : i32
        %add3A_691 = vector.broadcast %add3A_690 : i32 to vector<16xi32>
        %add3A_692 = arith.addi %mul3A_653, %add3A_691 : vector<16xi32>
        %gather3A_693 = tpu.vector_load_idx %arg8[%add3A_692] : memref<54043xf32, #tpu.memory_space<vmem>>[vector<16xi32>], vector<16xf32>,
        %mul3A_694 = arith.mulf %mul3A_649, %gather3A_693 : vector<16xf32>
        %add3A_695 = arith.addf %add3A_622, %mul3A_694 : vector<16xf32>
        %add3A_696 = arith.constant 7 : i32
        %add3A_697 = vector.broadcast %add3A_696 : i32 to vector<16xi32>
        %add3A_698 = arith.addi %mul3A_653, %add3A_697 : vector<16xi32>
        %gather3A_699 = tpu.vector_load_idx %arg8[%add3A_698] : memref<54043xf32, #tpu.memory_space<vmem>>[vector<16xi32>], vector<16xf32>,
        %mul3A_700 = arith.mulf %mul3A_649, %gather3A_699 : vector<16xf32>
        %add3A_701 = arith.addf %add3A_628, %mul3A_700 : vector<16xf32>
        %add3A_702 = arith.constant 8 : i32
        %add3A_703 = vector.broadcast %add3A_702 : i32 to vector<16xi32>
        %add3A_704 = arith.addi %mul3A_653, %add3A_703 : vector<16xi32>
        %gather3A_705 = tpu.vector_load_idx %arg8[%add3A_704] : memref<54043xf32, #tpu.memory_space<vmem>>[vector<16xi32>], vector<16xf32>,
        %mul3A_706 = arith.mulf %mul3A_649, %gather3A_705 : vector<16xf32>
        %add3A_707 = arith.addf %add3A_634, %mul3A_706 : vector<16xf32>
        %add3A_708 = arith.constant 9 : i32
        %add3A_709 = vector.broadcast %add3A_708 : i32 to vector<16xi32>
        %add3A_710 = arith.addi %mul3A_653, %add3A_709 : vector<16xi32>
        %gather3A_711 = tpu.vector_load_idx %arg8[%add3A_710] : memref<54043xf32, #tpu.memory_space<vmem>>[vector<16xi32>], vector<16xf32>,
        %mul3A_712 = arith.mulf %mul3A_649, %gather3A_711 : vector<16xf32>
        %add3A_713 = arith.addf %add3A_640, %mul3A_712 : vector<16xf32>
        %add3A_714 = arith.constant 10 : i32
        %add3A_715 = vector.broadcast %add3A_714 : i32 to vector<16xi32>
        %add3A_716 = arith.addi %mul3A_653, %add3A_715 : vector<16xi32>
        %gather3A_717 = tpu.vector_load_idx %arg8[%add3A_716] : memref<54043xf32, #tpu.memory_space<vmem>>[vector<16xi32>], vector<16xf32>,
        %mul3A_718 = arith.mulf %mul3A_649, %gather3A_717 : vector<16xf32>
        %add3A_719 = arith.addf %add3A_646, %mul3A_718 : vector<16xf32>
        %mul3A_720 = arith.mulf %mul3A_647, %sub3A_139 : vector<16xf32>
        %add3A_721 = arith.addi %add3A_648, %mul3A_185 : vector<16xi32>
        %mul3A_722 = arith.constant 11 : i32
        %mul3A_723 = vector.broadcast %mul3A_722 : i32 to vector<16xi32>
        %mul3A_724 = arith.muli %add3A_721, %mul3A_723 : vector<16xi32>
        %add3A_725 = arith.constant 0 : i32
        %add3A_726 = vector.broadcast %add3A_725 : i32 to vector<16xi32>
        %add3A_727 = arith.addi %mul3A_724, %add3A_726 : vector<16xi32>
        %gather3A_728 = tpu.vector_load_idx %arg8[%add3A_727] : memref<54043xf32, #tpu.memory_space<vmem>>[vector<16xi32>], vector<16xf32>,
        %mul3A_729 = arith.mulf %mul3A_720, %gather3A_728 : vector<16xf32>
        %add3A_730 = arith.addf %add3A_659, %mul3A_729 : vector<16xf32>
        %add3A_731 = arith.constant 1 : i32
        %add3A_732 = vector.broadcast %add3A_731 : i32 to vector<16xi32>
        %add3A_733 = arith.addi %mul3A_724, %add3A_732 : vector<16xi32>
        %gather3A_734 = tpu.vector_load_idx %arg8[%add3A_733] : memref<54043xf32, #tpu.memory_space<vmem>>[vector<16xi32>], vector<16xf32>,
        %mul3A_735 = arith.mulf %mul3A_720, %gather3A_734 : vector<16xf32>
        %add3A_736 = arith.addf %add3A_665, %mul3A_735 : vector<16xf32>
        %add3A_737 = arith.constant 2 : i32
        %add3A_738 = vector.broadcast %add3A_737 : i32 to vector<16xi32>
        %add3A_739 = arith.addi %mul3A_724, %add3A_738 : vector<16xi32>
        %gather3A_740 = tpu.vector_load_idx %arg8[%add3A_739] : memref<54043xf32, #tpu.memory_space<vmem>>[vector<16xi32>], vector<16xf32>,
        %mul3A_741 = arith.mulf %mul3A_720, %gather3A_740 : vector<16xf32>
        %add3A_742 = arith.addf %add3A_671, %mul3A_741 : vector<16xf32>
        %add3A_743 = arith.constant 3 : i32
        %add3A_744 = vector.broadcast %add3A_743 : i32 to vector<16xi32>
        %add3A_745 = arith.addi %mul3A_724, %add3A_744 : vector<16xi32>
        %gather3A_746 = tpu.vector_load_idx %arg8[%add3A_745] : memref<54043xf32, #tpu.memory_space<vmem>>[vector<16xi32>], vector<16xf32>,
        %mul3A_747 = arith.mulf %mul3A_720, %gather3A_746 : vector<16xf32>
        %add3A_748 = arith.addf %add3A_677, %mul3A_747 : vector<16xf32>
        %add3A_749 = arith.constant 4 : i32
        %add3A_750 = vector.broadcast %add3A_749 : i32 to vector<16xi32>
        %add3A_751 = arith.addi %mul3A_724, %add3A_750 : vector<16xi32>
        %gather3A_752 = tpu.vector_load_idx %arg8[%add3A_751] : memref<54043xf32, #tpu.memory_space<vmem>>[vector<16xi32>], vector<16xf32>,
        %mul3A_753 = arith.mulf %mul3A_720, %gather3A_752 : vector<16xf32>
        %add3A_754 = arith.addf %add3A_683, %mul3A_753 : vector<16xf32>
        %add3A_755 = arith.constant 5 : i32
        %add3A_756 = vector.broadcast %add3A_755 : i32 to vector<16xi32>
        %add3A_757 = arith.addi %mul3A_724, %add3A_756 : vector<16xi32>
        %gather3A_758 = tpu.vector_load_idx %arg8[%add3A_757] : memref<54043xf32, #tpu.memory_space<vmem>>[vector<16xi32>], vector<16xf32>,
        %mul3A_759 = arith.mulf %mul3A_720, %gather3A_758 : vector<16xf32>
        %add3A_760 = arith.addf %add3A_689, %mul3A_759 : vector<16xf32>
        %add3A_761 = arith.constant 6 : i32
        %add3A_762 = vector.broadcast %add3A_761 : i32 to vector<16xi32>
        %add3A_763 = arith.addi %mul3A_724, %add3A_762 : vector<16xi32>
        %gather3A_764 = tpu.vector_load_idx %arg8[%add3A_763] : memref<54043xf32, #tpu.memory_space<vmem>>[vector<16xi32>], vector<16xf32>,
        %mul3A_765 = arith.mulf %mul3A_720, %gather3A_764 : vector<16xf32>
        %add3A_766 = arith.addf %add3A_695, %mul3A_765 : vector<16xf32>
        %add3A_767 = arith.constant 7 : i32
        %add3A_768 = vector.broadcast %add3A_767 : i32 to vector<16xi32>
        %add3A_769 = arith.addi %mul3A_724, %add3A_768 : vector<16xi32>
        %gather3A_770 = tpu.vector_load_idx %arg8[%add3A_769] : memref<54043xf32, #tpu.memory_space<vmem>>[vector<16xi32>], vector<16xf32>,
        %mul3A_771 = arith.mulf %mul3A_720, %gather3A_770 : vector<16xf32>
        %add3A_772 = arith.addf %add3A_701, %mul3A_771 : vector<16xf32>
        %add3A_773 = arith.constant 8 : i32
        %add3A_774 = vector.broadcast %add3A_773 : i32 to vector<16xi32>
        %add3A_775 = arith.addi %mul3A_724, %add3A_774 : vector<16xi32>
        %gather3A_776 = tpu.vector_load_idx %arg8[%add3A_775] : memref<54043xf32, #tpu.memory_space<vmem>>[vector<16xi32>], vector<16xf32>,
        %mul3A_777 = arith.mulf %mul3A_720, %gather3A_776 : vector<16xf32>
        %add3A_778 = arith.addf %add3A_707, %mul3A_777 : vector<16xf32>
        %add3A_779 = arith.constant 9 : i32
        %add3A_780 = vector.broadcast %add3A_779 : i32 to vector<16xi32>
        %add3A_781 = arith.addi %mul3A_724, %add3A_780 : vector<16xi32>
        %gather3A_782 = tpu.vector_load_idx %arg8[%add3A_781] : memref<54043xf32, #tpu.memory_space<vmem>>[vector<16xi32>], vector<16xf32>,
        %mul3A_783 = arith.mulf %mul3A_720, %gather3A_782 : vector<16xf32>
        %add3A_784 = arith.addf %add3A_713, %mul3A_783 : vector<16xf32>
        %add3A_785 = arith.constant 10 : i32
        %add3A_786 = vector.broadcast %add3A_785 : i32 to vector<16xi32>
        %add3A_787 = arith.addi %mul3A_724, %add3A_786 : vector<16xi32>
        %gather3A_788 = tpu.vector_load_idx %arg8[%add3A_787] : memref<54043xf32, #tpu.memory_space<vmem>>[vector<16xi32>], vector<16xf32>,
        %mul3A_789 = arith.mulf %mul3A_720, %gather3A_788 : vector<16xf32>
        %add3A_790 = arith.addf %add3A_719, %mul3A_789 : vector<16xf32>
        %mul3A_791 = arith.constant 5.000000e+01 : f32
        %mul3A_792 = vector.broadcast %mul3A_791 : f32 to vector<16xf32>
        %mul3A_793 = arith.mulf %add3A_730, %mul3A_792 : vector<16xf32>
        %add3A_794 = arith.constant 5.000000e-01 : f32
        %add3A_795 = vector.broadcast %add3A_794 : f32 to vector<16xf32>
        %add3A_796 = arith.addf %mul3A_793, %add3A_795 : vector<16xf32>
        %mul3A_797 = arith.constant 5.000000e+01 : f32
        %mul3A_798 = vector.broadcast %mul3A_797 : f32 to vector<16xf32>
        %mul3A_799 = arith.mulf %add3A_736, %mul3A_798 : vector<16xf32>
        %add3A_800 = arith.constant 5.000000e-01 : f32
        %add3A_801 = vector.broadcast %add3A_800 : f32 to vector<16xf32>
        %add3A_802 = arith.addf %mul3A_799, %add3A_801 : vector<16xf32>
        %mul3A_803 = arith.constant 5.000000e+01 : f32
        %mul3A_804 = vector.broadcast %mul3A_803 : f32 to vector<16xf32>
        %mul3A_805 = arith.mulf %add3A_742, %mul3A_804 : vector<16xf32>
        %add3A_806 = arith.constant 5.000000e-01 : f32
        %add3A_807 = vector.broadcast %add3A_806 : f32 to vector<16xf32>
        %add3A_808 = arith.addf %mul3A_805, %add3A_807 : vector<16xf32>
        %max3A_809 = arith.constant 1.000000e-03 : f32
        %max3A_810 = vector.broadcast %max3A_809 : f32 to vector<16xf32>
        %max3A_811 = arith.maximumf %add3A_748, %max3A_810 : vector<16xf32>
        %max3A_812 = arith.constant 1.000000e-01 : f32
        %max3A_813 = vector.broadcast %max3A_812 : f32 to vector<16xf32>
        %max3A_814 = arith.maximumf %add3A_754, %max3A_813 : vector<16xf32>
        %min3A_815 = arith.constant 1.000000e+00 : f32
        %min3A_816 = vector.broadcast %min3A_815 : f32 to vector<16xf32>
        %min3A_817 = arith.minimumf %max3A_814, %min3A_816 : vector<16xf32>
        %mul3A_818 = arith.mulf %add3A_760, %add3A_760 : vector<16xf32>
        %mul3A_819 = arith.mulf %add3A_766, %add3A_766 : vector<16xf32>
        %add3A_820 = arith.addf %mul3A_818, %mul3A_819 : vector<16xf32>
        %mul3A_821 = arith.mulf %add3A_772, %add3A_772 : vector<16xf32>
        %add3A_822 = arith.addf %add3A_820, %mul3A_821 : vector<16xf32>
        %max3A_823 = arith.constant 1.000000e-30 : f32
        %max3A_824 = vector.broadcast %max3A_823 : f32 to vector<16xf32>
        %max3A_825 = arith.maximumf %add3A_822, %max3A_824 : vector<16xf32>
        %bitcast_convert_type3A = tpu.bitcast %max3A_825 : vector<16xf32> -> vector<16xi32>
        %shift_right_logical3A = arith.constant 1 : i32
        %shift_right_logical3A_826 = vector.broadcast %shift_right_logical3A : i32 to vector<16xi32>
        %shift_right_logical3A_827 = arith.shrui %bitcast_convert_type3A, %shift_right_logical3A_826 : vector<16xi32>
        %sub3A_828 = arith.constant 1597463007 : i32
        %sub3A_829 = vector.broadcast %sub3A_828 : i32 to vector<16xi32>
        %sub3A_830 = arith.subi %sub3A_829, %shift_right_logical3A_827 : vector<16xi32>
        %bitcast_convert_type3A_831 = tpu.bitcast %sub3A_830 : vector<16xi32> -> vector<16xf32>
        %mul3A_832 = arith.constant 5.000000e-01 : f32
        %mul3A_833 = vector.broadcast %mul3A_832 : f32 to vector<16xf32>
        %mul3A_834 = arith.mulf %mul3A_833, %max3A_825 : vector<16xf32>
        %mul3A_835 = arith.mulf %mul3A_834, %bitcast_convert_type3A_831 : vector<16xf32>
        %mul3A_836 = arith.mulf %mul3A_835, %bitcast_convert_type3A_831 : vector<16xf32>
        %sub3A_837 = arith.constant 1.500000e+00 : f32
        %sub3A_838 = vector.broadcast %sub3A_837 : f32 to vector<16xf32>
        %sub3A_839 = arith.subf %sub3A_838, %mul3A_836 : vector<16xf32>
        %mul3A_840 = arith.mulf %bitcast_convert_type3A_831, %sub3A_839 : vector<16xf32>
        %mul3A_841 = arith.constant 5.000000e-01 : f32
        %mul3A_842 = vector.broadcast %mul3A_841 : f32 to vector<16xf32>
        %mul3A_843 = arith.mulf %mul3A_842, %max3A_825 : vector<16xf32>
        %mul3A_844 = arith.mulf %mul3A_843, %mul3A_840 : vector<16xf32>
        %mul3A_845 = arith.mulf %mul3A_844, %mul3A_840 : vector<16xf32>
        %sub3A_846 = arith.constant 1.500000e+00 : f32
        %sub3A_847 = vector.broadcast %sub3A_846 : f32 to vector<16xf32>
        %sub3A_848 = arith.subf %sub3A_847, %mul3A_845 : vector<16xf32>
        %mul3A_849 = arith.mulf %mul3A_840, %sub3A_848 : vector<16xf32>
        %mul3A_850 = arith.constant 5.000000e-01 : f32
        %mul3A_851 = vector.broadcast %mul3A_850 : f32 to vector<16xf32>
        %mul3A_852 = arith.mulf %mul3A_851, %max3A_825 : vector<16xf32>
        %mul3A_853 = arith.mulf %mul3A_852, %mul3A_849 : vector<16xf32>
        %mul3A_854 = arith.mulf %mul3A_853, %mul3A_849 : vector<16xf32>
        %sub3A_855 = arith.constant 1.500000e+00 : f32
        %sub3A_856 = vector.broadcast %sub3A_855 : f32 to vector<16xf32>
        %sub3A_857 = arith.subf %sub3A_856, %mul3A_854 : vector<16xf32>
        %mul3A_858 = arith.mulf %mul3A_849, %sub3A_857 : vector<16xf32>
        %mul3A_859 = arith.mulf %max3A_825, %mul3A_858 : vector<16xf32>
        %max3A_860 = arith.constant 9.99999997E-7 : f32
        %max3A_861 = vector.broadcast %max3A_860 : f32 to vector<16xf32>
        %max3A_862 = arith.maximumf %mul3A_859, %max3A_861 : vector<16xf32>
        %div3A = arith.divf %add3A_760, %max3A_862 : vector<16xf32>
        %div3A_863 = arith.divf %add3A_766, %max3A_862 : vector<16xf32>
        %div3A_864 = arith.divf %add3A_772, %max3A_862 : vector<16xf32>
        %neg3A = arith.constant 0.000000e+00 : f32
        %neg3A_865 = vector.broadcast %neg3A : f32 to vector<16xf32>
        %neg3A_866 = arith.subf %neg3A_865, %add3A_778 : vector<16xf32>
        %exp3A = math.exp %neg3A_866 : vector<16xf32>
        %add3A_867 = arith.constant 1.000000e+00 : f32
        %add3A_868 = vector.broadcast %add3A_867 : f32 to vector<16xf32>
        %add3A_869 = arith.addf %add3A_868, %exp3A : vector<16xf32>
        %div3A_870 = arith.constant 1.000000e+00 : f32
        %div3A_871 = vector.broadcast %div3A_870 : f32 to vector<16xf32>
        %div3A_872 = arith.divf %div3A_871, %add3A_869 : vector<16xf32>
        %neg3A_873 = arith.constant 0.000000e+00 : f32
        %neg3A_874 = vector.broadcast %neg3A_873 : f32 to vector<16xf32>
        %neg3A_875 = arith.subf %neg3A_874, %add3A_784 : vector<16xf32>
        %exp3A_876 = math.exp %neg3A_875 : vector<16xf32>
        %add3A_877 = arith.constant 1.000000e+00 : f32
        %add3A_878 = vector.broadcast %add3A_877 : f32 to vector<16xf32>
        %add3A_879 = arith.addf %add3A_878, %exp3A_876 : vector<16xf32>
        %div3A_880 = arith.constant 1.000000e+00 : f32
        %div3A_881 = vector.broadcast %div3A_880 : f32 to vector<16xf32>
        %div3A_882 = arith.divf %div3A_881, %add3A_879 : vector<16xf32>
        %neg3A_883 = arith.constant 0.000000e+00 : f32
        %neg3A_884 = vector.broadcast %neg3A_883 : f32 to vector<16xf32>
        %neg3A_885 = arith.subf %neg3A_884, %add3A_790 : vector<16xf32>
        %exp3A_886 = math.exp %neg3A_885 : vector<16xf32>
        %add3A_887 = arith.constant 1.000000e+00 : f32
        %add3A_888 = vector.broadcast %add3A_887 : f32 to vector<16xf32>
        %add3A_889 = arith.addf %add3A_888, %exp3A_886 : vector<16xf32>
        %div3A_890 = arith.constant 1.000000e+00 : f32
        %div3A_891 = vector.broadcast %div3A_890 : f32 to vector<16xf32>
        %div3A_892 = arith.divf %div3A_891, %add3A_889 : vector<16xf32>
        %mul3A_893 = arith.constant 4 : i32
        %mul3A_894 = vector.broadcast %mul3A_893 : i32 to vector<16xi32>
        %mul3A_895 = arith.muli %add3A_117, %mul3A_894 : vector<16xi32>
        %add3A_896 = arith.constant 0 : i32
        %add3A_897 = vector.broadcast %add3A_896 : i32 to vector<16xi32>
        %add3A_898 = arith.addi %mul3A_895, %add3A_897 : vector<16xi32>
        tpu.vector_store_idx %arg16[%add3A_898], %add3A_796 : memref<8192xf32, #tpu.memory_space<vmem>>[vector<16xi32>], vector<16xf32>,
        %add3A_899 = arith.constant 1 : i32
        %add3A_900 = vector.broadcast %add3A_899 : i32 to vector<16xi32>
        %add3A_901 = arith.addi %mul3A_895, %add3A_900 : vector<16xi32>
        tpu.vector_store_idx %arg16[%add3A_901], %add3A_802 : memref<8192xf32, #tpu.memory_space<vmem>>[vector<16xi32>], vector<16xf32>,
        %add3A_902 = arith.constant 2 : i32
        %add3A_903 = vector.broadcast %add3A_902 : i32 to vector<16xi32>
        %add3A_904 = arith.addi %mul3A_895, %add3A_903 : vector<16xi32>
        tpu.vector_store_idx %arg16[%add3A_904], %add3A_808 : memref<8192xf32, #tpu.memory_space<vmem>>[vector<16xi32>], vector<16xf32>,
        %add3A_905 = arith.constant 3 : i32
        %add3A_906 = vector.broadcast %add3A_905 : i32 to vector<16xi32>
        %add3A_907 = arith.addi %mul3A_895, %add3A_906 : vector<16xi32>
        tpu.vector_store_idx %arg16[%add3A_907], %max3A_811 : memref<8192xf32, #tpu.memory_space<vmem>>[vector<16xi32>], vector<16xf32>,
        %mul3A_908 = arith.constant 7 : i32
        %mul3A_909 = vector.broadcast %mul3A_908 : i32 to vector<16xi32>
        %mul3A_910 = arith.muli %add3A_117, %mul3A_909 : vector<16xi32>
        %add3A_911 = arith.constant 0 : i32
        %add3A_912 = vector.broadcast %add3A_911 : i32 to vector<16xi32>
        %add3A_913 = arith.addi %mul3A_910, %add3A_912 : vector<16xi32>
        tpu.vector_store_idx %arg18[%add3A_913], %min3A_817 : memref<14336xf32, #tpu.memory_space<vmem>>[vector<16xi32>], vector<16xf32>,
        %add3A_914 = arith.constant 1 : i32
        %add3A_915 = vector.broadcast %add3A_914 : i32 to vector<16xi32>
        %add3A_916 = arith.addi %mul3A_910, %add3A_915 : vector<16xi32>
        tpu.vector_store_idx %arg18[%add3A_916], %div3A : memref<14336xf32, #tpu.memory_space<vmem>>[vector<16xi32>], vector<16xf32>,
        %add3A_917 = arith.constant 2 : i32
        %add3A_918 = vector.broadcast %add3A_917 : i32 to vector<16xi32>
        %add3A_919 = arith.addi %mul3A_910, %add3A_918 : vector<16xi32>
        tpu.vector_store_idx %arg18[%add3A_919], %div3A_863 : memref<14336xf32, #tpu.memory_space<vmem>>[vector<16xi32>], vector<16xf32>,
        %add3A_920 = arith.constant 3 : i32
        %add3A_921 = vector.broadcast %add3A_920 : i32 to vector<16xi32>
        %add3A_922 = arith.addi %mul3A_910, %add3A_921 : vector<16xi32>
        tpu.vector_store_idx %arg18[%add3A_922], %div3A_864 : memref<14336xf32, #tpu.memory_space<vmem>>[vector<16xi32>], vector<16xf32>,
        %add3A_923 = arith.constant 4 : i32
        %add3A_924 = vector.broadcast %add3A_923 : i32 to vector<16xi32>
        %add3A_925 = arith.addi %mul3A_910, %add3A_924 : vector<16xi32>
        tpu.vector_store_idx %arg18[%add3A_925], %div3A_872 : memref<14336xf32, #tpu.memory_space<vmem>>[vector<16xi32>], vector<16xf32>,
        %add3A_926 = arith.constant 5 : i32
        %add3A_927 = vector.broadcast %add3A_926 : i32 to vector<16xi32>
        %add3A_928 = arith.addi %mul3A_910, %add3A_927 : vector<16xi32>
        tpu.vector_store_idx %arg18[%add3A_928], %div3A_882 : memref<14336xf32, #tpu.memory_space<vmem>>[vector<16xi32>], vector<16xf32>,
        %add3A_929 = arith.constant 6 : i32
        %add3A_930 = vector.broadcast %add3A_929 : i32 to vector<16xi32>
        %add3A_931 = arith.addi %mul3A_910, %add3A_930 : vector<16xi32>
        tpu.vector_store_idx %arg18[%add3A_931], %div3A_892 : memref<14336xf32, #tpu.memory_space<vmem>>[vector<16xi32>], vector<16xf32>,
      }
      %scan3A_99 = arith.constant 128 : i32
      %mul3A_100 = arith.constant 4 : i32
      %mul3A_101 = arith.muli %add3A_82, %mul3A_100 : i32
      %dma_start3A_102 = tpu.memref_slice %arg6[%mul3A_101] : memref<2097152xf32, #tpu.memory_space<hbm>> -> memref<8192xf32, #tpu.memory_space<hbm>>
      %dma_start3A_103 = tpu.memref_slice %arg6[%mul3A_101] : memref<2097152xf32, #tpu.memory_space<hbm>> -> memref<8192xf32, #tpu.memory_space<hbm>>
      tpu.enqueue_dma source(%arg16 : memref<8192xf32, #tpu.memory_space<vmem>>) target(%dma_start3A_103 : memref<8192xf32, #tpu.memory_space<hbm>>) target_semaphore(%arg22 : memref<!tpu.dma_semaphore, #tpu.memory_space<semaphore_mem>>)
      %mul3A_104 = arith.constant 7 : i32
      %mul3A_105 = arith.muli %add3A_82, %mul3A_104 : i32
      %dma_start3A_106 = tpu.memref_slice %arg7[%mul3A_105] : memref<3670016xf32, #tpu.memory_space<hbm>> -> memref<14336xf32, #tpu.memory_space<hbm>>
      %dma_start3A_107 = tpu.memref_slice %arg7[%mul3A_105] : memref<3670016xf32, #tpu.memory_space<hbm>> -> memref<14336xf32, #tpu.memory_space<hbm>>
      tpu.enqueue_dma source(%arg18 : memref<14336xf32, #tpu.memory_space<vmem>>) target(%dma_start3A_107 : memref<14336xf32, #tpu.memory_space<hbm>>) target_semaphore(%arg24 : memref<!tpu.dma_semaphore, #tpu.memory_space<semaphore_mem>>)
      %lt3A_108 = arith.constant 3 : i32
      %lt3A_109 = arith.cmpi slt, %scan3A_42, %lt3A_108 : i32
      %convert_element_type3A_110 = arith.extui %lt3A_109 : i1 to i32
      %cond3A_111 = arith.constant 0 : i32
      %cond3A_112 = arith.cmpi ne, %convert_element_type3A_110, %cond3A_111 : i32
      scf.if %cond3A_112 {
        %add3A_113 = arith.constant 4096 : i32
        %add3A_114 = arith.addi %add3A_82, %add3A_113 : i32
        %dma_start3A_115 = tpu.memref_slice %arg2[%add3A_114] : memref<524288xf32, #tpu.memory_space<hbm>> -> memref<2048xf32, #tpu.memory_space<hbm>>
        %dma_start3A_116 = tpu.memref_slice %arg2[%add3A_114] : memref<524288xf32, #tpu.memory_space<hbm>> -> memref<2048xf32, #tpu.memory_space<hbm>>
        tpu.enqueue_dma source(%dma_start3A_116 : memref<2048xf32, #tpu.memory_space<hbm>>) target(%arg10 : memref<2048xf32, #tpu.memory_space<vmem>>) target_semaphore(%arg20 : memref<!tpu.dma_semaphore, #tpu.memory_space<semaphore_mem>>)
        %dma_start3A_117 = tpu.memref_slice %arg3[%add3A_114] : memref<524288xf32, #tpu.memory_space<hbm>> -> memref<2048xf32, #tpu.memory_space<hbm>>
        %dma_start3A_118 = tpu.memref_slice %arg3[%add3A_114] : memref<524288xf32, #tpu.memory_space<hbm>> -> memref<2048xf32, #tpu.memory_space<hbm>>
        tpu.enqueue_dma source(%dma_start3A_118 : memref<2048xf32, #tpu.memory_space<hbm>>) target(%arg12 : memref<2048xf32, #tpu.memory_space<vmem>>) target_semaphore(%arg20 : memref<!tpu.dma_semaphore, #tpu.memory_space<semaphore_mem>>)
        %dma_start3A_119 = tpu.memref_slice %arg4[%add3A_114] : memref<524288xf32, #tpu.memory_space<hbm>> -> memref<2048xf32, #tpu.memory_space<hbm>>
        %dma_start3A_120 = tpu.memref_slice %arg4[%add3A_114] : memref<524288xf32, #tpu.memory_space<hbm>> -> memref<2048xf32, #tpu.memory_space<hbm>>
        tpu.enqueue_dma source(%dma_start3A_120 : memref<2048xf32, #tpu.memory_space<hbm>>) target(%arg14 : memref<2048xf32, #tpu.memory_space<vmem>>) target_semaphore(%arg20 : memref<!tpu.dma_semaphore, #tpu.memory_space<semaphore_mem>>)
      } else {
      }
    }
    %scan3A_22 = arith.constant 4 : i32
    %add3A_23 = arith.constant 12288 : i32
    %add3A_24 = arith.addi %mul3A_2, %add3A_23 : i32
    %mul3A_25 = arith.constant 4 : i32
    %mul3A_26 = arith.muli %add3A_24, %mul3A_25 : i32
    %dma_wait3A = tpu.memref_slice %arg6[%mul3A_26] : memref<2097152xf32, #tpu.memory_space<hbm>> -> memref<8192xf32, #tpu.memory_space<hbm>>
    %dma_wait3A_27 = tpu.memref_slice %arg6[%mul3A_26] : memref<2097152xf32, #tpu.memory_space<hbm>> -> memref<8192xf32, #tpu.memory_space<hbm>>
    tpu.wait_dma2 semaphore(%arg21 : memref<!tpu.dma_semaphore, #tpu.memory_space<semaphore_mem>>) src(%arg15 : memref<8192xf32, #tpu.memory_space<vmem>>) dst(%dma_wait3A_27 : memref<8192xf32, #tpu.memory_space<hbm>>)
    %mul3A_28 = arith.constant 7 : i32
    %mul3A_29 = arith.muli %add3A_24, %mul3A_28 : i32
    %dma_wait3A_30 = tpu.memref_slice %arg7[%mul3A_29] : memref<3670016xf32, #tpu.memory_space<hbm>> -> memref<14336xf32, #tpu.memory_space<hbm>>
    %dma_wait3A_31 = tpu.memref_slice %arg7[%mul3A_29] : memref<3670016xf32, #tpu.memory_space<hbm>> -> memref<14336xf32, #tpu.memory_space<hbm>>
    tpu.wait_dma2 semaphore(%arg23 : memref<!tpu.dma_semaphore, #tpu.memory_space<semaphore_mem>>) src(%arg17 : memref<14336xf32, #tpu.memory_space<vmem>>) dst(%dma_wait3A_31 : memref<14336xf32, #tpu.memory_space<hbm>>)
    %add3A_32 = arith.constant 14336 : i32
    %add3A_33 = arith.addi %mul3A_2, %add3A_32 : i32
    %mul3A_34 = arith.constant 4 : i32
    %mul3A_35 = arith.muli %add3A_33, %mul3A_34 : i32
    %dma_wait3A_36 = tpu.memref_slice %arg6[%mul3A_35] : memref<2097152xf32, #tpu.memory_space<hbm>> -> memref<8192xf32, #tpu.memory_space<hbm>>
    %dma_wait3A_37 = tpu.memref_slice %arg6[%mul3A_35] : memref<2097152xf32, #tpu.memory_space<hbm>> -> memref<8192xf32, #tpu.memory_space<hbm>>
    tpu.wait_dma2 semaphore(%arg22 : memref<!tpu.dma_semaphore, #tpu.memory_space<semaphore_mem>>) src(%arg16 : memref<8192xf32, #tpu.memory_space<vmem>>) dst(%dma_wait3A_37 : memref<8192xf32, #tpu.memory_space<hbm>>)
    %mul3A_38 = arith.constant 7 : i32
    %mul3A_39 = arith.muli %add3A_33, %mul3A_38 : i32
    %dma_wait3A_40 = tpu.memref_slice %arg7[%mul3A_39] : memref<3670016xf32, #tpu.memory_space<hbm>> -> memref<14336xf32, #tpu.memory_space<hbm>>
    %dma_wait3A_41 = tpu.memref_slice %arg7[%mul3A_39] : memref<3670016xf32, #tpu.memory_space<hbm>> -> memref<14336xf32, #tpu.memory_space<hbm>>
    tpu.wait_dma2 semaphore(%arg24 : memref<!tpu.dma_semaphore, #tpu.memory_space<semaphore_mem>>) src(%arg18 : memref<14336xf32, #tpu.memory_space<vmem>>) dst(%dma_wait3A_41 : memref<14336xf32, #tpu.memory_space<hbm>>)
    return
  }
}

</mosaic_0001>

<sc_bundles>
// kernel: _run.3.cloned.1.call-start
scs
__scs_entry_jumppad:
0x0: {  	(pc) =	sbr.rel $0x88, $3  }
0x1: {  	(tag) =	ssettag $0x0;
	lr =	simm.s32 $0x1  }
0x2: {  	[smem:$0x3F9D] =	sst lr;
	_ =	strace $0xD0000000  }
0x3: {  	_ = 	snop  }
0x4: {  	_ = 	snop  }
0x5: {  	_ = 	snop  }
0x6: {  	_ = 	snop  }
0x7: {  	_ = 	snop  }
__scs_overlays_trampoline_lowered:
0x8: {  	[smem:$0x3FAC] =	sst s0  }
0x9: {  	[smem:$0x3FAD] =	sst s1  }
0xa: {  	[smem:$0x3FAE] =	sst s2  }
0xb: {  	[smem:$0x3FAF] =	sst s3  }
0xc: {  	[smem:$0x3FB0] =	sst s4  }
0xd: {  	[smem:$0x3FB1] =	sst s5  }
0xe: {  	[smem:$0x3FB2] =	sst s6  }
0xf: {  	[smem:$0x3FB3] =	sst s7  }
0x10: {  	[smem:$0x3FB4] =	sst s8  }
0x11: {  	[smem:$0x3FB5] =	sst s9;
	s0 =	simm.s32 @!p0 $0x0  }
0x12: {  	s1 =	sld [smem:$0x3F9B];
	s0 =	simm.s32 @p0 $0x1  }
0x13: {  	[smem:$0x3FB6] =	sst s0;
	s0 =	simm.s32 @!p1 $0x0  }
0x14: {  	s2 =	sld [smem:$0x3F9A];
	s0 =	simm.s32 @p1 $0x1  }
0x15: {  	[smem:$0x3FB7] =	sst s0;
	s0 =	simm.s32 @!p2 $0x0  }
0x16: {  	s3 =	sld [smem:$0x3FDB];
	s0 =	simm.s32 @p2 $0x1  }
0x17: {  	s4 =	simm.s32 $0x1BF5;
	[smem:$0x3FB9] =	sst s0  }
0x18: {  	s0 =	sld [smem:$0x3F9C];
	_ =	swait.ge [sflag:s4], $0x0  }
0x19: {  	s7 =	sld [smem:$0x3F9D]  }
0x1a: {  	s8 =	sadd.s32 $0xFFFFE003, lr  }
0x1b: {  	s9 =	sadd.s32 $0xFFFFFEF7, lr;
	s5 =	simm.s32 $0xFFFFFFFF;
	p2 =	slt.u32 s8, $0xFFFFF086  }
0x1c: {  	p1 =	slt.u32 s9, $0xF7A;
	s5 =	simm.s32 @!p2 $0x0  }
0x1d: {  	s5 =	simm.s32 @p1 $0x1;
	p0 =	seq.s32 s7, s2  }
0x1e: {  	s7 =	smul.u32 @!p0 $0xF7A, s2;
	p2 =	seq.s32 @!p0 s5, $0x0  }
0x1f: {  	s9 =	smul.u32 $0xF7A, s1;
	s8 =	simm.s32 @!p0 $0x1BF5;
	p2 =	por !p2, p0  }
0x20: {  	[sflag:s8] =	ssyncset.s32 @!p0 $0xFFFFF086;
	s6 =	sadd.s32 @!p0 s3, s7;
	s7 =	simm.s32 @!p0 $0x108  }
0x21: {  	s3 =	sadd.s32 s3, s9;
	s6 =	sadd.s32 @!p0 $0x88, s6;
	s7 =	simm.s32 @p2 $0x1082  }
0x22: {  	[simem:s7], [sflag:s8] =	dma.local @!p0 [hbm:s6], $0xF7A  }
0x23: {  	s9 =	sor.u32 $0xD0000000, s2;
	s6 =	simm.s32 $0x108;
	_ =	swait.ge @!p0 [sflag:s8], $0x0  }
0x24: {  	s3 =	sadd.s32 $0x88, s3;
	s6 =	simm.s32 @!p1 $0x1082;
	[sflag:s4] =	ssyncset.s32 $0xFFFFF086  }
0x25: {  	[simem:s6], [sflag:s4] =	dma.local [hbm:s3], $0xF7A  }
0x26: {  	[smem:$0x3F9D] =	sst s1;
	(tag) =	ssettag s2;
	_ =	strace s9  }
0x27: {  	s1 =	sld [smem:$0x3FAD]  }
0x28: {  	s2 =	sld [smem:$0x3FAE]  }
0x29: {  	s4 =	sld [smem:$0x3FB0]  }
0x2a: {  	p0 =	seq.s32 s5, $0x0;
	s5 =	sld [smem:$0x3FB1]  }
0x2b: {  	s6 =	sld [smem:$0x3FB2]  }
0x2c: {  	s7 =	sld [smem:$0x3FB3]  }
0x2d: {  	s3 =	simm.s32 $0x108;
	s8 =	sld [smem:$0x3FB4]  }
0x2e: {  	s3 =	simm.s32 @!p0 $0x1082;
	s9 =	sld [smem:$0x3FB5]  }
0x2f: {  	lr =	sadd.s32 s0, s3;
	s0 =	sld [smem:$0x3FAC]  }
0x30: {  	s3 =	sld [smem:$0x3FAF]  }
0x31: {  	[smem:$0x3FB8] =	sst s10  }
0x32: {  	s10 =	sld [smem:$0x3FB6];
	_ =	sdelay $0x3  }
0x33: {  	p0 =	seq.s32 s10, $0x1;
	s10 =	sld [smem:$0x3FB8];
	_ =	sdelay $0x3  }
0x34: {  	[smem:$0x3FB8] =	sst s10  }
0x35: {  	s10 =	sld [smem:$0x3FB7];
	_ =	sdelay $0x3  }
0x36: {  	p1 =	seq.s32 s10, $0x1;
	s10 =	sld [smem:$0x3FB8];
	_ =	sdelay $0x3  }
0x37: {  	[smem:$0x3FB8] =	sst s10  }
0x38: {  	s10 =	sld [smem:$0x3FB9]  }
0x39: {  	_ = 	snop;
	(pc) =	sbr.ind lr, $3  }
0x3a: {  	_ = 	snop  }
0x3b: {  	_ = 	snop  }
0x3c: {  	p2 =	seq.s32 s10, $0x1;
	s10 =	sld [smem:$0x3FB8]  }
0x3d: {  	_ =	shalt  }
0x3e: {  	_ =	shalt  }
0x3f: {  	_ =	shalt  }
0x40: {  	_ =	shalt  }
0x41: {  	_ =	shalt  }
0x42: {  	_ =	shalt  }
0x43: {  	_ =	shalt  }
0x44: {  	_ =	shalt  }
0x45: {  	_ =	shalt  }
0x46: {  	_ =	shalt  }
0x47: {  	_ =	shalt  }
0x48: {  	_ =	shalt  }
0x49: {  	_ =	shalt  }
0x4a: {  	_ =	shalt  }
0x4b: {  	_ =	shalt  }
0x4c: {  	_ =	shalt  }
0x4d: {  	_ =	shalt  }
0x4e: {  	_ =	shalt  }
0x4f: {  	_ =	shalt  }
0x50: {  	_ =	shalt  }
0x51: {  	_ =	shalt  }
0x52: {  	_ =	shalt  }
0x53: {  	_ =	shalt  }
0x54: {  	_ =	shalt  }
0x55: {  	_ =	shalt  }
0x56: {  	_ =	shalt  }
0x57: {  	_ =	shalt  }
0x58: {  	_ =	shalt  }
0x59: {  	_ =	shalt  }
0x5a: {  	_ =	shalt  }
0x5b: {  	_ =	shalt  }
0x5c: {  	_ =	shalt  }
0x5d: {  	_ =	shalt  }
0x5e: {  	_ =	shalt  }
0x5f: {  	_ =	shalt  }
0x60: {  	_ =	shalt  }
0x61: {  	_ =	shalt  }
0x62: {  	_ =	shalt  }
0x63: {  	_ =	shalt  }
0x64: {  	_ =	shalt  }
0x65: {  	_ =	shalt  }
0x66: {  	_ =	shalt  }
0x67: {  	_ =	shalt  }
0x68: {  	_ =	shalt  }
0x69: {  	_ =	shalt  }
0x6a: {  	_ =	shalt  }
0x6b: {  	_ =	shalt  }
0x6c: {  	_ =	shalt  }
0x6d: {  	_ =	shalt  }
0x6e: {  	_ =	shalt  }
0x6f: {  	_ =	shalt  }
0x70: {  	_ =	shalt  }
0x71: {  	_ =	shalt  }
0x72: {  	_ =	shalt  }
0x73: {  	_ =	shalt  }
0x74: {  	_ =	shalt  }
0x75: {  	_ =	shalt  }
0x76: {  	_ =	shalt  }
0x77: {  	_ =	shalt  }
0x78: {  	_ =	shalt  }
0x79: {  	_ =	shalt  }
0x7a: {  	_ =	shalt  }
0x7b: {  	_ =	shalt  }
0x7c: {  	_ =	shalt  }
0x7d: {  	_ =	shalt  }
0x7e: {  	_ =	shalt  }
0x7f: {  	_ =	shalt  }
0x80: {  	_ =	shalt  }
0x81: {  	_ =	shalt  }
0x82: {  	_ =	shalt  }
0x83: {  	_ =	shalt  }
0x84: {  	_ =	shalt  }
0x85: {  	_ =	shalt  }
0x86: {  	_ =	shalt  }
0x87: {  	_ =	shalt  }
.Lfunc_end0:
.L_simem_size_0:
called_computation_lowered:
.L_overlay_start_0:
0x88: {  	s2 =	sld [smem:$0x3FD9]  }
0x89: {  	s3 =	sld [smem:$0x3FFE];
	_ =	sdelay $0x1  }
0x8a: {  	s1 =	srdreg.scid  }
0x8b: {  	s0 =	sand.u32 $0x1, s1  }
0x8c: {  	s15 =	sshll.u32 s0, $0xA;
	s2 =	sadd.s32 s3, s2  }
0x8d: {  	s2 =	sadd.s32 s2, s15  }
0x8e: {  	[smem:$0x3FC4] =	sst s2  }
0x8f: {  	_ = 	snop  }
0x90: {  	s2 =	sld [smem:$0x3FC9]  }
0x91: {  	s16 =	sld [smem:$0x3FD0]  }
0x92: {  	s4 =	sld [smem:$0x3FC8]  }
0x93: {  	s5 =	sld [smem:$0x3FC7]  }
0x94: {  	s7 =	simm.s32 $0xA;
	s8 =	simm.s32 $0x10;
	s6 =	sld [smem:$0x3FC6]  }
0x95: {  	[smem:s8], [sflag:s7] =	dma.local [hbm:s16], $0x1  }
0x96: {  	_ =	swait.eq [sflag:s7], $0x1  }
0x97: {  	[sflag:s7] =	ssyncset.done $0x0  }
0x98: {  	s17 =	sld [smem:$0x10];
	[sflag:s7] =	ssyncadd.s32 $0xFFFFFFFF  }
0x99: {  	s18 =	sld [smem:$0x11];
	(tm) =	ssettm $0x1  }
0x9a: {  	s19 =	sld [smem:$0x3FFB];
	_ =	sdelay $0x3  }
0x9b: {  	_ =	strace s19  }
0x9c: {  	s8 =	sld [smem:$0x3FFC];
	_ =	sdelay $0x3  }
0x9d: {  	_ =	strace s8  }
0x9e: {  	s8 =	sld [smem:$0x3FFD];
	_ =	sdelay $0x3  }
0x9f: {  	_ =	strace s8  }
0xa0: {  	_ =	strace $0x8FFFFFFF  }
0xa1: {  	s20 =	sld [smem:$0x3FDB];
	_ =	sdelay $0x1  }
0xa2: {  	s9 =	simm.s32 $_scs_section_size  }
0xa3: {  	s10 =	simm.s32 $_size__tile_overlayer_lowered;
	s11 =	simm.s32 $_tile_overlayer_lowered  }
0xa4: {  	s23 =	simm.s32 $0x1BFF;
	s22 =	sshll.u32 s11, $0x1;
	s8 =	sadd.s32 s9, s20  }
0xa5: {  	s12 =	simm.s32 $0x0;
	s21 =	sshll.u32 s10, $0x1;
	s10 =	sadd.s32 s22, s8  }
0xa6: {  	[timem:s12], [sflag:s23] =	dma.local [hbm:s10], s21  }
0xa7: {  	_ =	swait.ge [sflag:s23], s21  }
0xa8: {  	s9 =	ssub.s32 $0x0, s21;
	[sflag:s23] =	ssyncset.done $0x0  }
0xa9: {  	[sflag:s23] =	ssyncadd.s32 s9;
	_ =	sdelay $0x1  }
0xaa: {  	s24 =	simm.s32 $0x1B8B  }
0xab: {  	_ =	swait.ge [sflag:s24], $0x1  }
0xac: {  	[sflag:s24] =	ssyncset.done $0x0  }
0xad: {  	s25 =	simm.s32 $0x1B8E;
	[sflag:s24] =	ssyncadd.s32 $0xFFFFFFFF  }
0xae: {  	s26 =	simm.s32 $execute0_lowered;
	[smem:$0x3FD2] =	sst s25  }
0xaf: {  	s9 =	sshll.u32 s26, $0x1;
	_ =	strace $0x80000046;
	[dreg:$0x1] =	wrdreg $0xFFFFFFFF  }
0xb0: {  	s28 =	simm.s32 $_size_execute0_lowered;
	s8 =	sadd.s32 s8, s9;
	[dreg:$0x0] =	wrdreg $0x0  }
0xb1: {  	s9 =	sshll.u32 s28, $0x1;
	[dreg:$0x2] =	wrdreg s8  }
0xb2: {  	[dreg:$0x3] =	wrdreg s9  }
0xb3: {  	[dreg:$0x4] =	wrdreg $0xC0  }
0xb4: {  	_ =	task [dreg:s12], $0x5FFFF  }
0xb5: {  	[dreg:$0x1] =	wrdreg $0xFFFFFFFF  }
0xb6: {  	[dreg:$0x0] =	wrdreg $0x60  }
0xb7: {  	[dreg:$0x2] =	wrdreg s2  }
0xb8: {  	[dreg:$0x3] =	wrdreg s4  }
0xb9: {  	[dreg:$0x4] =	wrdreg s5  }
0xba: {  	[dreg:$0x5] =	wrdreg s6  }
0xbb: {  	[dreg:$0x6] =	wrdreg s17  }
0xbc: {  	[dreg:$0x7] =	wrdreg s18  }
0xbd: {  	[dreg:$0x8] =	wrdreg $0x9  }
0xbe: {  	_ =	task.clear_ibuf [dreg:s12], $0x9FFFF;
	_ =	strace $0x90000046  }
0xbf: {  	s29 =	simm.s32 $0x9;
	_ =	strace $0x80000048  }
0xc0: {  	_ =	swait.ge [sflag:s29], $0x1  }
0xc1: {  	[sflag:s29] =	ssyncadd.s32 $0xFFFFFFFF  }
0xc2: {  	_ =	strace $0x90000048  }
0xc3: {  	_ =	sfence  }
0xc4: {  	s30 =	sld [smem:$0x0];
	_ =	sdelay $0x2  }
0xc5: {  	s31 =	sshll.u32 s1, $0xD;
	s1 =	sshrl.u32 s1, $0x2  }
0xc6: {  	s3 =	sand.u32 $0x4000, s31;
	s1 =	sadd.s32 s1, s30  }
0xc7: {  	s0 =	sor.u32 s3, s0;
	s1 =	sshll.u32 s1, $0x11  }
0xc8: {  	s0 =	sor.u32 s1, s0  }
0xc9: {  	s0 =	sadd.s32 $0x8F2B, s0  }
0xca: {  	[sflag:s0] =	ssyncadd.remote.s32 $0x1  }
0xcb: {  	_ =	sfence.sel $0xFFFF  }
0xcc: {  	[dreg:$0x0] =	wrdreg $0xFFFFFFFF;
	(pc) =	sbr.abs _section_cstart, $3  }
0xcd: {  	[dreg:$0x1] =	wrdreg $0xFFFFFFFF  }
0xce: {  	_ =	task.clear_ibuf [dreg:s12], $0x2FFFF;
	_ =	strace $0x9FFFFFFF  }
0xcf: {  	(tm) =	ssettm $0x7FFFFFFF  }
tec
execute0_lowered:
.L_overlay_start_1:
0x0: {  	(tag) =	ssettag $0x1  }
0x1: {  	s0 =	rddreg [dreg:$0x0]  }
0x2: {  	s2 =	rddreg [dreg:$0x1]  }
0x3: {  	s3 =	rddreg [dreg:$0x2]  }
0x4: {  	s6 =	rddreg [dreg:$0x4]  }
0x5: {  	s7 =	rddreg [dreg:$0x5]  }
0x6: {  	s1 =	srdreg.scid;
	s4 =	stileid.u32;
	s8 =	simm.s32 $0x0  }
0x7: {  	s17 =	simm.s32 $0x7;
	s21 =	simm.s32 $0xDB80;
	s28 =	simm.s32 $0x2  }
0x8: {  	s29 =	simm.s32 $0x12380;
	s30 =	simm.s32 $0x17B80;
	s31 =	simm.s32 $0x3  }
0x9: {  	s18 =	simm.s32 $0x0;
	s1 =	sand.u32 $0x1, s1;
	s4 =	sshll.u32 s4, $0xF  }
0xa: {  	[smem:$0x7FF] =	sst s8;
	s5 =	sshll.u32 s1, $0xE;
	s1 =	ssub.s32 $0x2, s1  }
0xb: {  	_ =	strace $0x80000047;
	s9 =	sor.u32 s5, s4;
	s22 =	sshrl.u32 s1, $0x1  }
0xc: {  	s4 =	simm.s32 $0x6;
	s5 =	sshrl.u32 s9, $0x3;
	s1 =	ssub.s32 s1, s22  }
0xd: {  	s22 =	simm.s32 $0xEB80;
	s23 =	sadd.s32 s0, s5;
	s24 =	sor.u32 $0x100, s5  }
0xe: {  	s10 =	sadd.s32 s2, s5;
	s5 =	sadd.s32 s3, s5;
	[dreg:$0x7] =	wrdreg s23  }
.Ltmp0:
0xf: {  	s16 =	smax.u32 s1, $0x1;
	[dreg:$0x8] =	wrdreg s10;
	(pc) =	sbr.rel .LBB2_1-.Ltmp0, $4  }
0x10: {  	s1 =	simm.s32 $0x5;
	[dreg:$0x9] =	wrdreg s5;
	s25 =	sadd.s32 s0, s24  }
0x11: {  	s26 =	sadd.s32 s2, s24;
	s15 =	sadd.s32 s3, s24;
	s23 =	simm.s32 $0xFB80  }
0x12: {  	s24 =	simm.s32 $0x1;
	s5 =	simm.s32 $0x4;
	[dreg:$0xa] =	wrdreg s25  }
0x13: {  	v0 =	vlaneseq.u32;
	[dreg:$0xb] =	wrdreg s26;
	s25 =	simm.s32 $0x10380;
	s26 =	simm.s32 $0x14380  }
.LBB2_8:
0x14: {  	_ =	swait.ge [sflag:s31], $0x2000  }
0x15: {  	[sflag:s31] =	ssyncset.done $0x0  }
0x16: {  	[sflag:s31] =	ssyncadd.s32 $0xFFFFE000  }
0x17: {  	_ =	swait.ge [sflag:s1], $0x3800  }
0x18: {  	[sflag:s1] =	ssyncset.done $0x0  }
0x19: {  	s18 =	sadd.s32 $0x1, s18;
	[sflag:s1] =	ssyncadd.s32 $0xFFFFC800  }
0x1a: {  	p0 =	sne.s32 s18, s16;
	_ =	swait.ge [sflag:s5], $0x2000  }
.Ltmp1:
0x1b: {  	[sflag:s5] =	ssyncset.done $0x0;
	(pc) =	sbr.rel @!p0 .LBB2_9-.Ltmp1, $4  }
0x1c: {  	[sflag:s5] =	ssyncadd.s32 $0xFFFFE000  }
0x1d: {  	_ =	swait.ge [sflag:s4], $0x3800  }
0x1e: {  	[sflag:s4] =	ssyncset.done $0x0  }
0x1f: {  	[sflag:s4] =	ssyncadd.s32 $0xFFFFC800  }
.LBB2_1:
0x20: {  	s10 =	rddreg [dreg:$0x3]  }
0x21: {  	[tilespmem:s8], [sflag:$0x7] =	stream.linear.gather [hbm4b:s10+s8], $0xD380, $0x38;
	[tilespmem:$0x1B380] =	vst v63  }
0x22: {  	_ =	swait.ge [sflag:s17], $0xD380  }
0x23: {  	[sflag:s17] =	ssyncset.done $0x0  }
0x24: {  	s11 =	simm.s32 $0xD380;
	s20 =	rddreg [dreg:$0x7];
	[sflag:s17] =	ssyncadd.s32 $0xFFFF2C80  }
0x25: {  	[tilespmem:s11], [sflag:$0x1] =	stream.linear.gather [hbm4b:s20+s8], $0x800, $0x38;
	[tilespmem:$0x1B380] =	vst v63  }
0x26: {  	s12 =	simm.s32 $0xE380;
	s11 =	rddreg [dreg:$0x8]  }
0x27: {  	[tilespmem:s12], [sflag:$0x1] =	stream.linear.gather [hbm4b:s11+s8], $0x800, $0x38;
	[tilespmem:$0x1B380] =	vst v63  }
0x28: {  	s14 =	simm.s32 $0xF380;
	s13 =	rddreg [dreg:$0x9]  }
0x29: {  	[tilespmem:s14], [sflag:$0x1] =	stream.linear.gather [hbm4b:s13+s8], $0x800, $0x38;
	[tilespmem:$0x1B380] =	vst v63  }
0x2a: {  	s19 =	rddreg [dreg:$0xa]  }
0x2b: {  	[tilespmem:s21], [sflag:$0x2] =	stream.linear.gather [hbm4b:s19+s8], $0x800, $0x38;
	[tilespmem:$0x1B380] =	vst v63  }
0x2c: {  	s20 =	rddreg [dreg:$0xb]  }
0x2d: {  	[tilespmem:s22], [sflag:$0x2] =	stream.linear.gather [hbm4b:s20+s8], $0x800, $0x38;
	[tilespmem:$0x1B380] =	vst v63  }
0x2e: {  	s19 =	simm.s32 $0x0  }
0x2f: {  	[tilespmem:s23], [sflag:$0x2] =	stream.linear.gather [hbm4b:s15+s8], $0x800, $0x38;
	[tilespmem:$0x1B380] =	vst v63  }
.LBB2_2:
0x30: {  	_ =	swait.ge [sflag:s24], $0x800  }
0x31: {  	[sflag:s24] =	ssyncset.done $0x0  }
0x32: {  	[sflag:s24] =	ssyncadd.s32 $0xFFFFF800  }
0x33: {  	_ =	swait.ge [sflag:s24], $0x800  }
0x34: {  	[sflag:s24] =	ssyncset.done $0x0  }
0x35: {  	[sflag:s24] =	ssyncadd.s32 $0xFFFFF800  }
0x36: {  	_ =	swait.ge [sflag:s24], $0x800  }
0x37: {  	p0 =	seq.s32 s19, $0x0;
	[sflag:s24] =	ssyncset.done $0x0  }
0x38: {  	s10 =	simm.s32 @!p0 $0x3;
	[sflag:s24] =	ssyncadd.s32 $0xFFFFF800  }
0x39: {  	_ =	swait.ge @!p0 [sflag:s10], $0x2000  }
0x3a: {  	[sflag:s10] =	ssyncset.done @!p0 $0x0  }
0x3b: {  	[sflag:s10] =	ssyncadd.s32 @!p0 $0xFFFFE000;
	s10 =	simm.s32 @!p0 $0x5  }
0x3c: {  	s11 =	sshll.u32 s19, $0xC;
	s12 =	simm.s32 $0xE380;
	_ =	swait.ge @!p0 [sflag:s10], $0x3800  }
0x3d: {  	s13 =	simm.s32 $0xF380;
	s20 =	sor.u32 s9, s11;
	[sflag:s10] =	ssyncset.done @!p0 $0x0  }
0x3e: {  	s11 =	simm.s32 $0xD380;
	[sflag:s10] =	ssyncadd.s32 @!p0 $0xFFFFC800;
	s10 =	simm.s32 $0x0  }
.LBB2_3:
0x3f: {  	v1 =	vld [tilespmem:s12+$0x0]  }
0x40: {  	v2 =	vld [tilespmem:s13+$0x0]  }
0x41: {  	v3 =	vld [tilespmem:s11+$0x0];
	_ =	sdelay $0x3  }
0x42: {  	v1 =	vmul.f32 $1.600000000e+01, v1;
	v2 =	vmul.f32 $1.600000000e+01, v2  }
0x43: {  	v3 =	vmul.f32 $1.600000000e+01, v3  }
0x44: {  	v4 =	vtrunc.f32 v1;
	v5 =	vtrunc.f32 v2  }
0x45: {  	v6 =	vtrunc.f32 v3;
	v4 =	vcvt.f32.s32 v4  }
0x46: {  	v5 =	vcvt.f32.s32 v5;
	v6 =	vcvt.f32.s32 v6;
	_ =	sdelay $0x1  }
0x47: {  	vm0 =	vgt.s32 v4, $0x0;
	vm11 =	vgt.s32 v5, $0x0;
	vm12 =	vgt.s32 v6, $0x0  }
0x48: {  	v10 =	vcvt.s32.f32 v6;
	v12 =	vcvt.s32.f32 v4;
	v13 =	vadd.s32 $0x1, v5  }
0x49: {  	v7 =	vnsel vm0, $0x0, v4;
	v8 =	vnsel vm11, $0x0, v5;
	v9 =	vnsel vm12, $0x0, v6  }
0x4a: {  	vm13 =	vlt.s32 v13, $0x10;
	v4 =	vadd.s32 $0x1, v4;
	v6 =	vadd.s32 $0x1, v6  }
0x4b: {  	v7 =	vmin.u32 v7, $0x10;
	v8 =	vmin.u32 v8, $0x10;
	v9 =	vmin.u32 v9, $0x10  }
0x4c: {  	v3 =	vsub.f32 v3, v10;
	v20 =	vsub.f32 v1, v12;
	v1 =	vcvt.s32.f32 v5  }
0x4d: {  	v51 =	vnsel vm13, $0x10, v13;
	vm14 =	vlt.s32 v4, $0x10;
	v7 =	vmul.u32 $0x11, v7  }
0x4e: {  	vm15 =	vlt.s32 v6, $0x10;
	v8 =	vmul.u32 $0x121, v8;
	v5 =	vmul.u32 $0x121, v51  }
0x4f: {  	v4 =	vnsel vm14, $0x10, v4;
	v6 =	vnsel vm15, $0x10, v6;
	v11 =	vadd.s32 v9, v7  }
0x50: {  	v1 =	vsub.f32 v2, v1;
	v54 =	vsub.f32 $1.000000000e+00, v3;
	v14 =	vadd.s32 v8, v11  }
0x51: {  	v21 =	vsub.f32 $1.000000000e+00, v20;
	v4 =	vmul.u32 $0x11, v4;
	v19 =	vmul.u32 $0xB, v14  }
0x52: {  	v7 =	vadd.s32 v6, v7;
	v11 =	vadd.s32 v5, v11;
	v22 =	vsub.f32 $1.000000000e+00, v1  }
0x53: {  	v56 =	vmul.f32 v21, v54;
	v9 =	vadd.s32 v9, v4;
	v52 =	vadd.s32 $0x5, v19  }
0x54: {  	v59 =	vadd.s32 v8, v7;
	v17 =	vmul.u32 $0xB, v11;
	v2 =	vadd.s32 $0x6, v19  }
0x55: {  	v34 =	vmul.f32 v20, v54;
	v7 =	vadd.s32 v5, v7;
	v53 =	vadd.s32 $0x7, v19  }
0x56: {  	v4 =	vadd.s32 v6, v4;
	v21 =	vmul.f32 v21, v3;
	v16 =	vadd.s32 $0x5, v17  }
0x57: {  	v15 =	vadd.s32 v8, v9;
	v11 =	vmul.u32 $0xB, v59;
	v23 =	vadd.s32 $0x6, v17;
	v55 =	vld.idx.msk [tilespmem:v19+s8+$0x0], $0xffff  }
0x58: {  	v3 =	vmul.f32 v20, v3;
	v15 =	vmul.u32 $0xB, v15;
	v27 =	vadd.s32 $0x7, v17;
	v10 =	vld.idx.msk [tilespmem:v52+s8+$0x0], $0xffff  }
0x59: {  	v9 =	vadd.s32 v5, v9;
	v8 =	vadd.s32 v8, v4;
	v36 =	vadd.s32 $0x5, v11;
	v2 =	vld.idx.msk [tilespmem:v2+s8+$0x0], $0xffff  }
0x5a: {  	v4 =	vadd.s32 v5, v4;
	v18 =	vmul.f32 v22, v56;
	v31 =	vadd.s32 $0x6, v15;
	v12 =	vld.idx.msk [tilespmem:v53+s8+$0x0], $0xffff  }
0x5b: {  	v13 =	vmul.u32 $0xB, v9;
	v14 =	vmul.f32 v22, v34;
	v30 =	vadd.s32 $0x5, v15;
	v57 =	vld.idx.msk [tilespmem:v16+s8+$0x0], $0xffff  }
0x5c: {  	v9 =	vmul.u32 $0xB, v7;
	v7 =	vmul.u32 $0xB, v8;
	v37 =	vadd.s32 $0x6, v11;
	v23 =	vld.idx.msk [tilespmem:v23+s8+$0x0], $0xffff  }
0x5d: {  	v8 =	vmul.f32 v21, v1;
	v5 =	vmul.f32 v22, v3;
	v32 =	vadd.s32 $0x7, v15;
	v27 =	vld.idx.msk [tilespmem:v27+s8+$0x0], $0xffff  }
0x5e: {  	v40 =	vadd.s32 $0x7, v11;
	v33 =	vadd.s32 $0x5, v13;
	v35 =	vadd.s32 $0x6, v13;
	v46 =	vld.idx.msk [tilespmem:v36+s8+$0x0], $0xffff  }
0x5f: {  	v61 =	vadd.s32 $0x7, v13;
	v43 =	vadd.s32 $0x5, v9;
	v38 =	vadd.s32 $0x6, v9;
	v60 =	vld.idx.msk [tilespmem:v31+s8+$0x0], $0xffff  }
0x60: {  	v47 =	vadd.s32 $0x7, v9;
	v16 =	vmul.f32 v56, v1;
	v30 =	vld.idx.msk [tilespmem:v30+s8+$0x0], $0xffff;
	v2 =	vmul.f32 v2, v18  }
0x61: {  	v49 =	vadd.s32 $0x5, v7;
	v48 =	vld.idx.msk [tilespmem:v37+s8+$0x0], $0xffff;
	v10 =	vmul.f32 v10, v18;
	v12 =	vmul.f32 v12, v18  }
0x62: {  	v32 =	vld.idx.msk [tilespmem:v32+s8+$0x0], $0xffff;
	v58 =	vmul.f32 v57, v16;
	v23 =	vmul.f32 v23, v16;
	v2 =	vadd.f32 $0.0e+00, v2  }
0x63: {  	v63 =	vld.idx.msk [tilespmem:v33+s8+$0x0], $0xffff;
	v27 =	vmul.f32 v27, v16;
	v10 =	vadd.f32 $0.0e+00, v10;
	v12 =	vadd.f32 $0.0e+00, v12  }
0x64: {  	v51 =	vadd.s32 $0x6, v7;
	v42 =	vld.idx.msk [tilespmem:v35+s8+$0x0], $0xffff;
	v44 =	vmul.f32 v60, v14;
	v2 =	vadd.f32 v23, v2  }
0x65: {  	v31 =	vld.idx.msk [tilespmem:v61+s8+$0x0], $0xffff;
	v62 =	vmul.f32 v30, v14;
	v10 =	vadd.f32 v58, v10;
	v41 =	vadd.f32 v27, v12  }
0x66: {  	v33 =	vld.idx.msk [tilespmem:v40+s8+$0x0], $0xffff;
	v12 =	vmul.f32 v1, v34;
	v50 =	vadd.f32 v44, v2;
	v2 =	vmul.u32 $0xB, v4  }
0x67: {  	v25 =	vadd.s32 $0x1, v19;
	v54 =	vld.idx.msk [tilespmem:v43+s8+$0x0], $0xffff;
	v24 =	vmul.f32 v18, v55;
	v55 =	vadd.s32 $0x7, v7  }
0x68: {  	v56 =	vld.idx.msk [tilespmem:v38+s8+$0x0], $0xffff;
	v10 =	vadd.f32 v62, v10;
	v53 =	vmul.f32 v63, v12;
	v57 =	vadd.s32 $0x5, v2  }
0x69: {  	v26 =	vadd.s32 $0x2, v19;
	v28 =	vadd.s32 $0x3, v19;
	v36 =	vld.idx.msk [tilespmem:v47+s8+$0x0], $0xffff;
	v39 =	vadd.s32 $0x6, v2  }
0x6a: {  	v37 =	vld.idx.msk [tilespmem:v49+s8+$0x0], $0xffff;
	v45 =	vmul.f32 v32, v14;
	v6 =	vadd.f32 v53, v10;
	v10 =	vmul.f32 v22, v21  }
0x6b: {  	v40 =	vadd.s32 $0x8, v19;
	v58 =	vld.idx.msk [tilespmem:v51+s8+$0x0], $0xffff;
	v27 =	vmul.f32 v42, v12;
	v59 =	vadd.s32 $0x7, v2  }
0x6c: {  	v61 =	vld.idx.msk [tilespmem:v55+s8+$0x0], $0xffff;
	v52 =	vadd.f32 v45, v41;
	v31 =	vmul.f32 v31, v12;
	v60 =	vmul.f32 v46, v10  }
0x6d: {  	v23 =	vmul.f32 v54, v8;
	v27 =	vadd.f32 v27, v50;
	v62 =	vmul.f32 v48, v10;
	v38 =	vld.idx.msk [tilespmem:v57+s8+$0x0], $0xffff  }
0x6e: {  	v4 =	vadd.f32 v31, v52;
	v63 =	vmul.f32 v33, v10;
	v6 =	vadd.f32 v60, v6;
	v39 =	vld.idx.msk [tilespmem:v39+s8+$0x0], $0xffff  }
0x6f: {  	v43 =	vmul.f32 v36, v8;
	v42 =	vmul.f32 v56, v8;
	v27 =	vadd.f32 v62, v27  }
0x70: {  	v44 =	vmul.f32 v37, v5;
	v4 =	vadd.f32 v63, v4;
	v31 =	vld.idx.msk [tilespmem:v59+s8+$0x0], $0xffff;
	v23 =	vadd.f32 v23, v6  }
0x71: {  	v25 =	vld.idx.msk [tilespmem:v25+s8+$0x0], $0xffff;
	v20 =	vmul.f32 v58, v5;
	v27 =	vadd.f32 v42, v27;
	v6 =	vmul.f32 v1, v3  }
0x72: {  	v45 =	vmul.f32 v61, v5;
	v1 =	vadd.f32 v43, v4;
	v3 =	vadd.f32 v44, v23  }
0x73: {  	v26 =	vld.idx.msk [tilespmem:v26+s8+$0x0], $0xffff;
	v20 =	vadd.f32 v20, v27;
	v47 =	vmul.f32 v38, v6;
	v22 =	vmul.f32 v39, v6  }
0x74: {  	v29 =	vadd.s32 $0x4, v19;
	v41 =	vadd.s32 $0x9, v19;
	v4 =	vadd.f32 v45, v1  }
0x75: {  	v49 =	vld.idx.msk [tilespmem:v40+s8+$0x0], $0xffff;
	v50 =	vmul.f32 v31, v6;
	v3 =	vadd.f32 v47, v3;
	v1 =	vadd.f32 v22, v20  }
0x76: {  	v25 =	vmul.f32 v18, v25;
	v19 =	vadd.s32 $0xA, v19  }
0x77: {  	v4 =	vadd.f32 v50, v4;
	v55 =	vmul.f32 v3, v3;
	v56 =	vmul.f32 v1, v1  }
0x78: {  	v24 =	vadd.f32 $0.0e+00, v24;
	v25 =	vadd.f32 $0.0e+00, v25;
	v51 =	vmul.f32 v18, v26;
	v46 =	vld.idx.msk [tilespmem:v28+s8+$0x0], $0xffff  }
0x79: {  	v53 =	vadd.s32 $0x2, v17;
	v48 =	vld.idx.msk [tilespmem:v29+s8+$0x0], $0xffff;
	v58 =	vmul.f32 v4, v4;
	v20 =	vadd.f32 v56, v55  }
0x7a: {  	v52 =	vadd.s32 $0x1, v17;
	v61 =	vadd.s32 $0x8, v17;
	v28 =	vmul.f32 v49, v18;
	v54 =	vld.idx.msk [tilespmem:v41+s8+$0x0], $0xffff  }
0x7b: {  	v49 =	vadd.s32 $0x2, v15;
	v19 =	vld.idx.msk [tilespmem:v19+s8+$0x0], $0xffff;
	v41 =	vadd.s32 $0x8, v15;
	v20 =	vadd.f32 v58, v20  }
0x7c: {  	v60 =	vadd.s32 $0x4, v17;
	v28 =	vadd.f32 $0.0e+00, v28;
	v62 =	vadd.s32 $0x9, v17  }
0x7d: {  	v57 =	vadd.s32 $0x3, v17;
	v59 =	vld.idx.msk [tilespmem:v17+s8+$0x0], $0xffff;
	v17 =	vadd.s32 $0xA, v17;
	v20 =	vmax.f32 v20, $1.000000000e-30  }
0x7e: {  	v26 =	vld.idx.msk [tilespmem:v53+s8+$0x0], $0xffff;
	v21 =	vmul.f32 v18, v46;
	v40 =	vshrl.u32 v20, $0x1;
	v35 =	vmul.f32 $5.000000000e-01, v20  }
0x7f: {  	v34 =	vld.idx.msk [tilespmem:v61+s8+$0x0], $0xffff;
	v27 =	vmul.f32 v18, v48;
	v29 =	vmul.f32 v54, v18;
	v31 =	vsub.s32 $0x5F3759DF, v40  }
0x80: {  	v43 =	vadd.s32 $0x8, v13;
	v23 =	vld.idx.msk [tilespmem:v52+s8+$0x0], $0xffff;
	v18 =	vmul.f32 v19, v18;
	v42 =	vmul.f32 v31, v35  }
0x81: {  	v45 =	vadd.s32 $0x1, v15;
	v52 =	vadd.s32 $0x8, v7;
	v54 =	vadd.s32 $0x4, v15;
	v33 =	vld.idx.msk [tilespmem:v60+s8+$0x0], $0xffff  }
0x82: {  	v21 =	vadd.f32 $0.0e+00, v21;
	v30 =	vld.idx.msk [tilespmem:v62+s8+$0x0], $0xffff;
	v32 =	vmul.f32 v59, v16;
	v44 =	vmul.f32 v31, v42  }
0x83: {  	v62 =	vadd.s32 $0x9, v13;
	v27 =	vadd.f32 $0.0e+00, v27;
	v63 =	vld.idx.msk [tilespmem:v57+s8+$0x0], $0xffff;
	v29 =	vadd.f32 $0.0e+00, v29  }
0x84: {  	v24 =	vadd.f32 v32, v24;
	v47 =	vadd.s32 $0x8, v11;
	v32 =	vsub.f32 $1.500000000e+00, v44  }
0x85: {  	v46 =	vld.idx.msk [tilespmem:v41+s8+$0x0], $0xffff;
	v18 =	vadd.f32 $0.0e+00, v18;
	v26 =	vmul.f32 v26, v16;
	v57 =	vadd.s32 $0x8, v2  }
0x86: {  	v34 =	vmul.f32 v34, v16;
	v50 =	vadd.s32 $0x8, v9;
	v31 =	vmul.f32 v31, v32  }
0x87: {  	v38 =	vld.idx.msk [tilespmem:v43+s8+$0x0], $0xffff;
	v43 =	vadd.s32 $0x9, v9;
	v22 =	vadd.f32 $0.0e+00, v51;
	v33 =	vmul.f32 v33, v16  }
0x88: {  	v17 =	vld.idx.msk [tilespmem:v17+s8+$0x0], $0xffff;
	v28 =	vadd.f32 v34, v28;
	v19 =	vmul.f32 v63, v16;
	v53 =	vmul.f32 v31, v35  }
0x89: {  	v23 =	vmul.f32 v23, v16;
	v22 =	vadd.f32 v26, v22;
	v27 =	vadd.f32 v33, v27;
	v26 =	vld.idx.msk [tilespmem:v47+s8+$0x0], $0xffff  }
0x8a: {  	v48 =	vld.idx.msk [tilespmem:v15+s8+$0x0], $0xffff;
	v19 =	vadd.f32 v19, v21;
	v21 =	vmul.f32 v46, v14;
	v33 =	vmul.f32 v53, v31  }
0x8b: {  	v51 =	vadd.s32 $0x3, v15;
	v30 =	vmul.f32 v30, v16;
	v23 =	vadd.f32 v23, v25;
	v39 =	vld.idx.msk [tilespmem:v50+s8+$0x0], $0xffff  }
0x8c: {  	v38 =	vmul.f32 v38, v12;
	v21 =	vadd.f32 v21, v28;
	v60 =	vsub.f32 $1.500000000e+00, v33  }
0x8d: {  	v16 =	vmul.f32 v17, v16;
	v29 =	vadd.f32 v30, v29;
	v30 =	vld.idx.msk [tilespmem:v52+s8+$0x0], $0xffff;
	v58 =	vadd.s32 $0x9, v15  }
0x8e: {  	v25 =	vld.idx.msk [tilespmem:v45+s8+$0x0], $0xffff;
	v21 =	vadd.f32 v38, v21;
	v26 =	vmul.f32 v26, v10;
	v31 =	vmul.f32 v60, v31  }
0x8f: {  	v63 =	vld.idx.msk [tilespmem:v57+s8+$0x0], $0xffff;
	v45 =	vadd.s32 $0x9, v7;
	v57 =	vadd.s32 $0x2, v11;
	v55 =	vmul.f32 v48, v14  }
0x90: {  	v17 =	vld.idx.msk [tilespmem:v54+s8+$0x0], $0xffff;
	v37 =	vmul.f32 v39, v8;
	v21 =	vadd.f32 v26, v21;
	v38 =	vmul.f32 v31, v35  }
0x91: {  	v56 =	vld.idx.msk [tilespmem:v49+s8+$0x0], $0xffff;
	v49 =	vadd.s32 $0x9, v2;
	v16 =	vadd.f32 v16, v18;
	v39 =	vadd.s32 $0x9, v11  }
0x92: {  	v40 =	vmul.f32 v30, v5;
	v36 =	vld.idx.msk [tilespmem:v58+s8+$0x0], $0xffff;
	v21 =	vadd.f32 v37, v21;
	v41 =	vmul.f32 v38, v31  }
0x93: {  	v48 =	vld.idx.msk [tilespmem:v13+s8+$0x0], $0xffff;
	v47 =	vadd.s32 $0x2, v13;
	v50 =	vadd.s32 $0x3, v13;
	v25 =	vmul.f32 v25, v14  }
0x94: {  	v44 =	vmul.f32 v63, v6;
	v21 =	vadd.f32 v40, v21;
	v32 =	vld.idx.msk [tilespmem:v62+s8+$0x0], $0xffff;
	v30 =	vsub.f32 $1.500000000e+00, v41  }
0x95: {  	v24 =	vadd.f32 v55, v24;
	v15 =	vadd.s32 $0xA, v15;
	v17 =	vmul.f32 v17, v14  }
0x96: {  	v23 =	vadd.f32 v25, v23;
	v25 =	vld.idx.msk [tilespmem:v39+s8+$0x0], $0xffff;
	v21 =	vadd.f32 v44, v21;
	v46 =	vmul.f32 v30, v31  }
0x97: {  	v59 =	vld.idx.msk [tilespmem:v51+s8+$0x0], $0xffff;
	v55 =	vadd.s32 $0x1, v11;
	v61 =	vmul.f32 v56, v14;
	v26 =	vmul.f32 v36, v14  }
0x98: {  	v51 =	vld.idx.msk [tilespmem:v43+s8+$0x0], $0xffff;
	v54 =	vmul.f32 v48, v12;
	v21 =	vsub.f32 $0.0e+00, v21;
	v20 =	vmul.f32 v46, v20  }
0x99: {  	v17 =	vadd.f32 v17, v27;
	v56 =	vld.idx.msk [tilespmem:v50+s8+$0x0], $0xffff;
	v26 =	vadd.f32 v26, v29;
	v32 =	vmul.f32 v32, v12  }
0x9a: {  	v42 =	vadd.s32 $0x1, v13;
	v21 =	vmul.f32 $1.442695020e+00, v21;
	v33 =	vld.idx.msk [tilespmem:v45+s8+$0x0], $0xffff;
	v20 =	vmax.f32 v20, $9.999999970e-07  }
0x9b: {  	v15 =	vld.idx.msk [tilespmem:v15+s8+$0x0], $0xffff;
	v25 =	vmul.f32 v25, v10;
	v26 =	vadd.f32 v32, v26;
	(erf) = vrcp.f32 v20  }
0x9c: {  	v29 =	vld.idx.msk [tilespmem:v49+s8+$0x0], $0xffff;
	v53 =	vadd.s32 $0x4, v13;
	v13 =	vadd.s32 $0xA, v13;
	(erf) = vpow2.f32 v21  }
0x9d: {  	v58 =	vmul.f32 v51, v8;
	v27 =	vld.idx.msk [tilespmem:v55+s8+$0x0], $0xffff;
	v39 =	vadd.s32 $0xA, v7;
	v25 =	vadd.f32 v25, v26  }
0x9e: {  	v18 =	vmul.f32 v59, v14;
	v50 =	vadd.s32 $0x1, v7;
	v63 =	vld.idx.msk [tilespmem:v11+s8+$0x0], $0xffff;
	v60 =	vadd.s32 $0xA, v11  }
0x9f: {  	v36 =	vadd.s32 $0xA, v9;
	v25 =	vadd.f32 v58, v25;
	v62 =	vmul.f32 v33, v5;
	v30 =	vld.idx.msk [tilespmem:v47+s8+$0x0], $0xffff  }
0xa0: {  	v22 =	vadd.f32 v61, v22;
	v59 =	vadd.f32 v54, v24;
	v61 =	vadd.s32 $0x3, v11;
	v52 =	vld.idx.msk [tilespmem:v42+s8+$0x0], $0xffff  }
0xa1: {  	v14 =	vmul.f32 v15, v14;
	v37 =	vmul.f32 v29, v6;
	v13 =	vld.idx.msk [tilespmem:v13+s8+$0x0], $0xffff;
	v25 =	vadd.f32 v62, v25  }
0xa2: {  	v54 =	vadd.s32 $0x3, v7;
	v55 =	vadd.s32 $0x4, v7;
	v18 =	vadd.f32 v18, v19;
	v28 =	vld.idx.msk [tilespmem:v39+s8+$0x0], $0xffff  }
0xa3: {  	v51 =	vmul.f32 v27, v10;
	v14 =	vadd.f32 v14, v16;
	v25 =	vadd.f32 v37, v25;
	v20 =	vld.idx.msk [tilespmem:v60+s8+$0x0], $0xffff  }
0xa4: {  	v42 =	vadd.s32 $0x1, v9;
	v43 =	vld.idx.msk [tilespmem:v36+s8+$0x0], $0xffff;
	v41 =	vadd.s32 $0xA, v2;
	v30 =	vmul.f32 v30, v12;
	v26 =	vpop (erf)  }
0xa5: {  	v15 =	vmul.f32 v52, v12;
	v52 =	vadd.s32 $0x2, v7;
	v7 =	vld.idx.msk [tilespmem:v7+s8+$0x0], $0xffff;
	v25 =	vsub.f32 $0.0e+00, v25;
	v44 =	vpop (erf)  }
0xa6: {  	v19 =	vld.idx.msk [tilespmem:v53+s8+$0x0], $0xffff;
	v13 =	vmul.f32 v13, v12;
	v22 =	vadd.f32 v30, v22;
	v30 =	vadd.f32 $1.000000000e+00, v44  }
0xa7: {  	v45 =	vadd.s32 $0x2, v9;
	v15 =	vadd.f32 v15, v23;
	v35 =	vld.idx.msk [tilespmem:v2+s8+$0x0], $0xffff;
	v25 =	vmul.f32 $1.442695020e+00, v25  }
0xa8: {  	v38 =	vld.idx.msk [tilespmem:v57+s8+$0x0], $0xffff;
	v13 =	vadd.f32 v13, v14;
	v20 =	vmul.f32 v20, v10;
	(erf) = vrcp.f32 v30  }
0xa9: {  	v11 =	vadd.s32 $0x4, v11;
	v28 =	vmul.f32 v28, v5;
	v48 =	vld.idx.msk [tilespmem:v41+s8+$0x0], $0xffff;
	(erf) = vpow2.f32 v25  }
0xaa: {  	v49 =	vmul.f32 v43, v8;
	v15 =	vadd.f32 v51, v15;
	v62 =	vld.idx.msk [tilespmem:v54+s8+$0x0], $0xffff;
	v13 =	vadd.f32 v20, v13  }
0xab: {  	v7 =	vmul.f32 v7, v5;
	v57 =	vadd.s32 $0x1, v2;
	v37 =	vor.u32 s10, v0;
	v47 =	vld.idx.msk [tilespmem:v9+s8+$0x0], $0xffff  }
0xac: {  	v14 =	vld.idx.msk [tilespmem:v45+s8+$0x0], $0xffff;
	v21 =	vmul.f32 v56, v12;
	v12 =	vmul.f32 v19, v12;
	v13 =	vadd.f32 v49, v13  }
0xad: {  	v31 =	vmul.f32 v63, v10;
	v63 =	vadd.s32 $0x3, v2;
	v23 =	vmul.f32 v38, v10  }
0xae: {  	v40 =	vld.idx.msk [tilespmem:v61+s8+$0x0], $0xffff;
	v12 =	vadd.f32 v12, v17;
	v17 =	vmul.f32 v48, v6;
	v13 =	vadd.f32 v28, v13  }
0xaf: {  	v11 =	vld.idx.msk [tilespmem:v11+s8+$0x0], $0xffff;
	v46 =	vadd.s32 $0x3, v9;
	v9 =	vadd.s32 $0x4, v9;
	v16 =	vadd.f32 v31, v59  }
0xb0: {  	v59 =	vld.idx.msk [tilespmem:v52+s8+$0x0], $0xffff;
	v43 =	vmul.f32 v62, v5;
	v41 =	vmul.f32 v35, v6;
	v13 =	vadd.f32 v17, v13  }
0xb1: {  	v58 =	vmul.f32 v47, v8;
	v60 =	vadd.s32 $0x2, v2;
	v14 =	vmul.f32 v14, v8;
	v19 =	vld.idx.msk [tilespmem:v42+s8+$0x0], $0xffff;
	v32 =	vpop (erf)  }
0xb2: {  	v2 =	vadd.s32 $0x4, v2;
	v56 =	vld.idx.msk [tilespmem:v50+s8+$0x0], $0xffff;
	v50 =	vshll.u32 v37, $0x2;
	v13 =	vsub.f32 $0.0e+00, v13;
	v34 =	vpop (erf)  }
0xb3: {  	v33 =	vld.idx.msk [tilespmem:v55+s8+$0x0], $0xffff;
	v16 =	vadd.f32 v58, v16;
	v55 =	vor.u32 $0x2, v50;
	v25 =	vadd.f32 $1.000000000e+00, v34  }
0xb4: {  	v53 =	vld.idx.msk [tilespmem:v46+s8+$0x0], $0xffff;
	v18 =	vadd.f32 v21, v18;
	v21 =	vmul.f32 v40, v10;
	v13 =	vmul.f32 $1.442695020e+00, v13  }
0xb5: {  	v9 =	vld.idx.msk [tilespmem:v9+s8+$0x0], $0xffff;
	v40 =	vmul.f32 v59, v5;
	v22 =	vadd.f32 v23, v22;
	(erf) = vrcp.f32 v25  }
0xb6: {  	v7 =	vadd.f32 v7, v16;
	v18 =	vadd.f32 v21, v18;
	v21 =	vld.idx.msk [tilespmem:v57+s8+$0x0], $0xffff;
	(erf) = vpow2.f32 v13  }
0xb7: {  	v10 =	vmul.f32 v11, v10;
	v38 =	vld.idx.msk [tilespmem:v60+s8+$0x0], $0xffff;
	v61 =	vmul.f32 v19, v8;
	v14 =	vadd.f32 v14, v22  }
0xb8: {  	v11 =	vmul.f32 v56, v5;
	v5 =	vmul.f32 v33, v5;
	v7 =	vadd.f32 v41, v7  }
0xb9: {  	v2 =	vld.idx.msk [tilespmem:v2+s8+$0x0], $0xffff;
	v56 =	vor.u32 $0x3, v50;
	v10 =	vadd.f32 v10, v12;
	v12 =	vadd.f32 v61, v15  }
0xba: {  	v19 =	vld.idx.msk [tilespmem:v63+s8+$0x0], $0xffff;
	v36 =	vmul.f32 v53, v8;
	v8 =	vmul.f32 v9, v8;
	v53 =	vor.u32 $0x1, v50  }
0xbb: {  	v42 =	vadd.f32 v40, v14;
	v11 =	vadd.f32 v11, v12;
	v44 =	vmul.f32 v21, v6  }
0xbc: {  	v7 =	vmul.f32 $5.000000000e+01, v7;
	v39 =	vadd.f32 v36, v18;
	v45 =	vmul.f32 v38, v6  }
0xbd: {  	v9 =	vmul.u32 $0x7, v37;
	v8 =	vadd.f32 v8, v10;
	v47 =	vadd.f32 v44, v11  }
0xbe: {  	v2 =	vmul.f32 v2, v6;
	v52 =	vadd.f32 $5.000000000e-01, v7;
	v48 =	vadd.f32 v45, v42;
	v51 =	vpop (erf)  }
0xbf: {  	v46 =	vmul.f32 v19, v6;
	v5 =	vadd.f32 v5, v8;
	v8 =	vmul.f32 $5.000000000e+01, v47;
	v54 =	vpop (erf)  }
0xc0: {  	v10 =	vmul.f32 $5.000000000e+01, v48;
	v13 =	vadd.f32 v43, v39;
	v14 =	vadd.f32 $1.000000000e+00, v54  }
0xc1: {  	v59 =	vadd.s32 $0x1, v9;
	v2 =	vadd.f32 v2, v5;
	v57 =	vadd.f32 $5.000000000e-01, v8  }
0xc2: {  	[tilespmem:v50+s25+$0x0] =	vst.idx.msk $0xffff, v52;
	v58 =	vadd.f32 $5.000000000e-01, v10;
	v49 =	vadd.f32 v46, v13;
	(erf) = vrcp.f32 v14  }
0xc3: {  	v60 =	vadd.s32 $0x2, v9;
	[tilespmem:v53+s25+$0x0] =	vst.idx.msk $0xffff, v57  }
0xc4: {  	v62 =	vadd.s32 $0x3, v9;
	v2 =	vmax.f32 v2, $1.000000010e-01;
	[tilespmem:v55+s25+$0x0] =	vst.idx.msk $0xffff, v58;
	v61 =	vmax.f32 v49, $1.000000050e-03  }
0xc5: {  	v63 =	vadd.s32 $0x4, v9;
	v3 =	vmul.f32 v26, v3;
	v2 =	vmin.f32 v2, $1.000000000e+00;
	[tilespmem:v56+s25+$0x0] =	vst.idx.msk $0xffff, v61  }
0xc6: {  	v1 =	vmul.f32 v26, v1;
	[tilespmem:v9+s26+$0x0] =	vst.idx.msk $0xffff, v2;
	v2 =	vadd.s32 $0x5, v9  }
0xc7: {  	p1 =	sne.s32 s10, $0x7F0;
	v4 =	vmul.f32 v26, v4;
	[tilespmem:v59+s26+$0x0] =	vst.idx.msk $0xffff, v3;
	v3 =	vadd.s32 $0x6, v9  }
.Ltmp2:
0xc8: {  	[tilespmem:v60+s26+$0x0] =	vst.idx.msk $0xffff, v1;
	(pc) =	sbr.rel @p1 .LBB2_3-.Ltmp2, $4  }
0xc9: {  	[tilespmem:v62+s26+$0x0] =	vst.idx.msk $0xffff, v4  }
0xca: {  	[tilespmem:v63+s26+$0x0] =	vst.idx.msk $0xffff, v32  }
0xcb: {  	s11 =	sadd.s32 $0x10, s11;
	[tilespmem:v2+s26+$0x0] =	vst.idx.msk $0xffff, v51;
	v1 =	vpop (erf)  }
0xcc: {  	s12 =	sadd.s32 $0x10, s12;
	s13 =	sadd.s32 $0x10, s13;
	s10 =	sadd.s32 $0x10, s10;
	[tilespmem:v3+s26+$0x0] =	vst.idx.msk $0xffff, v1  }
0xcd: {  	s10 =	sshrl.u32 s20, $0x1  }
0xce: {  	s11 =	smul.u32 $0x7, s20;
	s10 =	sadd.s32 s6, s10  }
0xcf: {  	[hbm4b:s10+s8] =	stream.linear.scatter [tilespmem:s25], [sflag:$0x3], $0x2000, $0x38;
	[tilespmem:$0x1B380] =	vst v63  }
0xd0: {  	s14 =	sshrl.u32 s11, $0x3  }
0xd1: {  	p1 =	seq.s32 s19, $0x3;
	s10 =	sadd.s32 s7, s14  }
0xd2: {  	[hbm4b:s10+s8] =	stream.linear.scatter [tilespmem:s26], [sflag:$0x5], $0x3800, $0x38;
	[tilespmem:$0x1B380] =	vst v63  }
0xd3: {  	s10 =	sshrl.u32 @!p1 s20, $0x3  }
0xd4: {  	s10 =	sadd.s32 @!p1 $0x200, s10  }
0xd5: {  	s12 =	simm.s32 @!p1 $0x0;
	s13 =	simm.s32 @!p1 $0xD380;
	s11 =	sadd.s32 @!p1 s0, s10  }
0xd6: {  	[tilespmem:s13], [sflag:$0x1] =	stream.linear.gather @!p1 [hbm4b:s11+s12], $0x800, $0x38;
	[tilespmem:$0x1B380] =	vst v63  }
0xd7: {  	s11 =	sadd.s32 @!p1 s2, s10;
	s13 =	simm.s32 @!p1 $0xE380  }
0xd8: {  	[tilespmem:s13], [sflag:$0x1] =	stream.linear.gather @!p1 [hbm4b:s11+s12], $0x800, $0x38;
	[tilespmem:$0x1B380] =	vst v63  }
0xd9: {  	s10 =	sadd.s32 @!p1 s3, s10;
	s11 =	simm.s32 @!p1 $0xF380  }
0xda: {  	[tilespmem:s11], [sflag:$0x1] =	stream.linear.gather @!p1 [hbm4b:s10+s12], $0x800, $0x38;
	[tilespmem:$0x1B380] =	vst v63  }
0xdb: {  	_ =	swait.ge [sflag:s28], $0x800  }
0xdc: {  	[sflag:s28] =	ssyncset.done $0x0  }
0xdd: {  	[sflag:s28] =	ssyncadd.s32 $0xFFFFF800  }
0xde: {  	_ =	swait.ge [sflag:s28], $0x800  }
0xdf: {  	[sflag:s28] =	ssyncset.done $0x0  }
0xe0: {  	[sflag:s28] =	ssyncadd.s32 $0xFFFFF800  }
0xe1: {  	_ =	swait.ge [sflag:s28], $0x800  }
0xe2: {  	[sflag:s28] =	ssyncset.done $0x0  }
0xe3: {  	s10 =	simm.s32 @!p0 $0x4;
	[sflag:s28] =	ssyncadd.s32 $0xFFFFF800  }
0xe4: {  	_ =	swait.ge @!p0 [sflag:s10], $0x2000  }
0xe5: {  	[sflag:s10] =	ssyncset.done @!p0 $0x0  }
0xe6: {  	s11 =	simm.s32 @!p0 $0x6;
	[sflag:s10] =	ssyncadd.s32 @!p0 $0xFFFFE000  }
0xe7: {  	s14 =	simm.s32 $0xFB80;
	_ =	swait.ge @!p0 [sflag:s11], $0x3800  }
0xe8: {  	s13 =	simm.s32 $0xEB80;
	s12 =	simm.s32 $0xDB80;
	[sflag:s11] =	ssyncset.done @!p0 $0x0  }
0xe9: {  	s10 =	sor.u32 $0x800, s20;
	[sflag:s11] =	ssyncadd.s32 @!p0 $0xFFFFC800;
	s11 =	simm.s32 $0x0  }
.LBB2_5:
0xea: {  	v1 =	vld [tilespmem:s13+$0x0]  }
0xeb: {  	v2 =	vld [tilespmem:s14+$0x0]  }
0xec: {  	v3 =	vld [tilespmem:s12+$0x0];
	_ =	sdelay $0x3  }
0xed: {  	v1 =	vmul.f32 $1.600000000e+01, v1;
	v2 =	vmul.f32 $1.600000000e+01, v2  }
0xee: {  	v3 =	vmul.f32 $1.600000000e+01, v3  }
0xef: {  	v4 =	vtrunc.f32 v1;
	v5 =	vtrunc.f32 v2  }
0xf0: {  	v6 =	vtrunc.f32 v3;
	v4 =	vcvt.f32.s32 v4  }
0xf1: {  	v5 =	vcvt.f32.s32 v5;
	v6 =	vcvt.f32.s32 v6;
	_ =	sdelay $0x1  }
0xf2: {  	vm0 =	vgt.s32 v4, $0x0;
	vm11 =	vgt.s32 v5, $0x0;
	vm12 =	vgt.s32 v6, $0x0  }
0xf3: {  	v10 =	vcvt.s32.f32 v6;
	v12 =	vcvt.s32.f32 v4;
	v13 =	vadd.s32 $0x1, v5  }
0xf4: {  	v7 =	vnsel vm0, $0x0, v4;
	v8 =	vnsel vm11, $0x0, v5;
	v9 =	vnsel vm12, $0x0, v6  }
0xf5: {  	vm13 =	vlt.s32 v13, $0x10;
	v4 =	vadd.s32 $0x1, v4;
	v6 =	vadd.s32 $0x1, v6  }
0xf6: {  	v7 =	vmin.u32 v7, $0x10;
	v8 =	vmin.u32 v8, $0x10;
	v9 =	vmin.u32 v9, $0x10  }
0xf7: {  	v3 =	vsub.f32 v3, v10;
	v20 =	vsub.f32 v1, v12;
	v1 =	vcvt.s32.f32 v5  }
0xf8: {  	v51 =	vnsel vm13, $0x10, v13;
	vm14 =	vlt.s32 v4, $0x10;
	v7 =	vmul.u32 $0x11, v7  }
0xf9: {  	vm15 =	vlt.s32 v6, $0x10;
	v8 =	vmul.u32 $0x121, v8;
	v5 =	vmul.u32 $0x121, v51  }
0xfa: {  	v4 =	vnsel vm14, $0x10, v4;
	v6 =	vnsel vm15, $0x10, v6;
	v11 =	vadd.s32 v9, v7  }
0xfb: {  	v1 =	vsub.f32 v2, v1;
	v54 =	vsub.f32 $1.000000000e+00, v3;
	v14 =	vadd.s32 v8, v11  }
0xfc: {  	v21 =	vsub.f32 $1.000000000e+00, v20;
	v4 =	vmul.u32 $0x11, v4;
	v19 =	vmul.u32 $0xB, v14  }
0xfd: {  	v7 =	vadd.s32 v6, v7;
	v11 =	vadd.s32 v5, v11;
	v22 =	vsub.f32 $1.000000000e+00, v1  }
0xfe: {  	v56 =	vmul.f32 v21, v54;
	v9 =	vadd.s32 v9, v4;
	v52 =	vadd.s32 $0x5, v19  }
0xff: {  	v59 =	vadd.s32 v8, v7;
	v17 =	vmul.u32 $0xB, v11;
	v2 =	vadd.s32 $0x6, v19  }
0x100: {  	v34 =	vmul.f32 v20, v54;
	v7 =	vadd.s32 v5, v7;
	v53 =	vadd.s32 $0x7, v19  }
0x101: {  	v4 =	vadd.s32 v6, v4;
	v21 =	vmul.f32 v21, v3;
	v16 =	vadd.s32 $0x5, v17  }
0x102: {  	v15 =	vadd.s32 v8, v9;
	v11 =	vmul.u32 $0xB, v59;
	v23 =	vadd.s32 $0x6, v17;
	v55 =	vld.idx.msk [tilespmem:v19+s8+$0x0], $0xffff  }
0x103: {  	v3 =	vmul.f32 v20, v3;
	v15 =	vmul.u32 $0xB, v15;
	v27 =	vadd.s32 $0x7, v17;
	v10 =	vld.idx.msk [tilespmem:v52+s8+$0x0], $0xffff  }
0x104: {  	v9 =	vadd.s32 v5, v9;
	v8 =	vadd.s32 v8, v4;
	v36 =	vadd.s32 $0x5, v11;
	v2 =	vld.idx.msk [tilespmem:v2+s8+$0x0], $0xffff  }
0x105: {  	v4 =	vadd.s32 v5, v4;
	v18 =	vmul.f32 v22, v56;
	v31 =	vadd.s32 $0x6, v15;
	v12 =	vld.idx.msk [tilespmem:v53+s8+$0x0], $0xffff  }
0x106: {  	v13 =	vmul.u32 $0xB, v9;
	v14 =	vmul.f32 v22, v34;
	v30 =	vadd.s32 $0x5, v15;
	v57 =	vld.idx.msk [tilespmem:v16+s8+$0x0], $0xffff  }
0x107: {  	v9 =	vmul.u32 $0xB, v7;
	v7 =	vmul.u32 $0xB, v8;
	v37 =	vadd.s32 $0x6, v11;
	v23 =	vld.idx.msk [tilespmem:v23+s8+$0x0], $0xffff  }
0x108: {  	v8 =	vmul.f32 v21, v1;
	v5 =	vmul.f32 v22, v3;
	v32 =	vadd.s32 $0x7, v15;
	v27 =	vld.idx.msk [tilespmem:v27+s8+$0x0], $0xffff  }
0x109: {  	v40 =	vadd.s32 $0x7, v11;
	v33 =	vadd.s32 $0x5, v13;
	v35 =	vadd.s32 $0x6, v13;
	v46 =	vld.idx.msk [tilespmem:v36+s8+$0x0], $0xffff  }
0x10a: {  	v61 =	vadd.s32 $0x7, v13;
	v43 =	vadd.s32 $0x5, v9;
	v38 =	vadd.s32 $0x6, v9;
	v60 =	vld.idx.msk [tilespmem:v31+s8+$0x0], $0xffff  }
0x10b: {  	v47 =	vadd.s32 $0x7, v9;
	v16 =	vmul.f32 v56, v1;
	v30 =	vld.idx.msk [tilespmem:v30+s8+$0x0], $0xffff;
	v2 =	vmul.f32 v2, v18  }
0x10c: {  	v49 =	vadd.s32 $0x5, v7;
	v48 =	vld.idx.msk [tilespmem:v37+s8+$0x0], $0xffff;
	v10 =	vmul.f32 v10, v18;
	v12 =	vmul.f32 v12, v18  }
0x10d: {  	v32 =	vld.idx.msk [tilespmem:v32+s8+$0x0], $0xffff;
	v58 =	vmul.f32 v57, v16;
	v23 =	vmul.f32 v23, v16;
	v2 =	vadd.f32 $0.0e+00, v2  }
0x10e: {  	v63 =	vld.idx.msk [tilespmem:v33+s8+$0x0], $0xffff;
	v27 =	vmul.f32 v27, v16;
	v10 =	vadd.f32 $0.0e+00, v10;
	v12 =	vadd.f32 $0.0e+00, v12  }
0x10f: {  	v51 =	vadd.s32 $0x6, v7;
	v42 =	vld.idx.msk [tilespmem:v35+s8+$0x0], $0xffff;
	v44 =	vmul.f32 v60, v14;
	v2 =	vadd.f32 v23, v2  }
0x110: {  	v31 =	vld.idx.msk [tilespmem:v61+s8+$0x0], $0xffff;
	v62 =	vmul.f32 v30, v14;
	v10 =	vadd.f32 v58, v10;
	v41 =	vadd.f32 v27, v12  }
0x111: {  	v33 =	vld.idx.msk [tilespmem:v40+s8+$0x0], $0xffff;
	v12 =	vmul.f32 v1, v34;
	v50 =	vadd.f32 v44, v2;
	v2 =	vmul.u32 $0xB, v4  }
0x112: {  	v25 =	vadd.s32 $0x1, v19;
	v54 =	vld.idx.msk [tilespmem:v43+s8+$0x0], $0xffff;
	v24 =	vmul.f32 v18, v55;
	v55 =	vadd.s32 $0x7, v7  }
0x113: {  	v56 =	vld.idx.msk [tilespmem:v38+s8+$0x0], $0xffff;
	v10 =	vadd.f32 v62, v10;
	v53 =	vmul.f32 v63, v12;
	v57 =	vadd.s32 $0x5, v2  }
0x114: {  	v26 =	vadd.s32 $0x2, v19;
	v28 =	vadd.s32 $0x3, v19;
	v36 =	vld.idx.msk [tilespmem:v47+s8+$0x0], $0xffff;
	v39 =	vadd.s32 $0x6, v2  }
0x115: {  	v37 =	vld.idx.msk [tilespmem:v49+s8+$0x0], $0xffff;
	v45 =	vmul.f32 v32, v14;
	v6 =	vadd.f32 v53, v10;
	v10 =	vmul.f32 v22, v21  }
0x116: {  	v40 =	vadd.s32 $0x8, v19;
	v58 =	vld.idx.msk [tilespmem:v51+s8+$0x0], $0xffff;
	v27 =	vmul.f32 v42, v12;
	v59 =	vadd.s32 $0x7, v2  }
0x117: {  	v61 =	vld.idx.msk [tilespmem:v55+s8+$0x0], $0xffff;
	v52 =	vadd.f32 v45, v41;
	v31 =	vmul.f32 v31, v12;
	v60 =	vmul.f32 v46, v10  }
0x118: {  	v23 =	vmul.f32 v54, v8;
	v27 =	vadd.f32 v27, v50;
	v62 =	vmul.f32 v48, v10;
	v38 =	vld.idx.msk [tilespmem:v57+s8+$0x0], $0xffff  }
0x119: {  	v4 =	vadd.f32 v31, v52;
	v63 =	vmul.f32 v33, v10;
	v6 =	vadd.f32 v60, v6;
	v39 =	vld.idx.msk [tilespmem:v39+s8+$0x0], $0xffff  }
0x11a: {  	v43 =	vmul.f32 v36, v8;
	v42 =	vmul.f32 v56, v8;
	v27 =	vadd.f32 v62, v27  }
0x11b: {  	v44 =	vmul.f32 v37, v5;
	v4 =	vadd.f32 v63, v4;
	v31 =	vld.idx.msk [tilespmem:v59+s8+$0x0], $0xffff;
	v23 =	vadd.f32 v23, v6  }
0x11c: {  	v25 =	vld.idx.msk [tilespmem:v25+s8+$0x0], $0xffff;
	v20 =	vmul.f32 v58, v5;
	v27 =	vadd.f32 v42, v27;
	v6 =	vmul.f32 v1, v3  }
0x11d: {  	v45 =	vmul.f32 v61, v5;
	v1 =	vadd.f32 v43, v4;
	v3 =	vadd.f32 v44, v23  }
0x11e: {  	v26 =	vld.idx.msk [tilespmem:v26+s8+$0x0], $0xffff;
	v20 =	vadd.f32 v20, v27;
	v47 =	vmul.f32 v38, v6;
	v22 =	vmul.f32 v39, v6  }
0x11f: {  	v29 =	vadd.s32 $0x4, v19;
	v41 =	vadd.s32 $0x9, v19;
	v4 =	vadd.f32 v45, v1  }
0x120: {  	v49 =	vld.idx.msk [tilespmem:v40+s8+$0x0], $0xffff;
	v50 =	vmul.f32 v31, v6;
	v3 =	vadd.f32 v47, v3;
	v1 =	vadd.f32 v22, v20  }
0x121: {  	v25 =	vmul.f32 v18, v25;
	v19 =	vadd.s32 $0xA, v19  }
0x122: {  	v4 =	vadd.f32 v50, v4;
	v55 =	vmul.f32 v3, v3;
	v56 =	vmul.f32 v1, v1  }
0x123: {  	v24 =	vadd.f32 $0.0e+00, v24;
	v25 =	vadd.f32 $0.0e+00, v25;
	v51 =	vmul.f32 v18, v26;
	v46 =	vld.idx.msk [tilespmem:v28+s8+$0x0], $0xffff  }
0x124: {  	v53 =	vadd.s32 $0x2, v17;
	v48 =	vld.idx.msk [tilespmem:v29+s8+$0x0], $0xffff;
	v58 =	vmul.f32 v4, v4;
	v20 =	vadd.f32 v56, v55  }
0x125: {  	v52 =	vadd.s32 $0x1, v17;
	v61 =	vadd.s32 $0x8, v17;
	v28 =	vmul.f32 v49, v18;
	v54 =	vld.idx.msk [tilespmem:v41+s8+$0x0], $0xffff  }
0x126: {  	v49 =	vadd.s32 $0x2, v15;
	v19 =	vld.idx.msk [tilespmem:v19+s8+$0x0], $0xffff;
	v41 =	vadd.s32 $0x8, v15;
	v20 =	vadd.f32 v58, v20  }
0x127: {  	v60 =	vadd.s32 $0x4, v17;
	v28 =	vadd.f32 $0.0e+00, v28;
	v62 =	vadd.s32 $0x9, v17  }
0x128: {  	v57 =	vadd.s32 $0x3, v17;
	v59 =	vld.idx.msk [tilespmem:v17+s8+$0x0], $0xffff;
	v17 =	vadd.s32 $0xA, v17;
	v20 =	vmax.f32 v20, $1.000000000e-30  }
0x129: {  	v26 =	vld.idx.msk [tilespmem:v53+s8+$0x0], $0xffff;
	v21 =	vmul.f32 v18, v46;
	v40 =	vshrl.u32 v20, $0x1;
	v35 =	vmul.f32 $5.000000000e-01, v20  }
0x12a: {  	v34 =	vld.idx.msk [tilespmem:v61+s8+$0x0], $0xffff;
	v27 =	vmul.f32 v18, v48;
	v29 =	vmul.f32 v54, v18;
	v31 =	vsub.s32 $0x5F3759DF, v40  }
0x12b: {  	v43 =	vadd.s32 $0x8, v13;
	v23 =	vld.idx.msk [tilespmem:v52+s8+$0x0], $0xffff;
	v18 =	vmul.f32 v19, v18;
	v42 =	vmul.f32 v31, v35  }
0x12c: {  	v45 =	vadd.s32 $0x1, v15;
	v52 =	vadd.s32 $0x8, v7;
	v54 =	vadd.s32 $0x4, v15;
	v33 =	vld.idx.msk [tilespmem:v60+s8+$0x0], $0xffff  }
0x12d: {  	v21 =	vadd.f32 $0.0e+00, v21;
	v30 =	vld.idx.msk [tilespmem:v62+s8+$0x0], $0xffff;
	v32 =	vmul.f32 v59, v16;
	v44 =	vmul.f32 v31, v42  }
0x12e: {  	v62 =	vadd.s32 $0x9, v13;
	v27 =	vadd.f32 $0.0e+00, v27;
	v63 =	vld.idx.msk [tilespmem:v57+s8+$0x0], $0xffff;
	v29 =	vadd.f32 $0.0e+00, v29  }
0x12f: {  	v24 =	vadd.f32 v32, v24;
	v47 =	vadd.s32 $0x8, v11;
	v32 =	vsub.f32 $1.500000000e+00, v44  }
0x130: {  	v46 =	vld.idx.msk [tilespmem:v41+s8+$0x0], $0xffff;
	v18 =	vadd.f32 $0.0e+00, v18;
	v26 =	vmul.f32 v26, v16;
	v57 =	vadd.s32 $0x8, v2  }
0x131: {  	v34 =	vmul.f32 v34, v16;
	v50 =	vadd.s32 $0x8, v9;
	v31 =	vmul.f32 v31, v32  }
0x132: {  	v38 =	vld.idx.msk [tilespmem:v43+s8+$0x0], $0xffff;
	v43 =	vadd.s32 $0x9, v9;
	v22 =	vadd.f32 $0.0e+00, v51;
	v33 =	vmul.f32 v33, v16  }
0x133: {  	v17 =	vld.idx.msk [tilespmem:v17+s8+$0x0], $0xffff;
	v28 =	vadd.f32 v34, v28;
	v19 =	vmul.f32 v63, v16;
	v53 =	vmul.f32 v31, v35  }
0x134: {  	v23 =	vmul.f32 v23, v16;
	v22 =	vadd.f32 v26, v22;
	v27 =	vadd.f32 v33, v27;
	v26 =	vld.idx.msk [tilespmem:v47+s8+$0x0], $0xffff  }
0x135: {  	v48 =	vld.idx.msk [tilespmem:v15+s8+$0x0], $0xffff;
	v19 =	vadd.f32 v19, v21;
	v21 =	vmul.f32 v46, v14;
	v33 =	vmul.f32 v53, v31  }
0x136: {  	v51 =	vadd.s32 $0x3, v15;
	v30 =	vmul.f32 v30, v16;
	v23 =	vadd.f32 v23, v25;
	v39 =	vld.idx.msk [tilespmem:v50+s8+$0x0], $0xffff  }
0x137: {  	v38 =	vmul.f32 v38, v12;
	v21 =	vadd.f32 v21, v28;
	v60 =	vsub.f32 $1.500000000e+00, v33  }
0x138: {  	v16 =	vmul.f32 v17, v16;
	v29 =	vadd.f32 v30, v29;
	v30 =	vld.idx.msk [tilespmem:v52+s8+$0x0], $0xffff;
	v58 =	vadd.s32 $0x9, v15  }
0x139: {  	v25 =	vld.idx.msk [tilespmem:v45+s8+$0x0], $0xffff;
	v21 =	vadd.f32 v38, v21;
	v26 =	vmul.f32 v26, v10;
	v31 =	vmul.f32 v60, v31  }
0x13a: {  	v63 =	vld.idx.msk [tilespmem:v57+s8+$0x0], $0xffff;
	v45 =	vadd.s32 $0x9, v7;
	v57 =	vadd.s32 $0x2, v11;
	v55 =	vmul.f32 v48, v14  }
0x13b: {  	v17 =	vld.idx.msk [tilespmem:v54+s8+$0x0], $0xffff;
	v37 =	vmul.f32 v39, v8;
	v21 =	vadd.f32 v26, v21;
	v38 =	vmul.f32 v31, v35  }
0x13c: {  	v56 =	vld.idx.msk [tilespmem:v49+s8+$0x0], $0xffff;
	v49 =	vadd.s32 $0x9, v2;
	v16 =	vadd.f32 v16, v18;
	v39 =	vadd.s32 $0x9, v11  }
0x13d: {  	v40 =	vmul.f32 v30, v5;
	v36 =	vld.idx.msk [tilespmem:v58+s8+$0x0], $0xffff;
	v21 =	vadd.f32 v37, v21;
	v41 =	vmul.f32 v38, v31  }
0x13e: {  	v48 =	vld.idx.msk [tilespmem:v13+s8+$0x0], $0xffff;
	v47 =	vadd.s32 $0x2, v13;
	v50 =	vadd.s32 $0x3, v13;
	v25 =	vmul.f32 v25, v14  }
0x13f: {  	v44 =	vmul.f32 v63, v6;
	v21 =	vadd.f32 v40, v21;
	v32 =	vld.idx.msk [tilespmem:v62+s8+$0x0], $0xffff;
	v30 =	vsub.f32 $1.500000000e+00, v41  }
0x140: {  	v24 =	vadd.f32 v55, v24;
	v15 =	vadd.s32 $0xA, v15;
	v17 =	vmul.f32 v17, v14  }
0x141: {  	v23 =	vadd.f32 v25, v23;
	v25 =	vld.idx.msk [tilespmem:v39+s8+$0x0], $0xffff;
	v21 =	vadd.f32 v44, v21;
	v46 =	vmul.f32 v30, v31  }
0x142: {  	v59 =	vld.idx.msk [tilespmem:v51+s8+$0x0], $0xffff;
	v55 =	vadd.s32 $0x1, v11;
	v61 =	vmul.f32 v56, v14;
	v26 =	vmul.f32 v36, v14  }
0x143: {  	v51 =	vld.idx.msk [tilespmem:v43+s8+$0x0], $0xffff;
	v54 =	vmul.f32 v48, v12;
	v21 =	vsub.f32 $0.0e+00, v21;
	v20 =	vmul.f32 v46, v20  }
0x144: {  	v17 =	vadd.f32 v17, v27;
	v56 =	vld.idx.msk [tilespmem:v50+s8+$0x0], $0xffff;
	v26 =	vadd.f32 v26, v29;
	v32 =	vmul.f32 v32, v12  }
0x145: {  	v42 =	vadd.s32 $0x1, v13;
	v21 =	vmul.f32 $1.442695020e+00, v21;
	v33 =	vld.idx.msk [tilespmem:v45+s8+$0x0], $0xffff;
	v20 =	vmax.f32 v20, $9.999999970e-07  }
0x146: {  	v15 =	vld.idx.msk [tilespmem:v15+s8+$0x0], $0xffff;
	v25 =	vmul.f32 v25, v10;
	v26 =	vadd.f32 v32, v26;
	(erf) = vrcp.f32 v20  }
0x147: {  	v29 =	vld.idx.msk [tilespmem:v49+s8+$0x0], $0xffff;
	v53 =	vadd.s32 $0x4, v13;
	v13 =	vadd.s32 $0xA, v13;
	(erf) = vpow2.f32 v21  }
0x148: {  	v58 =	vmul.f32 v51, v8;
	v27 =	vld.idx.msk [tilespmem:v55+s8+$0x0], $0xffff;
	v39 =	vadd.s32 $0xA, v7;
	v25 =	vadd.f32 v25, v26  }
0x149: {  	v18 =	vmul.f32 v59, v14;
	v50 =	vadd.s32 $0x1, v7;
	v63 =	vld.idx.msk [tilespmem:v11+s8+$0x0], $0xffff;
	v60 =	vadd.s32 $0xA, v11  }
0x14a: {  	v36 =	vadd.s32 $0xA, v9;
	v25 =	vadd.f32 v58, v25;
	v62 =	vmul.f32 v33, v5;
	v30 =	vld.idx.msk [tilespmem:v47+s8+$0x0], $0xffff  }
0x14b: {  	v22 =	vadd.f32 v61, v22;
	v59 =	vadd.f32 v54, v24;
	v61 =	vadd.s32 $0x3, v11;
	v52 =	vld.idx.msk [tilespmem:v42+s8+$0x0], $0xffff  }
0x14c: {  	v14 =	vmul.f32 v15, v14;
	v37 =	vmul.f32 v29, v6;
	v13 =	vld.idx.msk [tilespmem:v13+s8+$0x0], $0xffff;
	v25 =	vadd.f32 v62, v25  }
0x14d: {  	v54 =	vadd.s32 $0x3, v7;
	v55 =	vadd.s32 $0x4, v7;
	v18 =	vadd.f32 v18, v19;
	v28 =	vld.idx.msk [tilespmem:v39+s8+$0x0], $0xffff  }
0x14e: {  	v51 =	vmul.f32 v27, v10;
	v14 =	vadd.f32 v14, v16;
	v25 =	vadd.f32 v37, v25;
	v20 =	vld.idx.msk [tilespmem:v60+s8+$0x0], $0xffff  }
0x14f: {  	v42 =	vadd.s32 $0x1, v9;
	v43 =	vld.idx.msk [tilespmem:v36+s8+$0x0], $0xffff;
	v41 =	vadd.s32 $0xA, v2;
	v30 =	vmul.f32 v30, v12;
	v26 =	vpop (erf)  }
0x150: {  	v15 =	vmul.f32 v52, v12;
	v52 =	vadd.s32 $0x2, v7;
	v7 =	vld.idx.msk [tilespmem:v7+s8+$0x0], $0xffff;
	v25 =	vsub.f32 $0.0e+00, v25;
	v44 =	vpop (erf)  }
0x151: {  	v19 =	vld.idx.msk [tilespmem:v53+s8+$0x0], $0xffff;
	v13 =	vmul.f32 v13, v12;
	v22 =	vadd.f32 v30, v22;
	v30 =	vadd.f32 $1.000000000e+00, v44  }
0x152: {  	v45 =	vadd.s32 $0x2, v9;
	v15 =	vadd.f32 v15, v23;
	v35 =	vld.idx.msk [tilespmem:v2+s8+$0x0], $0xffff;
	v25 =	vmul.f32 $1.442695020e+00, v25  }
0x153: {  	v38 =	vld.idx.msk [tilespmem:v57+s8+$0x0], $0xffff;
	v13 =	vadd.f32 v13, v14;
	v20 =	vmul.f32 v20, v10;
	(erf) = vrcp.f32 v30  }
0x154: {  	v11 =	vadd.s32 $0x4, v11;
	v28 =	vmul.f32 v28, v5;
	v48 =	vld.idx.msk [tilespmem:v41+s8+$0x0], $0xffff;
	(erf) = vpow2.f32 v25  }
0x155: {  	v49 =	vmul.f32 v43, v8;
	v15 =	vadd.f32 v51, v15;
	v62 =	vld.idx.msk [tilespmem:v54+s8+$0x0], $0xffff;
	v13 =	vadd.f32 v20, v13  }
0x156: {  	v7 =	vmul.f32 v7, v5;
	v57 =	vadd.s32 $0x1, v2;
	v37 =	vor.u32 s11, v0;
	v47 =	vld.idx.msk [tilespmem:v9+s8+$0x0], $0xffff  }
0x157: {  	v14 =	vld.idx.msk [tilespmem:v45+s8+$0x0], $0xffff;
	v21 =	vmul.f32 v56, v12;
	v12 =	vmul.f32 v19, v12;
	v13 =	vadd.f32 v49, v13  }
0x158: {  	v31 =	vmul.f32 v63, v10;
	v63 =	vadd.s32 $0x3, v2;
	v23 =	vmul.f32 v38, v10  }
0x159: {  	v40 =	vld.idx.msk [tilespmem:v61+s8+$0x0], $0xffff;
	v12 =	vadd.f32 v12, v17;
	v17 =	vmul.f32 v48, v6;
	v13 =	vadd.f32 v28, v13  }
0x15a: {  	v11 =	vld.idx.msk [tilespmem:v11+s8+$0x0], $0xffff;
	v46 =	vadd.s32 $0x3, v9;
	v9 =	vadd.s32 $0x4, v9;
	v16 =	vadd.f32 v31, v59  }
0x15b: {  	v59 =	vld.idx.msk [tilespmem:v52+s8+$0x0], $0xffff;
	v43 =	vmul.f32 v62, v5;
	v41 =	vmul.f32 v35, v6;
	v13 =	vadd.f32 v17, v13  }
0x15c: {  	v58 =	vmul.f32 v47, v8;
	v60 =	vadd.s32 $0x2, v2;
	v14 =	vmul.f32 v14, v8;
	v19 =	vld.idx.msk [tilespmem:v42+s8+$0x0], $0xffff;
	v32 =	vpop (erf)  }
0x15d: {  	v2 =	vadd.s32 $0x4, v2;
	v56 =	vld.idx.msk [tilespmem:v50+s8+$0x0], $0xffff;
	v50 =	vshll.u32 v37, $0x2;
	v13 =	vsub.f32 $0.0e+00, v13;
	v34 =	vpop (erf)  }
0x15e: {  	v33 =	vld.idx.msk [tilespmem:v55+s8+$0x0], $0xffff;
	v16 =	vadd.f32 v58, v16;
	v55 =	vor.u32 $0x2, v50;
	v25 =	vadd.f32 $1.000000000e+00, v34  }
0x15f: {  	v53 =	vld.idx.msk [tilespmem:v46+s8+$0x0], $0xffff;
	v18 =	vadd.f32 v21, v18;
	v21 =	vmul.f32 v40, v10;
	v13 =	vmul.f32 $1.442695020e+00, v13  }
0x160: {  	v9 =	vld.idx.msk [tilespmem:v9+s8+$0x0], $0xffff;
	v40 =	vmul.f32 v59, v5;
	v22 =	vadd.f32 v23, v22;
	(erf) = vrcp.f32 v25  }
0x161: {  	v7 =	vadd.f32 v7, v16;
	v18 =	vadd.f32 v21, v18;
	v21 =	vld.idx.msk [tilespmem:v57+s8+$0x0], $0xffff;
	(erf) = vpow2.f32 v13  }
0x162: {  	v10 =	vmul.f32 v11, v10;
	v38 =	vld.idx.msk [tilespmem:v60+s8+$0x0], $0xffff;
	v61 =	vmul.f32 v19, v8;
	v14 =	vadd.f32 v14, v22  }
0x163: {  	v11 =	vmul.f32 v56, v5;
	v5 =	vmul.f32 v33, v5;
	v7 =	vadd.f32 v41, v7  }
0x164: {  	v2 =	vld.idx.msk [tilespmem:v2+s8+$0x0], $0xffff;
	v56 =	vor.u32 $0x3, v50;
	v10 =	vadd.f32 v10, v12;
	v12 =	vadd.f32 v61, v15  }
0x165: {  	v19 =	vld.idx.msk [tilespmem:v63+s8+$0x0], $0xffff;
	v36 =	vmul.f32 v53, v8;
	v8 =	vmul.f32 v9, v8;
	v53 =	vor.u32 $0x1, v50  }
0x166: {  	v42 =	vadd.f32 v40, v14;
	v11 =	vadd.f32 v11, v12;
	v44 =	vmul.f32 v21, v6  }
0x167: {  	v7 =	vmul.f32 $5.000000000e+01, v7;
	v39 =	vadd.f32 v36, v18;
	v45 =	vmul.f32 v38, v6  }
0x168: {  	v9 =	vmul.u32 $0x7, v37;
	v8 =	vadd.f32 v8, v10;
	v47 =	vadd.f32 v44, v11  }
0x169: {  	v2 =	vmul.f32 v2, v6;
	v52 =	vadd.f32 $5.000000000e-01, v7;
	v48 =	vadd.f32 v45, v42;
	v51 =	vpop (erf)  }
0x16a: {  	v46 =	vmul.f32 v19, v6;
	v5 =	vadd.f32 v5, v8;
	v8 =	vmul.f32 $5.000000000e+01, v47;
	v54 =	vpop (erf)  }
0x16b: {  	v10 =	vmul.f32 $5.000000000e+01, v48;
	v13 =	vadd.f32 v43, v39;
	v14 =	vadd.f32 $1.000000000e+00, v54  }
0x16c: {  	v59 =	vadd.s32 $0x1, v9;
	v2 =	vadd.f32 v2, v5;
	v57 =	vadd.f32 $5.000000000e-01, v8  }
0x16d: {  	[tilespmem:v50+s29+$0x0] =	vst.idx.msk $0xffff, v52;
	v58 =	vadd.f32 $5.000000000e-01, v10;
	v49 =	vadd.f32 v46, v13;
	(erf) = vrcp.f32 v14  }
0x16e: {  	v60 =	vadd.s32 $0x2, v9;
	[tilespmem:v53+s29+$0x0] =	vst.idx.msk $0xffff, v57  }
0x16f: {  	v62 =	vadd.s32 $0x3, v9;
	v2 =	vmax.f32 v2, $1.000000010e-01;
	[tilespmem:v55+s29+$0x0] =	vst.idx.msk $0xffff, v58;
	v61 =	vmax.f32 v49, $1.000000050e-03  }
0x170: {  	v63 =	vadd.s32 $0x4, v9;
	v3 =	vmul.f32 v26, v3;
	v2 =	vmin.f32 v2, $1.000000000e+00;
	[tilespmem:v56+s29+$0x0] =	vst.idx.msk $0xffff, v61  }
0x171: {  	v1 =	vmul.f32 v26, v1;
	[tilespmem:v9+s30+$0x0] =	vst.idx.msk $0xffff, v2;
	v2 =	vadd.s32 $0x5, v9  }
0x172: {  	p0 =	sne.s32 s11, $0x7F0;
	v4 =	vmul.f32 v26, v4;
	[tilespmem:v59+s30+$0x0] =	vst.idx.msk $0xffff, v3;
	v3 =	vadd.s32 $0x6, v9  }
.Ltmp3:
0x173: {  	[tilespmem:v60+s30+$0x0] =	vst.idx.msk $0xffff, v1;
	(pc) =	sbr.rel @p0 .LBB2_5-.Ltmp3, $4  }
0x174: {  	[tilespmem:v62+s30+$0x0] =	vst.idx.msk $0xffff, v4  }
0x175: {  	[tilespmem:v63+s30+$0x0] =	vst.idx.msk $0xffff, v32  }
0x176: {  	s12 =	sadd.s32 $0x10, s12;
	[tilespmem:v2+s30+$0x0] =	vst.idx.msk $0xffff, v51;
	v1 =	vpop (erf)  }
0x177: {  	s13 =	sadd.s32 $0x10, s13;
	s14 =	sadd.s32 $0x10, s14;
	s11 =	sadd.s32 $0x10, s11;
	[tilespmem:v3+s30+$0x0] =	vst.idx.msk $0xffff, v1  }
0x178: {  	s11 =	sshrl.u32 s10, $0x1;
	s14 =	smul.u32 $0x7, s10  }
.Ltmp4:
0x179: {  	s11 =	sadd.s32 s6, s11;
	(pc) =	sbr.rel @p1 .LBB2_8-.Ltmp4, $4  }
0x17a: {  	[hbm4b:s11+s8] =	stream.linear.scatter [tilespmem:s29], [sflag:$0x4], $0x2000, $0x38;
	[tilespmem:$0x1B380] =	vst v63  }
0x17b: {  	s10 =	sshrl.u32 s14, $0x3  }
0x17c: {  	s10 =	sadd.s32 s7, s10  }
0x17d: {  	[hbm4b:s10+s8] =	stream.linear.scatter [tilespmem:s30], [sflag:$0x6], $0x3800, $0x38;
	[tilespmem:$0x1B380] =	vst v63  }
0x17e: {  	s10 =	sshrl.u32 s20, $0x3  }
0x17f: {  	s10 =	sadd.s32 $0x300, s10  }
0x180: {  	s11 =	sadd.s32 s0, s10  }
0x181: {  	[tilespmem:s21], [sflag:$0x2] =	stream.linear.gather [hbm4b:s11+s8], $0x800, $0x38;
	[tilespmem:$0x1B380] =	vst v63  }
.Ltmp5:
0x182: {  	_ = 	snop;
	(pc) =	sbr.rel .LBB2_2-.Ltmp5, $4  }
0x183: {  	s20 =	sadd.s32 s2, s10  }
0x184: {  	[tilespmem:s22], [sflag:$0x2] =	stream.linear.gather [hbm4b:s20+s8], $0x800, $0x38;
	[tilespmem:$0x1B380] =	vst v63  }
0x185: {  	s19 =	sadd.s32 $0x1, s19;
	s10 =	sadd.s32 s3, s10  }
0x186: {  	[tilespmem:s23], [sflag:$0x2] =	stream.linear.gather [hbm4b:s10+s8], $0x800, $0x38;
	[tilespmem:$0x1B380] =	vst v63  }
.LBB2_9:
0x187: {  	_ =	sfence.sel $0x180000  }
0x188: {  	[bflag:$0x0] =	sbarrier.arrive $0xFFFF  }
0x189: {  	_ =	strace $0x90000047  }
0x18a: {  	s0 =	stileid.u32;
	[bflag:$0x2] =	sbarrier.arrive $0xFFFF  }
0x18b: {  	p0 =	sne.s32 s0, $0x0;
	s0 =	rddreg [dreg:$0x6]  }
0x18c: {  	s0 =	sadd.s32 @!p0 $0x100000, s0  }
0x18d: {  	[sflag:s0] =	ssyncadd.tile.s32 @!p0 $0x1;
	_ =	shalt  }
.Lfunc_end2:
_tile_overlayer_lowered:
.L_overlay_start_2:
0x18e: {  	(tag) =	ssettag $0x2  }
0x18f: {  	s0 =	rddreg [dreg:$0x0];
	s2 =	stileid.u32  }
0x190: {  	s1 =	rddreg [dreg:$0x1];
	p0 =	sne.s32 s2, $0x0  }
0x191: {  	s3 =	rddreg [dreg:$0x2];
	[bflag:$0x3] =	sbarrier.arrive $0xFFFF;
	s2 =	simm.s32 @!p0 $0x1C07  }
0x192: {  	[timem:s3], [sflag:s2] =	dma.local @!p0 [hbm:s0], s1  }
0x193: {  	s0 =	simm.s32 @!p0 $0x7  }
0x194: {  	_ =	swait.ge @!p0 [sflag:s0], s1  }
0x195: {  	s1 =	ssub.s32 @!p0 $0x0, s1;
	[sflag:s0] =	ssyncset.done @!p0 $0x0  }
0x196: {  	[sflag:s0] =	ssyncadd.s32 @!p0 s1  }
0x197: {  	[bflag:$0x3] =	sbarrier.arrive $0xFFFF  }
0x198: {  	_ =	shalt  }

</sc_bundles>
